<compile_context>
chip_gen: v7x
topology: tpu7x:2x2x1
jax: 0.10.2.dev20260603
libtpu: 0.0.44.dev20260713+nightly
codegen_flags: <defaults>
</compile_context>

<pallas_src>
import functools

import jax
import jax.numpy as jnp
from jax import lax
from jax.experimental import pallas as pl
from jax.experimental.pallas import tpu as pltpu
from jax.experimental.pallas import tpu_sc as plsc

BATCH = 16384
SEQ = 50
EMBED_DIM = 64
VOCAB_ROWS = 1000000

_info = plsc.get_sparse_core_info()
_NC = _info.num_cores
_NS = _info.num_subcores
_NW = _NC * _NS
_RPW = BATCH // _NW

_NBUF = 4
_LEAD = 2
_CROWS = 8
_NCHUNK = _RPW // _CROWS
_NGROUP = _NCHUNK // _NBUF

_mesh = plsc.VectorSubcoreMesh(core_axis_name="c", subcore_axis_name="s")


@functools.partial(
    pl.kernel,
    mesh=_mesh,
    out_type=jax.ShapeDtypeStruct((BATCH, SEQ, EMBED_DIM), jnp.float32),
    scratch_types=[
        pltpu.VMEM((_RPW, SEQ), jnp.int32),
        pltpu.VMEM((_NBUF, _CROWS, SEQ, EMBED_DIM), jnp.float32),
        pltpu.SemaphoreType.DMA,
        pltpu.SemaphoreType.DMA,
        pltpu.SemaphoreType.DMA,
        pltpu.SemaphoreType.DMA,
        pltpu.SemaphoreType.DMA,
        pltpu.SemaphoreType.DMA,
        pltpu.SemaphoreType.DMA,
        pltpu.SemaphoreType.DMA,
    ],
    compiler_params=pltpu.CompilerParams(use_tc_tiling_on_sc=False),
)
def _emb_lookup(idx_hbm, table_hbm, out_hbm, idx_all, rows,
                g0, g1, g2, g3, w0, w1, w2, w3):
    gsems = (g0, g1, g2, g3)
    wsems = (w0, w1, w2, w3)
    wid = lax.axis_index("s") * _NC + lax.axis_index("c")
    row0 = wid * _RPW

    pltpu.sync_copy(idx_hbm.at[pl.ds(row0, _RPW), :], idx_all)

    def start_gather(slot, chunk):
        for r in range(_CROWS):
            pltpu.async_copy(
                table_hbm.at[idx_all.at[chunk * _CROWS + r, :]],
                rows.at[slot].at[r], gsems[slot])

    def wait_gather(slot):
        for r in range(_CROWS):
            pltpu.make_async_copy(
                table_hbm.at[idx_all.at[0, :]],
                rows.at[slot].at[r], gsems[slot]).wait()

    def start_wb(slot, chunk):
        pltpu.async_copy(
            rows.at[slot],
            out_hbm.at[pl.ds(row0 + chunk * _CROWS, _CROWS), :, :],
            wsems[slot])

    def wait_wb(slot):
        pltpu.make_async_copy(
            rows.at[slot],
            out_hbm.at[pl.ds(row0, _CROWS), :, :], wsems[slot]).wait()

    for b in range(_LEAD):
        start_gather(b, b)

    def group(g, carry):
        for b in range(_NBUF):
            i = g * _NBUF + b
            wait_gather(b)
            start_wb(b, i)
            j = i + _LEAD
            sj = (b + _LEAD) % _NBUF

            @pl.when(j < _NCHUNK)
            def _():
                @pl.when(j >= _NBUF)
                def _():
                    wait_wb(sj)
                start_gather(sj, j)
        return carry

    lax.fori_loop(0, _NGROUP, group, 0)

    for b in range(_NBUF):
        wait_wb(b)


def kernel(questions_tensor, table):
    q2 = questions_tensor * 2
    tpad = jnp.pad(table, ((0, 0), (0, 64)))
    t2 = tpad.reshape(2 * VOCAB_ROWS, EMBED_DIM)
    return _emb_lookup(q2, t2)

# --- scband reference (transcript-rebuilt; emitter-appended) ---
"""Pipeline reference for scband-embedding-17678085391126 (READ-ONLY COPY).

The authoritative reference and input builder live on the scoring server;
editing this copy changes nothing except your own understanding.
"""

import jax, jax.numpy as jnp
import numpy as np

VOCAB = 1000000
EMBED_DIM = 64
BATCH = 16384
SEQ = 50

def setup_inputs(seed: int = 0) -> dict:
    key = jax.random.key(seed)
    k1, k2 = jax.random.split(key)
    questions_tensor = jax.random.randint(k1, (BATCH, SEQ), 0, VOCAB, dtype=jnp.int64 if jax.config.jax_enable_x64 else jnp.int32).astype(jnp.int32)
    table = jax.random.normal(k2, (VOCAB, EMBED_DIM), dtype=jnp.float32)
    return {"questions_tensor": questions_tensor, "table": table}

def reference(questions_tensor, table):
    # Word2vec/GloVe/Fasttext path: embedded = dropout(embedding(questions_tensor)).
    # Dropout is identity at inference; the core op is the embedding gather.
    embedded = jnp.take(table, questions_tensor, axis=0)
    return embedded

if __name__ == "__main__":
    import jax
    _d = setup_inputs()
    print(jax.jit(kernel)(*tuple(_d.values())))

</pallas_src>

<mosaic_0001>
#map = affine_map<(d0, d1) -> (0, 0)>
#map1 = affine_map<(d0, d1) -> (0, 0, 0)>
module attributes {stable_mosaic.version = 14 : i64} {
  func.func @_emb_lookup(%arg0: i32, %arg1: i32, %arg2: memref<16384x50xi32, #tpu.memory_space<hbm>>, %arg3: memref<2000000x64xf32, #tpu.memory_space<hbm>>, %arg4: memref<16384x50x64xf32, #tpu.memory_space<hbm>>, %arg5: memref<512x50xi32, #tpu.memory_space<vmem>>, %arg6: memref<4x8x50x64xf32, #tpu.memory_space<vmem>>, %arg7: memref<!tpu.dma_semaphore, #tpu.memory_space<semaphore_mem>>, %arg8: memref<!tpu.dma_semaphore, #tpu.memory_space<semaphore_mem>>, %arg9: memref<!tpu.dma_semaphore, #tpu.memory_space<semaphore_mem>>, %arg10: memref<!tpu.dma_semaphore, #tpu.memory_space<semaphore_mem>>, %arg11: memref<!tpu.dma_semaphore, #tpu.memory_space<semaphore_mem>>, %arg12: memref<!tpu.dma_semaphore, #tpu.memory_space<semaphore_mem>>, %arg13: memref<!tpu.dma_semaphore, #tpu.memory_space<semaphore_mem>>, %arg14: memref<!tpu.dma_semaphore, #tpu.memory_space<semaphore_mem>>) attributes {dimension_semantics = [#tpu.dimension_semantics<core_parallel>, #tpu.dimension_semantics<subcore_parallel>], iteration_bounds = array<i64: 2, 16>, scalar_prefetch = 0 : i64, scratch_operands = 10 : i64, tpu.core_type = #tpu.core_type<sc_vector_subcore>, window_params = [{transform_indices = #map}, {transform_indices = #map}, {transform_indices = #map1}]} {
    %mul3A = arith.constant 2 : i32
    %mul3A_0 = arith.muli %arg1, %mul3A : i32
    %add3A = arith.addi %mul3A_0, %arg0 : i32
    %mul3A_1 = arith.constant 512 : i32
    %mul3A_2 = arith.muli %add3A, %mul3A_1 : i32
    "tpu.region"() ({
      %run_scoped3A = tpu.sem_alloc : memref<!tpu.dma_semaphore, #tpu.memory_space<semaphore_mem>>
      %dma_start3A_362 = arith.constant 0 : i32
      %dma_start3A_363 = tpu.memref_slice %arg2[%mul3A_2, %dma_start3A_362] : memref<16384x50xi32, #tpu.memory_space<hbm>> -> memref<512x50xi32, #tpu.memory_space<hbm>>
      %dma_start3A_364 = arith.constant 0 : i32
      %dma_start3A_365 = tpu.memref_slice %arg2[%mul3A_2, %dma_start3A_364] : memref<16384x50xi32, #tpu.memory_space<hbm>> -> memref<512x50xi32, #tpu.memory_space<hbm>>
      tpu.enqueue_dma source(%dma_start3A_365 : memref<512x50xi32, #tpu.memory_space<hbm>>) target(%arg5 : memref<512x50xi32, #tpu.memory_space<vmem>>) target_semaphore(%run_scoped3A : memref<!tpu.dma_semaphore, #tpu.memory_space<semaphore_mem>>)
      %dma_wait3A_366 = arith.constant 0 : i32
      %dma_wait3A_367 = tpu.memref_slice %arg2[%mul3A_2, %dma_wait3A_366] : memref<16384x50xi32, #tpu.memory_space<hbm>> -> memref<512x50xi32, #tpu.memory_space<hbm>>
      %dma_wait3A_368 = arith.constant 0 : i32
      %dma_wait3A_369 = tpu.memref_slice %arg2[%mul3A_2, %dma_wait3A_368] : memref<16384x50xi32, #tpu.memory_space<hbm>> -> memref<512x50xi32, #tpu.memory_space<hbm>>
      tpu.wait_dma2 semaphore(%run_scoped3A : memref<!tpu.dma_semaphore, #tpu.memory_space<semaphore_mem>>) src(%dma_wait3A_369 : memref<512x50xi32, #tpu.memory_space<hbm>>) dst(%arg5 : memref<512x50xi32, #tpu.memory_space<vmem>>)
      tpu.yield
    }) : () -> ()
    %dma_start3A = arith.constant 0 : i32
    %dma_start3A_3 = arith.constant 0 : i32
    %dma_start3A_4 = arith.constant 0 : i32
    %dma_start3A_5 = arith.constant 0 : i32
    %dma_start3A_6 = arith.constant 0 : i32
    %dma_start3A_7 = arith.constant 0 : i32
    %dma_start3A_8 = tpu.memref_slice %arg6[%dma_start3A_3, %dma_start3A_5, %dma_start3A_6, %dma_start3A_7] : memref<4x8x50x64xf32, #tpu.memory_space<vmem>> -> memref<1x8x50x64xf32, #tpu.memory_space<vmem>>
    %dma_start3A_9 = tpu.memref_squeeze %dma_start3A_8 : memref<1x8x50x64xf32, #tpu.memory_space<vmem>> -> memref<8x50x64xf32, #tpu.memory_space<vmem>>
    %dma_start3A_10 = arith.constant 0 : i32
    %dma_start3A_11 = arith.constant 0 : i32
    %dma_start3A_12 = tpu.memref_slice %dma_start3A_9[%dma_start3A_4, %dma_start3A_10, %dma_start3A_11] : memref<8x50x64xf32, #tpu.memory_space<vmem>> -> memref<1x50x64xf32, #tpu.memory_space<vmem>>
    %dma_start3A_13 = tpu.memref_squeeze %dma_start3A_12 : memref<1x50x64xf32, #tpu.memory_space<vmem>> -> memref<50x64xf32, #tpu.memory_space<vmem>>
    %dma_start3A_14 = arith.constant 0 : i32
    %dma_start3A_15 = tpu.memref_slice %arg5[%dma_start3A, %dma_start3A_14] : memref<512x50xi32, #tpu.memory_space<vmem>> -> memref<1x50xi32, #tpu.memory_space<vmem>>
    %dma_start3A_16 = tpu.memref_squeeze %dma_start3A_15 : memref<1x50xi32, #tpu.memory_space<vmem>> -> memref<50xi32, #tpu.memory_space<vmem>>
    %dma_start3A_17 = arith.constant 0 : i32
    %dma_start3A_18 = arith.constant 0 : i32
    %dma_start3A_19 = tpu.memref_slice %arg3[%dma_start3A_17, %dma_start3A_18] : memref<2000000x64xf32, #tpu.memory_space<hbm>> -> memref<2000000x64xf32, #tpu.memory_space<hbm>>
    tpu.enqueue_indirect_dma source(%dma_start3A_19 : memref<2000000x64xf32, #tpu.memory_space<hbm>>) target(%dma_start3A_13 : memref<50x64xf32, #tpu.memory_space<vmem>>) offsets(%dma_start3A_16 : memref<50xi32, #tpu.memory_space<vmem>>) semaphore(%arg7 : memref<!tpu.dma_semaphore, #tpu.memory_space<semaphore_mem>>)
    %dma_start3A_20 = arith.constant 1 : i32
    %dma_start3A_21 = arith.constant 0 : i32
    %dma_start3A_22 = arith.constant 1 : i32
    %dma_start3A_23 = arith.constant 0 : i32
    %dma_start3A_24 = arith.constant 0 : i32
    %dma_start3A_25 = arith.constant 0 : i32
    %dma_start3A_26 = tpu.memref_slice %arg6[%dma_start3A_21, %dma_start3A_23, %dma_start3A_24, %dma_start3A_25] : memref<4x8x50x64xf32, #tpu.memory_space<vmem>> -> memref<1x8x50x64xf32, #tpu.memory_space<vmem>>
    %dma_start3A_27 = tpu.memref_squeeze %dma_start3A_26 : memref<1x8x50x64xf32, #tpu.memory_space<vmem>> -> memref<8x50x64xf32, #tpu.memory_space<vmem>>
    %dma_start3A_28 = arith.constant 0 : i32
    %dma_start3A_29 = arith.constant 0 : i32
    %dma_start3A_30 = tpu.memref_slice %dma_start3A_27[%dma_start3A_22, %dma_start3A_28, %dma_start3A_29] : memref<8x50x64xf32, #tpu.memory_space<vmem>> -> memref<1x50x64xf32, #tpu.memory_space<vmem>>
    %dma_start3A_31 = tpu.memref_squeeze %dma_start3A_30 : memref<1x50x64xf32, #tpu.memory_space<vmem>> -> memref<50x64xf32, #tpu.memory_space<vmem>>
    %dma_start3A_32 = arith.constant 0 : i32
    %dma_start3A_33 = tpu.memref_slice %arg5[%dma_start3A_20, %dma_start3A_32] : memref<512x50xi32, #tpu.memory_space<vmem>> -> memref<1x50xi32, #tpu.memory_space<vmem>>
    %dma_start3A_34 = tpu.memref_squeeze %dma_start3A_33 : memref<1x50xi32, #tpu.memory_space<vmem>> -> memref<50xi32, #tpu.memory_space<vmem>>
    %dma_start3A_35 = arith.constant 0 : i32
    %dma_start3A_36 = arith.constant 0 : i32
    %dma_start3A_37 = tpu.memref_slice %arg3[%dma_start3A_35, %dma_start3A_36] : memref<2000000x64xf32, #tpu.memory_space<hbm>> -> memref<2000000x64xf32, #tpu.memory_space<hbm>>
    tpu.enqueue_indirect_dma source(%dma_start3A_37 : memref<2000000x64xf32, #tpu.memory_space<hbm>>) target(%dma_start3A_31 : memref<50x64xf32, #tpu.memory_space<vmem>>) offsets(%dma_start3A_34 : memref<50xi32, #tpu.memory_space<vmem>>) semaphore(%arg7 : memref<!tpu.dma_semaphore, #tpu.memory_space<semaphore_mem>>)
    %dma_start3A_38 = arith.constant 2 : i32
    %dma_start3A_39 = arith.constant 0 : i32
    %dma_start3A_40 = arith.constant 2 : i32
    %dma_start3A_41 = arith.constant 0 : i32
    %dma_start3A_42 = arith.constant 0 : i32
    %dma_start3A_43 = arith.constant 0 : i32
    %dma_start3A_44 = tpu.memref_slice %arg6[%dma_start3A_39, %dma_start3A_41, %dma_start3A_42, %dma_start3A_43] : memref<4x8x50x64xf32, #tpu.memory_space<vmem>> -> memref<1x8x50x64xf32, #tpu.memory_space<vmem>>
    %dma_start3A_45 = tpu.memref_squeeze %dma_start3A_44 : memref<1x8x50x64xf32, #tpu.memory_space<vmem>> -> memref<8x50x64xf32, #tpu.memory_space<vmem>>
    %dma_start3A_46 = arith.constant 0 : i32
    %dma_start3A_47 = arith.constant 0 : i32
    %dma_start3A_48 = tpu.memref_slice %dma_start3A_45[%dma_start3A_40, %dma_start3A_46, %dma_start3A_47] : memref<8x50x64xf32, #tpu.memory_space<vmem>> -> memref<1x50x64xf32, #tpu.memory_space<vmem>>
    %dma_start3A_49 = tpu.memref_squeeze %dma_start3A_48 : memref<1x50x64xf32, #tpu.memory_space<vmem>> -> memref<50x64xf32, #tpu.memory_space<vmem>>
    %dma_start3A_50 = arith.constant 0 : i32
    %dma_start3A_51 = tpu.memref_slice %arg5[%dma_start3A_38, %dma_start3A_50] : memref<512x50xi32, #tpu.memory_space<vmem>> -> memref<1x50xi32, #tpu.memory_space<vmem>>
    %dma_start3A_52 = tpu.memref_squeeze %dma_start3A_51 : memref<1x50xi32, #tpu.memory_space<vmem>> -> memref<50xi32, #tpu.memory_space<vmem>>
    %dma_start3A_53 = arith.constant 0 : i32
    %dma_start3A_54 = arith.constant 0 : i32
    %dma_start3A_55 = tpu.memref_slice %arg3[%dma_start3A_53, %dma_start3A_54] : memref<2000000x64xf32, #tpu.memory_space<hbm>> -> memref<2000000x64xf32, #tpu.memory_space<hbm>>
    tpu.enqueue_indirect_dma source(%dma_start3A_55 : memref<2000000x64xf32, #tpu.memory_space<hbm>>) target(%dma_start3A_49 : memref<50x64xf32, #tpu.memory_space<vmem>>) offsets(%dma_start3A_52 : memref<50xi32, #tpu.memory_space<vmem>>) semaphore(%arg7 : memref<!tpu.dma_semaphore, #tpu.memory_space<semaphore_mem>>)
    %dma_start3A_56 = arith.constant 3 : i32
    %dma_start3A_57 = arith.constant 0 : i32
    %dma_start3A_58 = arith.constant 3 : i32
    %dma_start3A_59 = arith.constant 0 : i32
    %dma_start3A_60 = arith.constant 0 : i32
    %dma_start3A_61 = arith.constant 0 : i32
    %dma_start3A_62 = tpu.memref_slice %arg6[%dma_start3A_57, %dma_start3A_59, %dma_start3A_60, %dma_start3A_61] : memref<4x8x50x64xf32, #tpu.memory_space<vmem>> -> memref<1x8x50x64xf32, #tpu.memory_space<vmem>>
    %dma_start3A_63 = tpu.memref_squeeze %dma_start3A_62 : memref<1x8x50x64xf32, #tpu.memory_space<vmem>> -> memref<8x50x64xf32, #tpu.memory_space<vmem>>
    %dma_start3A_64 = arith.constant 0 : i32
    %dma_start3A_65 = arith.constant 0 : i32
    %dma_start3A_66 = tpu.memref_slice %dma_start3A_63[%dma_start3A_58, %dma_start3A_64, %dma_start3A_65] : memref<8x50x64xf32, #tpu.memory_space<vmem>> -> memref<1x50x64xf32, #tpu.memory_space<vmem>>
    %dma_start3A_67 = tpu.memref_squeeze %dma_start3A_66 : memref<1x50x64xf32, #tpu.memory_space<vmem>> -> memref<50x64xf32, #tpu.memory_space<vmem>>
    %dma_start3A_68 = arith.constant 0 : i32
    %dma_start3A_69 = tpu.memref_slice %arg5[%dma_start3A_56, %dma_start3A_68] : memref<512x50xi32, #tpu.memory_space<vmem>> -> memref<1x50xi32, #tpu.memory_space<vmem>>
    %dma_start3A_70 = tpu.memref_squeeze %dma_start3A_69 : memref<1x50xi32, #tpu.memory_space<vmem>> -> memref<50xi32, #tpu.memory_space<vmem>>
    %dma_start3A_71 = arith.constant 0 : i32
    %dma_start3A_72 = arith.constant 0 : i32
    %dma_start3A_73 = tpu.memref_slice %arg3[%dma_start3A_71, %dma_start3A_72] : memref<2000000x64xf32, #tpu.memory_space<hbm>> -> memref<2000000x64xf32, #tpu.memory_space<hbm>>
    tpu.enqueue_indirect_dma source(%dma_start3A_73 : memref<2000000x64xf32, #tpu.memory_space<hbm>>) target(%dma_start3A_67 : memref<50x64xf32, #tpu.memory_space<vmem>>) offsets(%dma_start3A_70 : memref<50xi32, #tpu.memory_space<vmem>>) semaphore(%arg7 : memref<!tpu.dma_semaphore, #tpu.memory_space<semaphore_mem>>)
    %dma_start3A_74 = arith.constant 4 : i32
    %dma_start3A_75 = arith.constant 0 : i32
    %dma_start3A_76 = arith.constant 4 : i32
    %dma_start3A_77 = arith.constant 0 : i32
    %dma_start3A_78 = arith.constant 0 : i32
    %dma_start3A_79 = arith.constant 0 : i32
    %dma_start3A_80 = tpu.memref_slice %arg6[%dma_start3A_75, %dma_start3A_77, %dma_start3A_78, %dma_start3A_79] : memref<4x8x50x64xf32, #tpu.memory_space<vmem>> -> memref<1x8x50x64xf32, #tpu.memory_space<vmem>>
    %dma_start3A_81 = tpu.memref_squeeze %dma_start3A_80 : memref<1x8x50x64xf32, #tpu.memory_space<vmem>> -> memref<8x50x64xf32, #tpu.memory_space<vmem>>
    %dma_start3A_82 = arith.constant 0 : i32
    %dma_start3A_83 = arith.constant 0 : i32
    %dma_start3A_84 = tpu.memref_slice %dma_start3A_81[%dma_start3A_76, %dma_start3A_82, %dma_start3A_83] : memref<8x50x64xf32, #tpu.memory_space<vmem>> -> memref<1x50x64xf32, #tpu.memory_space<vmem>>
    %dma_start3A_85 = tpu.memref_squeeze %dma_start3A_84 : memref<1x50x64xf32, #tpu.memory_space<vmem>> -> memref<50x64xf32, #tpu.memory_space<vmem>>
    %dma_start3A_86 = arith.constant 0 : i32
    %dma_start3A_87 = tpu.memref_slice %arg5[%dma_start3A_74, %dma_start3A_86] : memref<512x50xi32, #tpu.memory_space<vmem>> -> memref<1x50xi32, #tpu.memory_space<vmem>>
    %dma_start3A_88 = tpu.memref_squeeze %dma_start3A_87 : memref<1x50xi32, #tpu.memory_space<vmem>> -> memref<50xi32, #tpu.memory_space<vmem>>
    %dma_start3A_89 = arith.constant 0 : i32
    %dma_start3A_90 = arith.constant 0 : i32
    %dma_start3A_91 = tpu.memref_slice %arg3[%dma_start3A_89, %dma_start3A_90] : memref<2000000x64xf32, #tpu.memory_space<hbm>> -> memref<2000000x64xf32, #tpu.memory_space<hbm>>
    tpu.enqueue_indirect_dma source(%dma_start3A_91 : memref<2000000x64xf32, #tpu.memory_space<hbm>>) target(%dma_start3A_85 : memref<50x64xf32, #tpu.memory_space<vmem>>) offsets(%dma_start3A_88 : memref<50xi32, #tpu.memory_space<vmem>>) semaphore(%arg7 : memref<!tpu.dma_semaphore, #tpu.memory_space<semaphore_mem>>)
    %dma_start3A_92 = arith.constant 5 : i32
    %dma_start3A_93 = arith.constant 0 : i32
    %dma_start3A_94 = arith.constant 5 : i32
    %dma_start3A_95 = arith.constant 0 : i32
    %dma_start3A_96 = arith.constant 0 : i32
    %dma_start3A_97 = arith.constant 0 : i32
    %dma_start3A_98 = tpu.memref_slice %arg6[%dma_start3A_93, %dma_start3A_95, %dma_start3A_96, %dma_start3A_97] : memref<4x8x50x64xf32, #tpu.memory_space<vmem>> -> memref<1x8x50x64xf32, #tpu.memory_space<vmem>>
    %dma_start3A_99 = tpu.memref_squeeze %dma_start3A_98 : memref<1x8x50x64xf32, #tpu.memory_space<vmem>> -> memref<8x50x64xf32, #tpu.memory_space<vmem>>
    %dma_start3A_100 = arith.constant 0 : i32
    %dma_start3A_101 = arith.constant 0 : i32
    %dma_start3A_102 = tpu.memref_slice %dma_start3A_99[%dma_start3A_94, %dma_start3A_100, %dma_start3A_101] : memref<8x50x64xf32, #tpu.memory_space<vmem>> -> memref<1x50x64xf32, #tpu.memory_space<vmem>>
    %dma_start3A_103 = tpu.memref_squeeze %dma_start3A_102 : memref<1x50x64xf32, #tpu.memory_space<vmem>> -> memref<50x64xf32, #tpu.memory_space<vmem>>
    %dma_start3A_104 = arith.constant 0 : i32
    %dma_start3A_105 = tpu.memref_slice %arg5[%dma_start3A_92, %dma_start3A_104] : memref<512x50xi32, #tpu.memory_space<vmem>> -> memref<1x50xi32, #tpu.memory_space<vmem>>
    %dma_start3A_106 = tpu.memref_squeeze %dma_start3A_105 : memref<1x50xi32, #tpu.memory_space<vmem>> -> memref<50xi32, #tpu.memory_space<vmem>>
    %dma_start3A_107 = arith.constant 0 : i32
    %dma_start3A_108 = arith.constant 0 : i32
    %dma_start3A_109 = tpu.memref_slice %arg3[%dma_start3A_107, %dma_start3A_108] : memref<2000000x64xf32, #tpu.memory_space<hbm>> -> memref<2000000x64xf32, #tpu.memory_space<hbm>>
    tpu.enqueue_indirect_dma source(%dma_start3A_109 : memref<2000000x64xf32, #tpu.memory_space<hbm>>) target(%dma_start3A_103 : memref<50x64xf32, #tpu.memory_space<vmem>>) offsets(%dma_start3A_106 : memref<50xi32, #tpu.memory_space<vmem>>) semaphore(%arg7 : memref<!tpu.dma_semaphore, #tpu.memory_space<semaphore_mem>>)
    %dma_start3A_110 = arith.constant 6 : i32
    %dma_start3A_111 = arith.constant 0 : i32
    %dma_start3A_112 = arith.constant 6 : i32
    %dma_start3A_113 = arith.constant 0 : i32
    %dma_start3A_114 = arith.constant 0 : i32
    %dma_start3A_115 = arith.constant 0 : i32
    %dma_start3A_116 = tpu.memref_slice %arg6[%dma_start3A_111, %dma_start3A_113, %dma_start3A_114, %dma_start3A_115] : memref<4x8x50x64xf32, #tpu.memory_space<vmem>> -> memref<1x8x50x64xf32, #tpu.memory_space<vmem>>
    %dma_start3A_117 = tpu.memref_squeeze %dma_start3A_116 : memref<1x8x50x64xf32, #tpu.memory_space<vmem>> -> memref<8x50x64xf32, #tpu.memory_space<vmem>>
    %dma_start3A_118 = arith.constant 0 : i32
    %dma_start3A_119 = arith.constant 0 : i32
    %dma_start3A_120 = tpu.memref_slice %dma_start3A_117[%dma_start3A_112, %dma_start3A_118, %dma_start3A_119] : memref<8x50x64xf32, #tpu.memory_space<vmem>> -> memref<1x50x64xf32, #tpu.memory_space<vmem>>
    %dma_start3A_121 = tpu.memref_squeeze %dma_start3A_120 : memref<1x50x64xf32, #tpu.memory_space<vmem>> -> memref<50x64xf32, #tpu.memory_space<vmem>>
    %dma_start3A_122 = arith.constant 0 : i32
    %dma_start3A_123 = tpu.memref_slice %arg5[%dma_start3A_110, %dma_start3A_122] : memref<512x50xi32, #tpu.memory_space<vmem>> -> memref<1x50xi32, #tpu.memory_space<vmem>>
    %dma_start3A_124 = tpu.memref_squeeze %dma_start3A_123 : memref<1x50xi32, #tpu.memory_space<vmem>> -> memref<50xi32, #tpu.memory_space<vmem>>
    %dma_start3A_125 = arith.constant 0 : i32
    %dma_start3A_126 = arith.constant 0 : i32
    %dma_start3A_127 = tpu.memref_slice %arg3[%dma_start3A_125, %dma_start3A_126] : memref<2000000x64xf32, #tpu.memory_space<hbm>> -> memref<2000000x64xf32, #tpu.memory_space<hbm>>
    tpu.enqueue_indirect_dma source(%dma_start3A_127 : memref<2000000x64xf32, #tpu.memory_space<hbm>>) target(%dma_start3A_121 : memref<50x64xf32, #tpu.memory_space<vmem>>) offsets(%dma_start3A_124 : memref<50xi32, #tpu.memory_space<vmem>>) semaphore(%arg7 : memref<!tpu.dma_semaphore, #tpu.memory_space<semaphore_mem>>)
    %dma_start3A_128 = arith.constant 7 : i32
    %dma_start3A_129 = arith.constant 0 : i32
    %dma_start3A_130 = arith.constant 7 : i32
    %dma_start3A_131 = arith.constant 0 : i32
    %dma_start3A_132 = arith.constant 0 : i32
    %dma_start3A_133 = arith.constant 0 : i32
    %dma_start3A_134 = tpu.memref_slice %arg6[%dma_start3A_129, %dma_start3A_131, %dma_start3A_132, %dma_start3A_133] : memref<4x8x50x64xf32, #tpu.memory_space<vmem>> -> memref<1x8x50x64xf32, #tpu.memory_space<vmem>>
    %dma_start3A_135 = tpu.memref_squeeze %dma_start3A_134 : memref<1x8x50x64xf32, #tpu.memory_space<vmem>> -> memref<8x50x64xf32, #tpu.memory_space<vmem>>
    %dma_start3A_136 = arith.constant 0 : i32
    %dma_start3A_137 = arith.constant 0 : i32
    %dma_start3A_138 = tpu.memref_slice %dma_start3A_135[%dma_start3A_130, %dma_start3A_136, %dma_start3A_137] : memref<8x50x64xf32, #tpu.memory_space<vmem>> -> memref<1x50x64xf32, #tpu.memory_space<vmem>>
    %dma_start3A_139 = tpu.memref_squeeze %dma_start3A_138 : memref<1x50x64xf32, #tpu.memory_space<vmem>> -> memref<50x64xf32, #tpu.memory_space<vmem>>
    %dma_start3A_140 = arith.constant 0 : i32
    %dma_start3A_141 = tpu.memref_slice %arg5[%dma_start3A_128, %dma_start3A_140] : memref<512x50xi32, #tpu.memory_space<vmem>> -> memref<1x50xi32, #tpu.memory_space<vmem>>
    %dma_start3A_142 = tpu.memref_squeeze %dma_start3A_141 : memref<1x50xi32, #tpu.memory_space<vmem>> -> memref<50xi32, #tpu.memory_space<vmem>>
    %dma_start3A_143 = arith.constant 0 : i32
    %dma_start3A_144 = arith.constant 0 : i32
    %dma_start3A_145 = tpu.memref_slice %arg3[%dma_start3A_143, %dma_start3A_144] : memref<2000000x64xf32, #tpu.memory_space<hbm>> -> memref<2000000x64xf32, #tpu.memory_space<hbm>>
    tpu.enqueue_indirect_dma source(%dma_start3A_145 : memref<2000000x64xf32, #tpu.memory_space<hbm>>) target(%dma_start3A_139 : memref<50x64xf32, #tpu.memory_space<vmem>>) offsets(%dma_start3A_142 : memref<50xi32, #tpu.memory_space<vmem>>) semaphore(%arg7 : memref<!tpu.dma_semaphore, #tpu.memory_space<semaphore_mem>>)
    %dma_start3A_146 = arith.constant 8 : i32
    %dma_start3A_147 = arith.constant 1 : i32
    %dma_start3A_148 = arith.constant 0 : i32
    %dma_start3A_149 = arith.constant 0 : i32
    %dma_start3A_150 = arith.constant 0 : i32
    %dma_start3A_151 = arith.constant 0 : i32
    %dma_start3A_152 = tpu.memref_slice %arg6[%dma_start3A_147, %dma_start3A_149, %dma_start3A_150, %dma_start3A_151] : memref<4x8x50x64xf32, #tpu.memory_space<vmem>> -> memref<1x8x50x64xf32, #tpu.memory_space<vmem>>
    %dma_start3A_153 = tpu.memref_squeeze %dma_start3A_152 : memref<1x8x50x64xf32, #tpu.memory_space<vmem>> -> memref<8x50x64xf32, #tpu.memory_space<vmem>>
    %dma_start3A_154 = arith.constant 0 : i32
    %dma_start3A_155 = arith.constant 0 : i32
    %dma_start3A_156 = tpu.memref_slice %dma_start3A_153[%dma_start3A_148, %dma_start3A_154, %dma_start3A_155] : memref<8x50x64xf32, #tpu.memory_space<vmem>> -> memref<1x50x64xf32, #tpu.memory_space<vmem>>
    %dma_start3A_157 = tpu.memref_squeeze %dma_start3A_156 : memref<1x50x64xf32, #tpu.memory_space<vmem>> -> memref<50x64xf32, #tpu.memory_space<vmem>>
    %dma_start3A_158 = arith.constant 0 : i32
    %dma_start3A_159 = tpu.memref_slice %arg5[%dma_start3A_146, %dma_start3A_158] : memref<512x50xi32, #tpu.memory_space<vmem>> -> memref<1x50xi32, #tpu.memory_space<vmem>>
    %dma_start3A_160 = tpu.memref_squeeze %dma_start3A_159 : memref<1x50xi32, #tpu.memory_space<vmem>> -> memref<50xi32, #tpu.memory_space<vmem>>
    %dma_start3A_161 = arith.constant 0 : i32
    %dma_start3A_162 = arith.constant 0 : i32
    %dma_start3A_163 = tpu.memref_slice %arg3[%dma_start3A_161, %dma_start3A_162] : memref<2000000x64xf32, #tpu.memory_space<hbm>> -> memref<2000000x64xf32, #tpu.memory_space<hbm>>
    tpu.enqueue_indirect_dma source(%dma_start3A_163 : memref<2000000x64xf32, #tpu.memory_space<hbm>>) target(%dma_start3A_157 : memref<50x64xf32, #tpu.memory_space<vmem>>) offsets(%dma_start3A_160 : memref<50xi32, #tpu.memory_space<vmem>>) semaphore(%arg8 : memref<!tpu.dma_semaphore, #tpu.memory_space<semaphore_mem>>)
    %dma_start3A_164 = arith.constant 9 : i32
    %dma_start3A_165 = arith.constant 1 : i32
    %dma_start3A_166 = arith.constant 1 : i32
    %dma_start3A_167 = arith.constant 0 : i32
    %dma_start3A_168 = arith.constant 0 : i32
    %dma_start3A_169 = arith.constant 0 : i32
    %dma_start3A_170 = tpu.memref_slice %arg6[%dma_start3A_165, %dma_start3A_167, %dma_start3A_168, %dma_start3A_169] : memref<4x8x50x64xf32, #tpu.memory_space<vmem>> -> memref<1x8x50x64xf32, #tpu.memory_space<vmem>>
    %dma_start3A_171 = tpu.memref_squeeze %dma_start3A_170 : memref<1x8x50x64xf32, #tpu.memory_space<vmem>> -> memref<8x50x64xf32, #tpu.memory_space<vmem>>
    %dma_start3A_172 = arith.constant 0 : i32
    %dma_start3A_173 = arith.constant 0 : i32
    %dma_start3A_174 = tpu.memref_slice %dma_start3A_171[%dma_start3A_166, %dma_start3A_172, %dma_start3A_173] : memref<8x50x64xf32, #tpu.memory_space<vmem>> -> memref<1x50x64xf32, #tpu.memory_space<vmem>>
    %dma_start3A_175 = tpu.memref_squeeze %dma_start3A_174 : memref<1x50x64xf32, #tpu.memory_space<vmem>> -> memref<50x64xf32, #tpu.memory_space<vmem>>
    %dma_start3A_176 = arith.constant 0 : i32
    %dma_start3A_177 = tpu.memref_slice %arg5[%dma_start3A_164, %dma_start3A_176] : memref<512x50xi32, #tpu.memory_space<vmem>> -> memref<1x50xi32, #tpu.memory_space<vmem>>
    %dma_start3A_178 = tpu.memref_squeeze %dma_start3A_177 : memref<1x50xi32, #tpu.memory_space<vmem>> -> memref<50xi32, #tpu.memory_space<vmem>>
    %dma_start3A_179 = arith.constant 0 : i32
    %dma_start3A_180 = arith.constant 0 : i32
    %dma_start3A_181 = tpu.memref_slice %arg3[%dma_start3A_179, %dma_start3A_180] : memref<2000000x64xf32, #tpu.memory_space<hbm>> -> memref<2000000x64xf32, #tpu.memory_space<hbm>>
    tpu.enqueue_indirect_dma source(%dma_start3A_181 : memref<2000000x64xf32, #tpu.memory_space<hbm>>) target(%dma_start3A_175 : memref<50x64xf32, #tpu.memory_space<vmem>>) offsets(%dma_start3A_178 : memref<50xi32, #tpu.memory_space<vmem>>) semaphore(%arg8 : memref<!tpu.dma_semaphore, #tpu.memory_space<semaphore_mem>>)
    %dma_start3A_182 = arith.constant 10 : i32
    %dma_start3A_183 = arith.constant 1 : i32
    %dma_start3A_184 = arith.constant 2 : i32
    %dma_start3A_185 = arith.constant 0 : i32
    %dma_start3A_186 = arith.constant 0 : i32
    %dma_start3A_187 = arith.constant 0 : i32
    %dma_start3A_188 = tpu.memref_slice %arg6[%dma_start3A_183, %dma_start3A_185, %dma_start3A_186, %dma_start3A_187] : memref<4x8x50x64xf32, #tpu.memory_space<vmem>> -> memref<1x8x50x64xf32, #tpu.memory_space<vmem>>
    %dma_start3A_189 = tpu.memref_squeeze %dma_start3A_188 : memref<1x8x50x64xf32, #tpu.memory_space<vmem>> -> memref<8x50x64xf32, #tpu.memory_space<vmem>>
    %dma_start3A_190 = arith.constant 0 : i32
    %dma_start3A_191 = arith.constant 0 : i32
    %dma_start3A_192 = tpu.memref_slice %dma_start3A_189[%dma_start3A_184, %dma_start3A_190, %dma_start3A_191] : memref<8x50x64xf32, #tpu.memory_space<vmem>> -> memref<1x50x64xf32, #tpu.memory_space<vmem>>
    %dma_start3A_193 = tpu.memref_squeeze %dma_start3A_192 : memref<1x50x64xf32, #tpu.memory_space<vmem>> -> memref<50x64xf32, #tpu.memory_space<vmem>>
    %dma_start3A_194 = arith.constant 0 : i32
    %dma_start3A_195 = tpu.memref_slice %arg5[%dma_start3A_182, %dma_start3A_194] : memref<512x50xi32, #tpu.memory_space<vmem>> -> memref<1x50xi32, #tpu.memory_space<vmem>>
    %dma_start3A_196 = tpu.memref_squeeze %dma_start3A_195 : memref<1x50xi32, #tpu.memory_space<vmem>> -> memref<50xi32, #tpu.memory_space<vmem>>
    %dma_start3A_197 = arith.constant 0 : i32
    %dma_start3A_198 = arith.constant 0 : i32
    %dma_start3A_199 = tpu.memref_slice %arg3[%dma_start3A_197, %dma_start3A_198] : memref<2000000x64xf32, #tpu.memory_space<hbm>> -> memref<2000000x64xf32, #tpu.memory_space<hbm>>
    tpu.enqueue_indirect_dma source(%dma_start3A_199 : memref<2000000x64xf32, #tpu.memory_space<hbm>>) target(%dma_start3A_193 : memref<50x64xf32, #tpu.memory_space<vmem>>) offsets(%dma_start3A_196 : memref<50xi32, #tpu.memory_space<vmem>>) semaphore(%arg8 : memref<!tpu.dma_semaphore, #tpu.memory_space<semaphore_mem>>)
    %dma_start3A_200 = arith.constant 11 : i32
    %dma_start3A_201 = arith.constant 1 : i32
    %dma_start3A_202 = arith.constant 3 : i32
    %dma_start3A_203 = arith.constant 0 : i32
    %dma_start3A_204 = arith.constant 0 : i32
    %dma_start3A_205 = arith.constant 0 : i32
    %dma_start3A_206 = tpu.memref_slice %arg6[%dma_start3A_201, %dma_start3A_203, %dma_start3A_204, %dma_start3A_205] : memref<4x8x50x64xf32, #tpu.memory_space<vmem>> -> memref<1x8x50x64xf32, #tpu.memory_space<vmem>>
    %dma_start3A_207 = tpu.memref_squeeze %dma_start3A_206 : memref<1x8x50x64xf32, #tpu.memory_space<vmem>> -> memref<8x50x64xf32, #tpu.memory_space<vmem>>
    %dma_start3A_208 = arith.constant 0 : i32
    %dma_start3A_209 = arith.constant 0 : i32
    %dma_start3A_210 = tpu.memref_slice %dma_start3A_207[%dma_start3A_202, %dma_start3A_208, %dma_start3A_209] : memref<8x50x64xf32, #tpu.memory_space<vmem>> -> memref<1x50x64xf32, #tpu.memory_space<vmem>>
    %dma_start3A_211 = tpu.memref_squeeze %dma_start3A_210 : memref<1x50x64xf32, #tpu.memory_space<vmem>> -> memref<50x64xf32, #tpu.memory_space<vmem>>
    %dma_start3A_212 = arith.constant 0 : i32
    %dma_start3A_213 = tpu.memref_slice %arg5[%dma_start3A_200, %dma_start3A_212] : memref<512x50xi32, #tpu.memory_space<vmem>> -> memref<1x50xi32, #tpu.memory_space<vmem>>
    %dma_start3A_214 = tpu.memref_squeeze %dma_start3A_213 : memref<1x50xi32, #tpu.memory_space<vmem>> -> memref<50xi32, #tpu.memory_space<vmem>>
    %dma_start3A_215 = arith.constant 0 : i32
    %dma_start3A_216 = arith.constant 0 : i32
    %dma_start3A_217 = tpu.memref_slice %arg3[%dma_start3A_215, %dma_start3A_216] : memref<2000000x64xf32, #tpu.memory_space<hbm>> -> memref<2000000x64xf32, #tpu.memory_space<hbm>>
    tpu.enqueue_indirect_dma source(%dma_start3A_217 : memref<2000000x64xf32, #tpu.memory_space<hbm>>) target(%dma_start3A_211 : memref<50x64xf32, #tpu.memory_space<vmem>>) offsets(%dma_start3A_214 : memref<50xi32, #tpu.memory_space<vmem>>) semaphore(%arg8 : memref<!tpu.dma_semaphore, #tpu.memory_space<semaphore_mem>>)
    %dma_start3A_218 = arith.constant 12 : i32
    %dma_start3A_219 = arith.constant 1 : i32
    %dma_start3A_220 = arith.constant 4 : i32
    %dma_start3A_221 = arith.constant 0 : i32
    %dma_start3A_222 = arith.constant 0 : i32
    %dma_start3A_223 = arith.constant 0 : i32
    %dma_start3A_224 = tpu.memref_slice %arg6[%dma_start3A_219, %dma_start3A_221, %dma_start3A_222, %dma_start3A_223] : memref<4x8x50x64xf32, #tpu.memory_space<vmem>> -> memref<1x8x50x64xf32, #tpu.memory_space<vmem>>
    %dma_start3A_225 = tpu.memref_squeeze %dma_start3A_224 : memref<1x8x50x64xf32, #tpu.memory_space<vmem>> -> memref<8x50x64xf32, #tpu.memory_space<vmem>>
    %dma_start3A_226 = arith.constant 0 : i32
    %dma_start3A_227 = arith.constant 0 : i32
    %dma_start3A_228 = tpu.memref_slice %dma_start3A_225[%dma_start3A_220, %dma_start3A_226, %dma_start3A_227] : memref<8x50x64xf32, #tpu.memory_space<vmem>> -> memref<1x50x64xf32, #tpu.memory_space<vmem>>
    %dma_start3A_229 = tpu.memref_squeeze %dma_start3A_228 : memref<1x50x64xf32, #tpu.memory_space<vmem>> -> memref<50x64xf32, #tpu.memory_space<vmem>>
    %dma_start3A_230 = arith.constant 0 : i32
    %dma_start3A_231 = tpu.memref_slice %arg5[%dma_start3A_218, %dma_start3A_230] : memref<512x50xi32, #tpu.memory_space<vmem>> -> memref<1x50xi32, #tpu.memory_space<vmem>>
    %dma_start3A_232 = tpu.memref_squeeze %dma_start3A_231 : memref<1x50xi32, #tpu.memory_space<vmem>> -> memref<50xi32, #tpu.memory_space<vmem>>
    %dma_start3A_233 = arith.constant 0 : i32
    %dma_start3A_234 = arith.constant 0 : i32
    %dma_start3A_235 = tpu.memref_slice %arg3[%dma_start3A_233, %dma_start3A_234] : memref<2000000x64xf32, #tpu.memory_space<hbm>> -> memref<2000000x64xf32, #tpu.memory_space<hbm>>
    tpu.enqueue_indirect_dma source(%dma_start3A_235 : memref<2000000x64xf32, #tpu.memory_space<hbm>>) target(%dma_start3A_229 : memref<50x64xf32, #tpu.memory_space<vmem>>) offsets(%dma_start3A_232 : memref<50xi32, #tpu.memory_space<vmem>>) semaphore(%arg8 : memref<!tpu.dma_semaphore, #tpu.memory_space<semaphore_mem>>)
    %dma_start3A_236 = arith.constant 13 : i32
    %dma_start3A_237 = arith.constant 1 : i32
    %dma_start3A_238 = arith.constant 5 : i32
    %dma_start3A_239 = arith.constant 0 : i32
    %dma_start3A_240 = arith.constant 0 : i32
    %dma_start3A_241 = arith.constant 0 : i32
    %dma_start3A_242 = tpu.memref_slice %arg6[%dma_start3A_237, %dma_start3A_239, %dma_start3A_240, %dma_start3A_241] : memref<4x8x50x64xf32, #tpu.memory_space<vmem>> -> memref<1x8x50x64xf32, #tpu.memory_space<vmem>>
    %dma_start3A_243 = tpu.memref_squeeze %dma_start3A_242 : memref<1x8x50x64xf32, #tpu.memory_space<vmem>> -> memref<8x50x64xf32, #tpu.memory_space<vmem>>
    %dma_start3A_244 = arith.constant 0 : i32
    %dma_start3A_245 = arith.constant 0 : i32
    %dma_start3A_246 = tpu.memref_slice %dma_start3A_243[%dma_start3A_238, %dma_start3A_244, %dma_start3A_245] : memref<8x50x64xf32, #tpu.memory_space<vmem>> -> memref<1x50x64xf32, #tpu.memory_space<vmem>>
    %dma_start3A_247 = tpu.memref_squeeze %dma_start3A_246 : memref<1x50x64xf32, #tpu.memory_space<vmem>> -> memref<50x64xf32, #tpu.memory_space<vmem>>
    %dma_start3A_248 = arith.constant 0 : i32
    %dma_start3A_249 = tpu.memref_slice %arg5[%dma_start3A_236, %dma_start3A_248] : memref<512x50xi32, #tpu.memory_space<vmem>> -> memref<1x50xi32, #tpu.memory_space<vmem>>
    %dma_start3A_250 = tpu.memref_squeeze %dma_start3A_249 : memref<1x50xi32, #tpu.memory_space<vmem>> -> memref<50xi32, #tpu.memory_space<vmem>>
    %dma_start3A_251 = arith.constant 0 : i32
    %dma_start3A_252 = arith.constant 0 : i32
    %dma_start3A_253 = tpu.memref_slice %arg3[%dma_start3A_251, %dma_start3A_252] : memref<2000000x64xf32, #tpu.memory_space<hbm>> -> memref<2000000x64xf32, #tpu.memory_space<hbm>>
    tpu.enqueue_indirect_dma source(%dma_start3A_253 : memref<2000000x64xf32, #tpu.memory_space<hbm>>) target(%dma_start3A_247 : memref<50x64xf32, #tpu.memory_space<vmem>>) offsets(%dma_start3A_250 : memref<50xi32, #tpu.memory_space<vmem>>) semaphore(%arg8 : memref<!tpu.dma_semaphore, #tpu.memory_space<semaphore_mem>>)
    %dma_start3A_254 = arith.constant 14 : i32
    %dma_start3A_255 = arith.constant 1 : i32
    %dma_start3A_256 = arith.constant 6 : i32
    %dma_start3A_257 = arith.constant 0 : i32
    %dma_start3A_258 = arith.constant 0 : i32
    %dma_start3A_259 = arith.constant 0 : i32
    %dma_start3A_260 = tpu.memref_slice %arg6[%dma_start3A_255, %dma_start3A_257, %dma_start3A_258, %dma_start3A_259] : memref<4x8x50x64xf32, #tpu.memory_space<vmem>> -> memref<1x8x50x64xf32, #tpu.memory_space<vmem>>
    %dma_start3A_261 = tpu.memref_squeeze %dma_start3A_260 : memref<1x8x50x64xf32, #tpu.memory_space<vmem>> -> memref<8x50x64xf32, #tpu.memory_space<vmem>>
    %dma_start3A_262 = arith.constant 0 : i32
    %dma_start3A_263 = arith.constant 0 : i32
    %dma_start3A_264 = tpu.memref_slice %dma_start3A_261[%dma_start3A_256, %dma_start3A_262, %dma_start3A_263] : memref<8x50x64xf32, #tpu.memory_space<vmem>> -> memref<1x50x64xf32, #tpu.memory_space<vmem>>
    %dma_start3A_265 = tpu.memref_squeeze %dma_start3A_264 : memref<1x50x64xf32, #tpu.memory_space<vmem>> -> memref<50x64xf32, #tpu.memory_space<vmem>>
    %dma_start3A_266 = arith.constant 0 : i32
    %dma_start3A_267 = tpu.memref_slice %arg5[%dma_start3A_254, %dma_start3A_266] : memref<512x50xi32, #tpu.memory_space<vmem>> -> memref<1x50xi32, #tpu.memory_space<vmem>>
    %dma_start3A_268 = tpu.memref_squeeze %dma_start3A_267 : memref<1x50xi32, #tpu.memory_space<vmem>> -> memref<50xi32, #tpu.memory_space<vmem>>
    %dma_start3A_269 = arith.constant 0 : i32
    %dma_start3A_270 = arith.constant 0 : i32
    %dma_start3A_271 = tpu.memref_slice %arg3[%dma_start3A_269, %dma_start3A_270] : memref<2000000x64xf32, #tpu.memory_space<hbm>> -> memref<2000000x64xf32, #tpu.memory_space<hbm>>
    tpu.enqueue_indirect_dma source(%dma_start3A_271 : memref<2000000x64xf32, #tpu.memory_space<hbm>>) target(%dma_start3A_265 : memref<50x64xf32, #tpu.memory_space<vmem>>) offsets(%dma_start3A_268 : memref<50xi32, #tpu.memory_space<vmem>>) semaphore(%arg8 : memref<!tpu.dma_semaphore, #tpu.memory_space<semaphore_mem>>)
    %dma_start3A_272 = arith.constant 15 : i32
    %dma_start3A_273 = arith.constant 1 : i32
    %dma_start3A_274 = arith.constant 7 : i32
    %dma_start3A_275 = arith.constant 0 : i32
    %dma_start3A_276 = arith.constant 0 : i32
    %dma_start3A_277 = arith.constant 0 : i32
    %dma_start3A_278 = tpu.memref_slice %arg6[%dma_start3A_273, %dma_start3A_275, %dma_start3A_276, %dma_start3A_277] : memref<4x8x50x64xf32, #tpu.memory_space<vmem>> -> memref<1x8x50x64xf32, #tpu.memory_space<vmem>>
    %dma_start3A_279 = tpu.memref_squeeze %dma_start3A_278 : memref<1x8x50x64xf32, #tpu.memory_space<vmem>> -> memref<8x50x64xf32, #tpu.memory_space<vmem>>
    %dma_start3A_280 = arith.constant 0 : i32
    %dma_start3A_281 = arith.constant 0 : i32
    %dma_start3A_282 = tpu.memref_slice %dma_start3A_279[%dma_start3A_274, %dma_start3A_280, %dma_start3A_281] : memref<8x50x64xf32, #tpu.memory_space<vmem>> -> memref<1x50x64xf32, #tpu.memory_space<vmem>>
    %dma_start3A_283 = tpu.memref_squeeze %dma_start3A_282 : memref<1x50x64xf32, #tpu.memory_space<vmem>> -> memref<50x64xf32, #tpu.memory_space<vmem>>
    %dma_start3A_284 = arith.constant 0 : i32
    %dma_start3A_285 = tpu.memref_slice %arg5[%dma_start3A_272, %dma_start3A_284] : memref<512x50xi32, #tpu.memory_space<vmem>> -> memref<1x50xi32, #tpu.memory_space<vmem>>
    %dma_start3A_286 = tpu.memref_squeeze %dma_start3A_285 : memref<1x50xi32, #tpu.memory_space<vmem>> -> memref<50xi32, #tpu.memory_space<vmem>>
    %dma_start3A_287 = arith.constant 0 : i32
    %dma_start3A_288 = arith.constant 0 : i32
    %dma_start3A_289 = tpu.memref_slice %arg3[%dma_start3A_287, %dma_start3A_288] : memref<2000000x64xf32, #tpu.memory_space<hbm>> -> memref<2000000x64xf32, #tpu.memory_space<hbm>>
    tpu.enqueue_indirect_dma source(%dma_start3A_289 : memref<2000000x64xf32, #tpu.memory_space<hbm>>) target(%dma_start3A_283 : memref<50x64xf32, #tpu.memory_space<vmem>>) offsets(%dma_start3A_286 : memref<50xi32, #tpu.memory_space<vmem>>) semaphore(%arg8 : memref<!tpu.dma_semaphore, #tpu.memory_space<semaphore_mem>>)
    %scan3A = arith.constant 0 : i32
    %scan3A_290 = arith.constant 0 : i32
    %scan3A_291 = arith.constant 16 : i32
    %scan3A_292 = arith.addi %scan3A_290, %scan3A_291 : i32
    %scan3A_293 = arith.constant 1 : i32
    scf.for %scan3A_362 = %scan3A_290 to %scan3A_292 step %scan3A_293  : i32 {
      %mul3A_363 = arith.constant 4 : i32
      %mul3A_364 = arith.muli %scan3A_362, %mul3A_363 : i32
      %add3A_365 = arith.constant 0 : i32
      %add3A_366 = arith.addi %mul3A_364, %add3A_365 : i32
      %dma_wait3A_367 = arith.constant 0 : i32
      %dma_wait3A_368 = arith.constant 0 : i32
      %dma_wait3A_369 = arith.constant 0 : i32
      %dma_wait3A_370 = arith.constant 0 : i32
      %dma_wait3A_371 = arith.constant 0 : i32
      %dma_wait3A_372 = arith.constant 0 : i32
      %dma_wait3A_373 = tpu.memref_slice %arg6[%dma_wait3A_368, %dma_wait3A_370, %dma_wait3A_371, %dma_wait3A_372] : memref<4x8x50x64xf32, #tpu.memory_space<vmem>> -> memref<1x8x50x64xf32, #tpu.memory_space<vmem>>
      %dma_wait3A_374 = tpu.memref_squeeze %dma_wait3A_373 : memref<1x8x50x64xf32, #tpu.memory_space<vmem>> -> memref<8x50x64xf32, #tpu.memory_space<vmem>>
      %dma_wait3A_375 = arith.constant 0 : i32
      %dma_wait3A_376 = arith.constant 0 : i32
      %dma_wait3A_377 = tpu.memref_slice %dma_wait3A_374[%dma_wait3A_369, %dma_wait3A_375, %dma_wait3A_376] : memref<8x50x64xf32, #tpu.memory_space<vmem>> -> memref<1x50x64xf32, #tpu.memory_space<vmem>>
      %dma_wait3A_378 = tpu.memref_squeeze %dma_wait3A_377 : memref<1x50x64xf32, #tpu.memory_space<vmem>> -> memref<50x64xf32, #tpu.memory_space<vmem>>
      %dma_wait3A_379 = arith.constant 0 : i32
      %dma_wait3A_380 = tpu.memref_slice %arg5[%dma_wait3A_367, %dma_wait3A_379] : memref<512x50xi32, #tpu.memory_space<vmem>> -> memref<1x50xi32, #tpu.memory_space<vmem>>
      %dma_wait3A_381 = tpu.memref_squeeze %dma_wait3A_380 : memref<1x50xi32, #tpu.memory_space<vmem>> -> memref<50xi32, #tpu.memory_space<vmem>>
      %dma_wait3A_382 = arith.constant 0 : i32
      %dma_wait3A_383 = arith.constant 0 : i32
      %dma_wait3A_384 = tpu.memref_slice %arg3[%dma_wait3A_382, %dma_wait3A_383] : memref<2000000x64xf32, #tpu.memory_space<hbm>> -> memref<2000000x64xf32, #tpu.memory_space<hbm>>
      tpu.wait_indirect_dma semaphore(%arg7 : memref<!tpu.dma_semaphore, #tpu.memory_space<semaphore_mem>>) src(%dma_wait3A_384 : memref<2000000x64xf32, #tpu.memory_space<hbm>>) dst(%dma_wait3A_378 : memref<50x64xf32, #tpu.memory_space<vmem>>)
      %dma_wait3A_385 = arith.constant 0 : i32
      %dma_wait3A_386 = arith.constant 0 : i32
      %dma_wait3A_387 = arith.constant 1 : i32
      %dma_wait3A_388 = arith.constant 0 : i32
      %dma_wait3A_389 = arith.constant 0 : i32
      %dma_wait3A_390 = arith.constant 0 : i32
      %dma_wait3A_391 = tpu.memref_slice %arg6[%dma_wait3A_386, %dma_wait3A_388, %dma_wait3A_389, %dma_wait3A_390] : memref<4x8x50x64xf32, #tpu.memory_space<vmem>> -> memref<1x8x50x64xf32, #tpu.memory_space<vmem>>
      %dma_wait3A_392 = tpu.memref_squeeze %dma_wait3A_391 : memref<1x8x50x64xf32, #tpu.memory_space<vmem>> -> memref<8x50x64xf32, #tpu.memory_space<vmem>>
      %dma_wait3A_393 = arith.constant 0 : i32
      %dma_wait3A_394 = arith.constant 0 : i32
      %dma_wait3A_395 = tpu.memref_slice %dma_wait3A_392[%dma_wait3A_387, %dma_wait3A_393, %dma_wait3A_394] : memref<8x50x64xf32, #tpu.memory_space<vmem>> -> memref<1x50x64xf32, #tpu.memory_space<vmem>>
      %dma_wait3A_396 = tpu.memref_squeeze %dma_wait3A_395 : memref<1x50x64xf32, #tpu.memory_space<vmem>> -> memref<50x64xf32, #tpu.memory_space<vmem>>
      %dma_wait3A_397 = arith.constant 0 : i32
      %dma_wait3A_398 = tpu.memref_slice %arg5[%dma_wait3A_385, %dma_wait3A_397] : memref<512x50xi32, #tpu.memory_space<vmem>> -> memref<1x50xi32, #tpu.memory_space<vmem>>
      %dma_wait3A_399 = tpu.memref_squeeze %dma_wait3A_398 : memref<1x50xi32, #tpu.memory_space<vmem>> -> memref<50xi32, #tpu.memory_space<vmem>>
      %dma_wait3A_400 = arith.constant 0 : i32
      %dma_wait3A_401 = arith.constant 0 : i32
      %dma_wait3A_402 = tpu.memref_slice %arg3[%dma_wait3A_400, %dma_wait3A_401] : memref<2000000x64xf32, #tpu.memory_space<hbm>> -> memref<2000000x64xf32, #tpu.memory_space<hbm>>
      tpu.wait_indirect_dma semaphore(%arg7 : memref<!tpu.dma_semaphore, #tpu.memory_space<semaphore_mem>>) src(%dma_wait3A_402 : memref<2000000x64xf32, #tpu.memory_space<hbm>>) dst(%dma_wait3A_396 : memref<50x64xf32, #tpu.memory_space<vmem>>)
      %dma_wait3A_403 = arith.constant 0 : i32
      %dma_wait3A_404 = arith.constant 0 : i32
      %dma_wait3A_405 = arith.constant 2 : i32
      %dma_wait3A_406 = arith.constant 0 : i32
      %dma_wait3A_407 = arith.constant 0 : i32
      %dma_wait3A_408 = arith.constant 0 : i32
      %dma_wait3A_409 = tpu.memref_slice %arg6[%dma_wait3A_404, %dma_wait3A_406, %dma_wait3A_407, %dma_wait3A_408] : memref<4x8x50x64xf32, #tpu.memory_space<vmem>> -> memref<1x8x50x64xf32, #tpu.memory_space<vmem>>
      %dma_wait3A_410 = tpu.memref_squeeze %dma_wait3A_409 : memref<1x8x50x64xf32, #tpu.memory_space<vmem>> -> memref<8x50x64xf32, #tpu.memory_space<vmem>>
      %dma_wait3A_411 = arith.constant 0 : i32
      %dma_wait3A_412 = arith.constant 0 : i32
      %dma_wait3A_413 = tpu.memref_slice %dma_wait3A_410[%dma_wait3A_405, %dma_wait3A_411, %dma_wait3A_412] : memref<8x50x64xf32, #tpu.memory_space<vmem>> -> memref<1x50x64xf32, #tpu.memory_space<vmem>>
      %dma_wait3A_414 = tpu.memref_squeeze %dma_wait3A_413 : memref<1x50x64xf32, #tpu.memory_space<vmem>> -> memref<50x64xf32, #tpu.memory_space<vmem>>
      %dma_wait3A_415 = arith.constant 0 : i32
      %dma_wait3A_416 = tpu.memref_slice %arg5[%dma_wait3A_403, %dma_wait3A_415] : memref<512x50xi32, #tpu.memory_space<vmem>> -> memref<1x50xi32, #tpu.memory_space<vmem>>
      %dma_wait3A_417 = tpu.memref_squeeze %dma_wait3A_416 : memref<1x50xi32, #tpu.memory_space<vmem>> -> memref<50xi32, #tpu.memory_space<vmem>>
      %dma_wait3A_418 = arith.constant 0 : i32
      %dma_wait3A_419 = arith.constant 0 : i32
      %dma_wait3A_420 = tpu.memref_slice %arg3[%dma_wait3A_418, %dma_wait3A_419] : memref<2000000x64xf32, #tpu.memory_space<hbm>> -> memref<2000000x64xf32, #tpu.memory_space<hbm>>
      tpu.wait_indirect_dma semaphore(%arg7 : memref<!tpu.dma_semaphore, #tpu.memory_space<semaphore_mem>>) src(%dma_wait3A_420 : memref<2000000x64xf32, #tpu.memory_space<hbm>>) dst(%dma_wait3A_414 : memref<50x64xf32, #tpu.memory_space<vmem>>)
      %dma_wait3A_421 = arith.constant 0 : i32
      %dma_wait3A_422 = arith.constant 0 : i32
      %dma_wait3A_423 = arith.constant 3 : i32
      %dma_wait3A_424 = arith.constant 0 : i32
      %dma_wait3A_425 = arith.constant 0 : i32
      %dma_wait3A_426 = arith.constant 0 : i32
      %dma_wait3A_427 = tpu.memref_slice %arg6[%dma_wait3A_422, %dma_wait3A_424, %dma_wait3A_425, %dma_wait3A_426] : memref<4x8x50x64xf32, #tpu.memory_space<vmem>> -> memref<1x8x50x64xf32, #tpu.memory_space<vmem>>
      %dma_wait3A_428 = tpu.memref_squeeze %dma_wait3A_427 : memref<1x8x50x64xf32, #tpu.memory_space<vmem>> -> memref<8x50x64xf32, #tpu.memory_space<vmem>>
      %dma_wait3A_429 = arith.constant 0 : i32
      %dma_wait3A_430 = arith.constant 0 : i32
      %dma_wait3A_431 = tpu.memref_slice %dma_wait3A_428[%dma_wait3A_423, %dma_wait3A_429, %dma_wait3A_430] : memref<8x50x64xf32, #tpu.memory_space<vmem>> -> memref<1x50x64xf32, #tpu.memory_space<vmem>>
      %dma_wait3A_432 = tpu.memref_squeeze %dma_wait3A_431 : memref<1x50x64xf32, #tpu.memory_space<vmem>> -> memref<50x64xf32, #tpu.memory_space<vmem>>
      %dma_wait3A_433 = arith.constant 0 : i32
      %dma_wait3A_434 = tpu.memref_slice %arg5[%dma_wait3A_421, %dma_wait3A_433] : memref<512x50xi32, #tpu.memory_space<vmem>> -> memref<1x50xi32, #tpu.memory_space<vmem>>
      %dma_wait3A_435 = tpu.memref_squeeze %dma_wait3A_434 : memref<1x50xi32, #tpu.memory_space<vmem>> -> memref<50xi32, #tpu.memory_space<vmem>>
      %dma_wait3A_436 = arith.constant 0 : i32
      %dma_wait3A_437 = arith.constant 0 : i32
      %dma_wait3A_438 = tpu.memref_slice %arg3[%dma_wait3A_436, %dma_wait3A_437] : memref<2000000x64xf32, #tpu.memory_space<hbm>> -> memref<2000000x64xf32, #tpu.memory_space<hbm>>
      tpu.wait_indirect_dma semaphore(%arg7 : memref<!tpu.dma_semaphore, #tpu.memory_space<semaphore_mem>>) src(%dma_wait3A_438 : memref<2000000x64xf32, #tpu.memory_space<hbm>>) dst(%dma_wait3A_432 : memref<50x64xf32, #tpu.memory_space<vmem>>)
      %dma_wait3A_439 = arith.constant 0 : i32
      %dma_wait3A_440 = arith.constant 0 : i32
      %dma_wait3A_441 = arith.constant 4 : i32
      %dma_wait3A_442 = arith.constant 0 : i32
      %dma_wait3A_443 = arith.constant 0 : i32
      %dma_wait3A_444 = arith.constant 0 : i32
      %dma_wait3A_445 = tpu.memref_slice %arg6[%dma_wait3A_440, %dma_wait3A_442, %dma_wait3A_443, %dma_wait3A_444] : memref<4x8x50x64xf32, #tpu.memory_space<vmem>> -> memref<1x8x50x64xf32, #tpu.memory_space<vmem>>
      %dma_wait3A_446 = tpu.memref_squeeze %dma_wait3A_445 : memref<1x8x50x64xf32, #tpu.memory_space<vmem>> -> memref<8x50x64xf32, #tpu.memory_space<vmem>>
      %dma_wait3A_447 = arith.constant 0 : i32
      %dma_wait3A_448 = arith.constant 0 : i32
      %dma_wait3A_449 = tpu.memref_slice %dma_wait3A_446[%dma_wait3A_441, %dma_wait3A_447, %dma_wait3A_448] : memref<8x50x64xf32, #tpu.memory_space<vmem>> -> memref<1x50x64xf32, #tpu.memory_space<vmem>>
      %dma_wait3A_450 = tpu.memref_squeeze %dma_wait3A_449 : memref<1x50x64xf32, #tpu.memory_space<vmem>> -> memref<50x64xf32, #tpu.memory_space<vmem>>
      %dma_wait3A_451 = arith.constant 0 : i32
      %dma_wait3A_452 = tpu.memref_slice %arg5[%dma_wait3A_439, %dma_wait3A_451] : memref<512x50xi32, #tpu.memory_space<vmem>> -> memref<1x50xi32, #tpu.memory_space<vmem>>
      %dma_wait3A_453 = tpu.memref_squeeze %dma_wait3A_452 : memref<1x50xi32, #tpu.memory_space<vmem>> -> memref<50xi32, #tpu.memory_space<vmem>>
      %dma_wait3A_454 = arith.constant 0 : i32
      %dma_wait3A_455 = arith.constant 0 : i32
      %dma_wait3A_456 = tpu.memref_slice %arg3[%dma_wait3A_454, %dma_wait3A_455] : memref<2000000x64xf32, #tpu.memory_space<hbm>> -> memref<2000000x64xf32, #tpu.memory_space<hbm>>
      tpu.wait_indirect_dma semaphore(%arg7 : memref<!tpu.dma_semaphore, #tpu.memory_space<semaphore_mem>>) src(%dma_wait3A_456 : memref<2000000x64xf32, #tpu.memory_space<hbm>>) dst(%dma_wait3A_450 : memref<50x64xf32, #tpu.memory_space<vmem>>)
      %dma_wait3A_457 = arith.constant 0 : i32
      %dma_wait3A_458 = arith.constant 0 : i32
      %dma_wait3A_459 = arith.constant 5 : i32
      %dma_wait3A_460 = arith.constant 0 : i32
      %dma_wait3A_461 = arith.constant 0 : i32
      %dma_wait3A_462 = arith.constant 0 : i32
      %dma_wait3A_463 = tpu.memref_slice %arg6[%dma_wait3A_458, %dma_wait3A_460, %dma_wait3A_461, %dma_wait3A_462] : memref<4x8x50x64xf32, #tpu.memory_space<vmem>> -> memref<1x8x50x64xf32, #tpu.memory_space<vmem>>
      %dma_wait3A_464 = tpu.memref_squeeze %dma_wait3A_463 : memref<1x8x50x64xf32, #tpu.memory_space<vmem>> -> memref<8x50x64xf32, #tpu.memory_space<vmem>>
      %dma_wait3A_465 = arith.constant 0 : i32
      %dma_wait3A_466 = arith.constant 0 : i32
      %dma_wait3A_467 = tpu.memref_slice %dma_wait3A_464[%dma_wait3A_459, %dma_wait3A_465, %dma_wait3A_466] : memref<8x50x64xf32, #tpu.memory_space<vmem>> -> memref<1x50x64xf32, #tpu.memory_space<vmem>>
      %dma_wait3A_468 = tpu.memref_squeeze %dma_wait3A_467 : memref<1x50x64xf32, #tpu.memory_space<vmem>> -> memref<50x64xf32, #tpu.memory_space<vmem>>
      %dma_wait3A_469 = arith.constant 0 : i32
      %dma_wait3A_470 = tpu.memref_slice %arg5[%dma_wait3A_457, %dma_wait3A_469] : memref<512x50xi32, #tpu.memory_space<vmem>> -> memref<1x50xi32, #tpu.memory_space<vmem>>
      %dma_wait3A_471 = tpu.memref_squeeze %dma_wait3A_470 : memref<1x50xi32, #tpu.memory_space<vmem>> -> memref<50xi32, #tpu.memory_space<vmem>>
      %dma_wait3A_472 = arith.constant 0 : i32
      %dma_wait3A_473 = arith.constant 0 : i32
      %dma_wait3A_474 = tpu.memref_slice %arg3[%dma_wait3A_472, %dma_wait3A_473] : memref<2000000x64xf32, #tpu.memory_space<hbm>> -> memref<2000000x64xf32, #tpu.memory_space<hbm>>
      tpu.wait_indirect_dma semaphore(%arg7 : memref<!tpu.dma_semaphore, #tpu.memory_space<semaphore_mem>>) src(%dma_wait3A_474 : memref<2000000x64xf32, #tpu.memory_space<hbm>>) dst(%dma_wait3A_468 : memref<50x64xf32, #tpu.memory_space<vmem>>)
      %dma_wait3A_475 = arith.constant 0 : i32
      %dma_wait3A_476 = arith.constant 0 : i32
      %dma_wait3A_477 = arith.constant 6 : i32
      %dma_wait3A_478 = arith.constant 0 : i32
      %dma_wait3A_479 = arith.constant 0 : i32
      %dma_wait3A_480 = arith.constant 0 : i32
      %dma_wait3A_481 = tpu.memref_slice %arg6[%dma_wait3A_476, %dma_wait3A_478, %dma_wait3A_479, %dma_wait3A_480] : memref<4x8x50x64xf32, #tpu.memory_space<vmem>> -> memref<1x8x50x64xf32, #tpu.memory_space<vmem>>
      %dma_wait3A_482 = tpu.memref_squeeze %dma_wait3A_481 : memref<1x8x50x64xf32, #tpu.memory_space<vmem>> -> memref<8x50x64xf32, #tpu.memory_space<vmem>>
      %dma_wait3A_483 = arith.constant 0 : i32
      %dma_wait3A_484 = arith.constant 0 : i32
      %dma_wait3A_485 = tpu.memref_slice %dma_wait3A_482[%dma_wait3A_477, %dma_wait3A_483, %dma_wait3A_484] : memref<8x50x64xf32, #tpu.memory_space<vmem>> -> memref<1x50x64xf32, #tpu.memory_space<vmem>>
      %dma_wait3A_486 = tpu.memref_squeeze %dma_wait3A_485 : memref<1x50x64xf32, #tpu.memory_space<vmem>> -> memref<50x64xf32, #tpu.memory_space<vmem>>
      %dma_wait3A_487 = arith.constant 0 : i32
      %dma_wait3A_488 = tpu.memref_slice %arg5[%dma_wait3A_475, %dma_wait3A_487] : memref<512x50xi32, #tpu.memory_space<vmem>> -> memref<1x50xi32, #tpu.memory_space<vmem>>
      %dma_wait3A_489 = tpu.memref_squeeze %dma_wait3A_488 : memref<1x50xi32, #tpu.memory_space<vmem>> -> memref<50xi32, #tpu.memory_space<vmem>>
      %dma_wait3A_490 = arith.constant 0 : i32
      %dma_wait3A_491 = arith.constant 0 : i32
      %dma_wait3A_492 = tpu.memref_slice %arg3[%dma_wait3A_490, %dma_wait3A_491] : memref<2000000x64xf32, #tpu.memory_space<hbm>> -> memref<2000000x64xf32, #tpu.memory_space<hbm>>
      tpu.wait_indirect_dma semaphore(%arg7 : memref<!tpu.dma_semaphore, #tpu.memory_space<semaphore_mem>>) src(%dma_wait3A_492 : memref<2000000x64xf32, #tpu.memory_space<hbm>>) dst(%dma_wait3A_486 : memref<50x64xf32, #tpu.memory_space<vmem>>)
      %dma_wait3A_493 = arith.constant 0 : i32
      %dma_wait3A_494 = arith.constant 0 : i32
      %dma_wait3A_495 = arith.constant 7 : i32
      %dma_wait3A_496 = arith.constant 0 : i32
      %dma_wait3A_497 = arith.constant 0 : i32
      %dma_wait3A_498 = arith.constant 0 : i32
      %dma_wait3A_499 = tpu.memref_slice %arg6[%dma_wait3A_494, %dma_wait3A_496, %dma_wait3A_497, %dma_wait3A_498] : memref<4x8x50x64xf32, #tpu.memory_space<vmem>> -> memref<1x8x50x64xf32, #tpu.memory_space<vmem>>
      %dma_wait3A_500 = tpu.memref_squeeze %dma_wait3A_499 : memref<1x8x50x64xf32, #tpu.memory_space<vmem>> -> memref<8x50x64xf32, #tpu.memory_space<vmem>>
      %dma_wait3A_501 = arith.constant 0 : i32
      %dma_wait3A_502 = arith.constant 0 : i32
      %dma_wait3A_503 = tpu.memref_slice %dma_wait3A_500[%dma_wait3A_495, %dma_wait3A_501, %dma_wait3A_502] : memref<8x50x64xf32, #tpu.memory_space<vmem>> -> memref<1x50x64xf32, #tpu.memory_space<vmem>>
      %dma_wait3A_504 = tpu.memref_squeeze %dma_wait3A_503 : memref<1x50x64xf32, #tpu.memory_space<vmem>> -> memref<50x64xf32, #tpu.memory_space<vmem>>
      %dma_wait3A_505 = arith.constant 0 : i32
      %dma_wait3A_506 = tpu.memref_slice %arg5[%dma_wait3A_493, %dma_wait3A_505] : memref<512x50xi32, #tpu.memory_space<vmem>> -> memref<1x50xi32, #tpu.memory_space<vmem>>
      %dma_wait3A_507 = tpu.memref_squeeze %dma_wait3A_506 : memref<1x50xi32, #tpu.memory_space<vmem>> -> memref<50xi32, #tpu.memory_space<vmem>>
      %dma_wait3A_508 = arith.constant 0 : i32
      %dma_wait3A_509 = arith.constant 0 : i32
      %dma_wait3A_510 = tpu.memref_slice %arg3[%dma_wait3A_508, %dma_wait3A_509] : memref<2000000x64xf32, #tpu.memory_space<hbm>> -> memref<2000000x64xf32, #tpu.memory_space<hbm>>
      tpu.wait_indirect_dma semaphore(%arg7 : memref<!tpu.dma_semaphore, #tpu.memory_space<semaphore_mem>>) src(%dma_wait3A_510 : memref<2000000x64xf32, #tpu.memory_space<hbm>>) dst(%dma_wait3A_504 : memref<50x64xf32, #tpu.memory_space<vmem>>)
      %mul3A_511 = arith.constant 8 : i32
      %mul3A_512 = arith.muli %add3A_366, %mul3A_511 : i32
      %add3A_513 = arith.addi %mul3A_2, %mul3A_512 : i32
      %dma_start3A_514 = arith.constant 0 : i32
      %dma_start3A_515 = arith.constant 0 : i32
      %dma_start3A_516 = arith.constant 0 : i32
      %dma_start3A_517 = arith.constant 0 : i32
      %dma_start3A_518 = tpu.memref_slice %arg6[%dma_start3A_514, %dma_start3A_515, %dma_start3A_516, %dma_start3A_517] : memref<4x8x50x64xf32, #tpu.memory_space<vmem>> -> memref<1x8x50x64xf32, #tpu.memory_space<vmem>>
      %dma_start3A_519 = tpu.memref_squeeze %dma_start3A_518 : memref<1x8x50x64xf32, #tpu.memory_space<vmem>> -> memref<8x50x64xf32, #tpu.memory_space<vmem>>
      %dma_start3A_520 = arith.constant 0 : i32
      %dma_start3A_521 = arith.constant 0 : i32
      %dma_start3A_522 = tpu.memref_slice %arg4[%add3A_513, %dma_start3A_520, %dma_start3A_521] : memref<16384x50x64xf32, #tpu.memory_space<hbm>> -> memref<8x50x64xf32, #tpu.memory_space<hbm>>
      %dma_start3A_523 = arith.constant 0 : i32
      %dma_start3A_524 = arith.constant 0 : i32
      %dma_start3A_525 = tpu.memref_slice %arg4[%add3A_513, %dma_start3A_523, %dma_start3A_524] : memref<16384x50x64xf32, #tpu.memory_space<hbm>> -> memref<8x50x64xf32, #tpu.memory_space<hbm>>
      %dma_start3A_526 = arith.constant 0 : i32
      %dma_start3A_527 = arith.constant 0 : i32
      %dma_start3A_528 = arith.constant 0 : i32
      %dma_start3A_529 = tpu.memref_slice %arg6[%dma_start3A_514, %dma_start3A_526, %dma_start3A_527, %dma_start3A_528] : memref<4x8x50x64xf32, #tpu.memory_space<vmem>> -> memref<1x8x50x64xf32, #tpu.memory_space<vmem>>
      %dma_start3A_530 = tpu.memref_squeeze %dma_start3A_529 : memref<1x8x50x64xf32, #tpu.memory_space<vmem>> -> memref<8x50x64xf32, #tpu.memory_space<vmem>>
      tpu.enqueue_dma source(%dma_start3A_530 : memref<8x50x64xf32, #tpu.memory_space<vmem>>) target(%dma_start3A_525 : memref<8x50x64xf32, #tpu.memory_space<hbm>>) target_semaphore(%arg11 : memref<!tpu.dma_semaphore, #tpu.memory_space<semaphore_mem>>)
      %add3A_531 = arith.constant 2 : i32
      %add3A_532 = arith.addi %add3A_366, %add3A_531 : i32
      %lt3A = arith.constant 64 : i32
      %lt3A_533 = arith.cmpi slt, %add3A_532, %lt3A : i32
      %convert_element_type3A = arith.extui %lt3A_533 : i1 to i32
      %cond3A = arith.constant 0 : i32
      %cond3A_534 = arith.cmpi ne, %convert_element_type3A, %cond3A : i32
      scf.if %cond3A_534 {
        %ge3A = arith.constant 4 : i32
        %ge3A_1060 = arith.cmpi sge, %add3A_532, %ge3A : i32
        %convert_element_type3A_1061 = arith.extui %ge3A_1060 : i1 to i32
        %cond3A_1062 = arith.constant 0 : i32
        %cond3A_1063 = arith.cmpi ne, %convert_element_type3A_1061, %cond3A_1062 : i32
        scf.if %cond3A_1063 {
          %dma_wait3A_1232 = arith.constant 2 : i32
          %dma_wait3A_1233 = arith.constant 0 : i32
          %dma_wait3A_1234 = arith.constant 0 : i32
          %dma_wait3A_1235 = arith.constant 0 : i32
          %dma_wait3A_1236 = tpu.memref_slice %arg6[%dma_wait3A_1232, %dma_wait3A_1233, %dma_wait3A_1234, %dma_wait3A_1235] : memref<4x8x50x64xf32, #tpu.memory_space<vmem>> -> memref<1x8x50x64xf32, #tpu.memory_space<vmem>>
          %dma_wait3A_1237 = tpu.memref_squeeze %dma_wait3A_1236 : memref<1x8x50x64xf32, #tpu.memory_space<vmem>> -> memref<8x50x64xf32, #tpu.memory_space<vmem>>
          %dma_wait3A_1238 = arith.constant 0 : i32
          %dma_wait3A_1239 = arith.constant 0 : i32
          %dma_wait3A_1240 = tpu.memref_slice %arg4[%mul3A_2, %dma_wait3A_1238, %dma_wait3A_1239] : memref<16384x50x64xf32, #tpu.memory_space<hbm>> -> memref<8x50x64xf32, #tpu.memory_space<hbm>>
          %dma_wait3A_1241 = arith.constant 0 : i32
          %dma_wait3A_1242 = arith.constant 0 : i32
          %dma_wait3A_1243 = tpu.memref_slice %arg4[%mul3A_2, %dma_wait3A_1241, %dma_wait3A_1242] : memref<16384x50x64xf32, #tpu.memory_space<hbm>> -> memref<8x50x64xf32, #tpu.memory_space<hbm>>
          %dma_wait3A_1244 = arith.constant 0 : i32
          %dma_wait3A_1245 = arith.constant 0 : i32
          %dma_wait3A_1246 = arith.constant 0 : i32
          %dma_wait3A_1247 = tpu.memref_slice %arg6[%dma_wait3A_1232, %dma_wait3A_1244, %dma_wait3A_1245, %dma_wait3A_1246] : memref<4x8x50x64xf32, #tpu.memory_space<vmem>> -> memref<1x8x50x64xf32, #tpu.memory_space<vmem>>
          %dma_wait3A_1248 = tpu.memref_squeeze %dma_wait3A_1247 : memref<1x8x50x64xf32, #tpu.memory_space<vmem>> -> memref<8x50x64xf32, #tpu.memory_space<vmem>>
          tpu.wait_dma2 semaphore(%arg13 : memref<!tpu.dma_semaphore, #tpu.memory_space<semaphore_mem>>) src(%dma_wait3A_1248 : memref<8x50x64xf32, #tpu.memory_space<vmem>>) dst(%dma_wait3A_1243 : memref<8x50x64xf32, #tpu.memory_space<hbm>>)
        } else {
        }
        %mul3A_1064 = arith.constant 8 : i32
        %mul3A_1065 = arith.muli %add3A_532, %mul3A_1064 : i32
        %add3A_1066 = arith.constant 0 : i32
        %add3A_1067 = arith.addi %mul3A_1065, %add3A_1066 : i32
        %dma_start3A_1068 = arith.constant 2 : i32
        %dma_start3A_1069 = arith.constant 0 : i32
        %dma_start3A_1070 = arith.constant 0 : i32
        %dma_start3A_1071 = arith.constant 0 : i32
        %dma_start3A_1072 = arith.constant 0 : i32
        %dma_start3A_1073 = tpu.memref_slice %arg6[%dma_start3A_1068, %dma_start3A_1070, %dma_start3A_1071, %dma_start3A_1072] : memref<4x8x50x64xf32, #tpu.memory_space<vmem>> -> memref<1x8x50x64xf32, #tpu.memory_space<vmem>>
        %dma_start3A_1074 = tpu.memref_squeeze %dma_start3A_1073 : memref<1x8x50x64xf32, #tpu.memory_space<vmem>> -> memref<8x50x64xf32, #tpu.memory_space<vmem>>
        %dma_start3A_1075 = arith.constant 0 : i32
        %dma_start3A_1076 = arith.constant 0 : i32
        %dma_start3A_1077 = tpu.memref_slice %dma_start3A_1074[%dma_start3A_1069, %dma_start3A_1075, %dma_start3A_1076] : memref<8x50x64xf32, #tpu.memory_space<vmem>> -> memref<1x50x64xf32, #tpu.memory_space<vmem>>
        %dma_start3A_1078 = tpu.memref_squeeze %dma_start3A_1077 : memref<1x50x64xf32, #tpu.memory_space<vmem>> -> memref<50x64xf32, #tpu.memory_space<vmem>>
        %dma_start3A_1079 = arith.constant 0 : i32
        %dma_start3A_1080 = tpu.memref_slice %arg5[%add3A_1067, %dma_start3A_1079] : memref<512x50xi32, #tpu.memory_space<vmem>> -> memref<1x50xi32, #tpu.memory_space<vmem>>
        %dma_start3A_1081 = tpu.memref_squeeze %dma_start3A_1080 : memref<1x50xi32, #tpu.memory_space<vmem>> -> memref<50xi32, #tpu.memory_space<vmem>>
        %dma_start3A_1082 = arith.constant 0 : i32
        %dma_start3A_1083 = arith.constant 0 : i32
        %dma_start3A_1084 = tpu.memref_slice %arg3[%dma_start3A_1082, %dma_start3A_1083] : memref<2000000x64xf32, #tpu.memory_space<hbm>> -> memref<2000000x64xf32, #tpu.memory_space<hbm>>
        tpu.enqueue_indirect_dma source(%dma_start3A_1084 : memref<2000000x64xf32, #tpu.memory_space<hbm>>) target(%dma_start3A_1078 : memref<50x64xf32, #tpu.memory_space<vmem>>) offsets(%dma_start3A_1081 : memref<50xi32, #tpu.memory_space<vmem>>) semaphore(%arg9 : memref<!tpu.dma_semaphore, #tpu.memory_space<semaphore_mem>>)
        %mul3A_1085 = arith.constant 8 : i32
        %mul3A_1086 = arith.muli %add3A_532, %mul3A_1085 : i32
        %add3A_1087 = arith.constant 1 : i32
        %add3A_1088 = arith.addi %mul3A_1086, %add3A_1087 : i32
        %dma_start3A_1089 = arith.constant 2 : i32
        %dma_start3A_1090 = arith.constant 1 : i32
        %dma_start3A_1091 = arith.constant 0 : i32
        %dma_start3A_1092 = arith.constant 0 : i32
        %dma_start3A_1093 = arith.constant 0 : i32
        %dma_start3A_1094 = tpu.memref_slice %arg6[%dma_start3A_1089, %dma_start3A_1091, %dma_start3A_1092, %dma_start3A_1093] : memref<4x8x50x64xf32, #tpu.memory_space<vmem>> -> memref<1x8x50x64xf32, #tpu.memory_space<vmem>>
        %dma_start3A_1095 = tpu.memref_squeeze %dma_start3A_1094 : memref<1x8x50x64xf32, #tpu.memory_space<vmem>> -> memref<8x50x64xf32, #tpu.memory_space<vmem>>
        %dma_start3A_1096 = arith.constant 0 : i32
        %dma_start3A_1097 = arith.constant 0 : i32
        %dma_start3A_1098 = tpu.memref_slice %dma_start3A_1095[%dma_start3A_1090, %dma_start3A_1096, %dma_start3A_1097] : memref<8x50x64xf32, #tpu.memory_space<vmem>> -> memref<1x50x64xf32, #tpu.memory_space<vmem>>
        %dma_start3A_1099 = tpu.memref_squeeze %dma_start3A_1098 : memref<1x50x64xf32, #tpu.memory_space<vmem>> -> memref<50x64xf32, #tpu.memory_space<vmem>>
        %dma_start3A_1100 = arith.constant 0 : i32
        %dma_start3A_1101 = tpu.memref_slice %arg5[%add3A_1088, %dma_start3A_1100] : memref<512x50xi32, #tpu.memory_space<vmem>> -> memref<1x50xi32, #tpu.memory_space<vmem>>
        %dma_start3A_1102 = tpu.memref_squeeze %dma_start3A_1101 : memref<1x50xi32, #tpu.memory_space<vmem>> -> memref<50xi32, #tpu.memory_space<vmem>>
        %dma_start3A_1103 = arith.constant 0 : i32
        %dma_start3A_1104 = arith.constant 0 : i32
        %dma_start3A_1105 = tpu.memref_slice %arg3[%dma_start3A_1103, %dma_start3A_1104] : memref<2000000x64xf32, #tpu.memory_space<hbm>> -> memref<2000000x64xf32, #tpu.memory_space<hbm>>
        tpu.enqueue_indirect_dma source(%dma_start3A_1105 : memref<2000000x64xf32, #tpu.memory_space<hbm>>) target(%dma_start3A_1099 : memref<50x64xf32, #tpu.memory_space<vmem>>) offsets(%dma_start3A_1102 : memref<50xi32, #tpu.memory_space<vmem>>) semaphore(%arg9 : memref<!tpu.dma_semaphore, #tpu.memory_space<semaphore_mem>>)
        %mul3A_1106 = arith.constant 8 : i32
        %mul3A_1107 = arith.muli %add3A_532, %mul3A_1106 : i32
        %add3A_1108 = arith.constant 2 : i32
        %add3A_1109 = arith.addi %mul3A_1107, %add3A_1108 : i32
        %dma_start3A_1110 = arith.constant 2 : i32
        %dma_start3A_1111 = arith.constant 2 : i32
        %dma_start3A_1112 = arith.constant 0 : i32
        %dma_start3A_1113 = arith.constant 0 : i32
        %dma_start3A_1114 = arith.constant 0 : i32
        %dma_start3A_1115 = tpu.memref_slice %arg6[%dma_start3A_1110, %dma_start3A_1112, %dma_start3A_1113, %dma_start3A_1114] : memref<4x8x50x64xf32, #tpu.memory_space<vmem>> -> memref<1x8x50x64xf32, #tpu.memory_space<vmem>>
        %dma_start3A_1116 = tpu.memref_squeeze %dma_start3A_1115 : memref<1x8x50x64xf32, #tpu.memory_space<vmem>> -> memref<8x50x64xf32, #tpu.memory_space<vmem>>
        %dma_start3A_1117 = arith.constant 0 : i32
        %dma_start3A_1118 = arith.constant 0 : i32
        %dma_start3A_1119 = tpu.memref_slice %dma_start3A_1116[%dma_start3A_1111, %dma_start3A_1117, %dma_start3A_1118] : memref<8x50x64xf32, #tpu.memory_space<vmem>> -> memref<1x50x64xf32, #tpu.memory_space<vmem>>
        %dma_start3A_1120 = tpu.memref_squeeze %dma_start3A_1119 : memref<1x50x64xf32, #tpu.memory_space<vmem>> -> memref<50x64xf32, #tpu.memory_space<vmem>>
        %dma_start3A_1121 = arith.constant 0 : i32
        %dma_start3A_1122 = tpu.memref_slice %arg5[%add3A_1109, %dma_start3A_1121] : memref<512x50xi32, #tpu.memory_space<vmem>> -> memref<1x50xi32, #tpu.memory_space<vmem>>
        %dma_start3A_1123 = tpu.memref_squeeze %dma_start3A_1122 : memref<1x50xi32, #tpu.memory_space<vmem>> -> memref<50xi32, #tpu.memory_space<vmem>>
        %dma_start3A_1124 = arith.constant 0 : i32
        %dma_start3A_1125 = arith.constant 0 : i32
        %dma_start3A_1126 = tpu.memref_slice %arg3[%dma_start3A_1124, %dma_start3A_1125] : memref<2000000x64xf32, #tpu.memory_space<hbm>> -> memref<2000000x64xf32, #tpu.memory_space<hbm>>
        tpu.enqueue_indirect_dma source(%dma_start3A_1126 : memref<2000000x64xf32, #tpu.memory_space<hbm>>) target(%dma_start3A_1120 : memref<50x64xf32, #tpu.memory_space<vmem>>) offsets(%dma_start3A_1123 : memref<50xi32, #tpu.memory_space<vmem>>) semaphore(%arg9 : memref<!tpu.dma_semaphore, #tpu.memory_space<semaphore_mem>>)
        %mul3A_1127 = arith.constant 8 : i32
        %mul3A_1128 = arith.muli %add3A_532, %mul3A_1127 : i32
        %add3A_1129 = arith.constant 3 : i32
        %add3A_1130 = arith.addi %mul3A_1128, %add3A_1129 : i32
        %dma_start3A_1131 = arith.constant 2 : i32
        %dma_start3A_1132 = arith.constant 3 : i32
        %dma_start3A_1133 = arith.constant 0 : i32
        %dma_start3A_1134 = arith.constant 0 : i32
        %dma_start3A_1135 = arith.constant 0 : i32
        %dma_start3A_1136 = tpu.memref_slice %arg6[%dma_start3A_1131, %dma_start3A_1133, %dma_start3A_1134, %dma_start3A_1135] : memref<4x8x50x64xf32, #tpu.memory_space<vmem>> -> memref<1x8x50x64xf32, #tpu.memory_space<vmem>>
        %dma_start3A_1137 = tpu.memref_squeeze %dma_start3A_1136 : memref<1x8x50x64xf32, #tpu.memory_space<vmem>> -> memref<8x50x64xf32, #tpu.memory_space<vmem>>
        %dma_start3A_1138 = arith.constant 0 : i32
        %dma_start3A_1139 = arith.constant 0 : i32
        %dma_start3A_1140 = tpu.memref_slice %dma_start3A_1137[%dma_start3A_1132, %dma_start3A_1138, %dma_start3A_1139] : memref<8x50x64xf32, #tpu.memory_space<vmem>> -> memref<1x50x64xf32, #tpu.memory_space<vmem>>
        %dma_start3A_1141 = tpu.memref_squeeze %dma_start3A_1140 : memref<1x50x64xf32, #tpu.memory_space<vmem>> -> memref<50x64xf32, #tpu.memory_space<vmem>>
        %dma_start3A_1142 = arith.constant 0 : i32
        %dma_start3A_1143 = tpu.memref_slice %arg5[%add3A_1130, %dma_start3A_1142] : memref<512x50xi32, #tpu.memory_space<vmem>> -> memref<1x50xi32, #tpu.memory_space<vmem>>
        %dma_start3A_1144 = tpu.memref_squeeze %dma_start3A_1143 : memref<1x50xi32, #tpu.memory_space<vmem>> -> memref<50xi32, #tpu.memory_space<vmem>>
        %dma_start3A_1145 = arith.constant 0 : i32
        %dma_start3A_1146 = arith.constant 0 : i32
        %dma_start3A_1147 = tpu.memref_slice %arg3[%dma_start3A_1145, %dma_start3A_1146] : memref<2000000x64xf32, #tpu.memory_space<hbm>> -> memref<2000000x64xf32, #tpu.memory_space<hbm>>
        tpu.enqueue_indirect_dma source(%dma_start3A_1147 : memref<2000000x64xf32, #tpu.memory_space<hbm>>) target(%dma_start3A_1141 : memref<50x64xf32, #tpu.memory_space<vmem>>) offsets(%dma_start3A_1144 : memref<50xi32, #tpu.memory_space<vmem>>) semaphore(%arg9 : memref<!tpu.dma_semaphore, #tpu.memory_space<semaphore_mem>>)
        %mul3A_1148 = arith.constant 8 : i32
        %mul3A_1149 = arith.muli %add3A_532, %mul3A_1148 : i32
        %add3A_1150 = arith.constant 4 : i32
        %add3A_1151 = arith.addi %mul3A_1149, %add3A_1150 : i32
        %dma_start3A_1152 = arith.constant 2 : i32
        %dma_start3A_1153 = arith.constant 4 : i32
        %dma_start3A_1154 = arith.constant 0 : i32
        %dma_start3A_1155 = arith.constant 0 : i32
        %dma_start3A_1156 = arith.constant 0 : i32
        %dma_start3A_1157 = tpu.memref_slice %arg6[%dma_start3A_1152, %dma_start3A_1154, %dma_start3A_1155, %dma_start3A_1156] : memref<4x8x50x64xf32, #tpu.memory_space<vmem>> -> memref<1x8x50x64xf32, #tpu.memory_space<vmem>>
        %dma_start3A_1158 = tpu.memref_squeeze %dma_start3A_1157 : memref<1x8x50x64xf32, #tpu.memory_space<vmem>> -> memref<8x50x64xf32, #tpu.memory_space<vmem>>
        %dma_start3A_1159 = arith.constant 0 : i32
        %dma_start3A_1160 = arith.constant 0 : i32
        %dma_start3A_1161 = tpu.memref_slice %dma_start3A_1158[%dma_start3A_1153, %dma_start3A_1159, %dma_start3A_1160] : memref<8x50x64xf32, #tpu.memory_space<vmem>> -> memref<1x50x64xf32, #tpu.memory_space<vmem>>
        %dma_start3A_1162 = tpu.memref_squeeze %dma_start3A_1161 : memref<1x50x64xf32, #tpu.memory_space<vmem>> -> memref<50x64xf32, #tpu.memory_space<vmem>>
        %dma_start3A_1163 = arith.constant 0 : i32
        %dma_start3A_1164 = tpu.memref_slice %arg5[%add3A_1151, %dma_start3A_1163] : memref<512x50xi32, #tpu.memory_space<vmem>> -> memref<1x50xi32, #tpu.memory_space<vmem>>
        %dma_start3A_1165 = tpu.memref_squeeze %dma_start3A_1164 : memref<1x50xi32, #tpu.memory_space<vmem>> -> memref<50xi32, #tpu.memory_space<vmem>>
        %dma_start3A_1166 = arith.constant 0 : i32
        %dma_start3A_1167 = arith.constant 0 : i32
        %dma_start3A_1168 = tpu.memref_slice %arg3[%dma_start3A_1166, %dma_start3A_1167] : memref<2000000x64xf32, #tpu.memory_space<hbm>> -> memref<2000000x64xf32, #tpu.memory_space<hbm>>
        tpu.enqueue_indirect_dma source(%dma_start3A_1168 : memref<2000000x64xf32, #tpu.memory_space<hbm>>) target(%dma_start3A_1162 : memref<50x64xf32, #tpu.memory_space<vmem>>) offsets(%dma_start3A_1165 : memref<50xi32, #tpu.memory_space<vmem>>) semaphore(%arg9 : memref<!tpu.dma_semaphore, #tpu.memory_space<semaphore_mem>>)
        %mul3A_1169 = arith.constant 8 : i32
        %mul3A_1170 = arith.muli %add3A_532, %mul3A_1169 : i32
        %add3A_1171 = arith.constant 5 : i32
        %add3A_1172 = arith.addi %mul3A_1170, %add3A_1171 : i32
        %dma_start3A_1173 = arith.constant 2 : i32
        %dma_start3A_1174 = arith.constant 5 : i32
        %dma_start3A_1175 = arith.constant 0 : i32
        %dma_start3A_1176 = arith.constant 0 : i32
        %dma_start3A_1177 = arith.constant 0 : i32
        %dma_start3A_1178 = tpu.memref_slice %arg6[%dma_start3A_1173, %dma_start3A_1175, %dma_start3A_1176, %dma_start3A_1177] : memref<4x8x50x64xf32, #tpu.memory_space<vmem>> -> memref<1x8x50x64xf32, #tpu.memory_space<vmem>>
        %dma_start3A_1179 = tpu.memref_squeeze %dma_start3A_1178 : memref<1x8x50x64xf32, #tpu.memory_space<vmem>> -> memref<8x50x64xf32, #tpu.memory_space<vmem>>
        %dma_start3A_1180 = arith.constant 0 : i32
        %dma_start3A_1181 = arith.constant 0 : i32
        %dma_start3A_1182 = tpu.memref_slice %dma_start3A_1179[%dma_start3A_1174, %dma_start3A_1180, %dma_start3A_1181] : memref<8x50x64xf32, #tpu.memory_space<vmem>> -> memref<1x50x64xf32, #tpu.memory_space<vmem>>
        %dma_start3A_1183 = tpu.memref_squeeze %dma_start3A_1182 : memref<1x50x64xf32, #tpu.memory_space<vmem>> -> memref<50x64xf32, #tpu.memory_space<vmem>>
        %dma_start3A_1184 = arith.constant 0 : i32
        %dma_start3A_1185 = tpu.memref_slice %arg5[%add3A_1172, %dma_start3A_1184] : memref<512x50xi32, #tpu.memory_space<vmem>> -> memref<1x50xi32, #tpu.memory_space<vmem>>
        %dma_start3A_1186 = tpu.memref_squeeze %dma_start3A_1185 : memref<1x50xi32, #tpu.memory_space<vmem>> -> memref<50xi32, #tpu.memory_space<vmem>>
        %dma_start3A_1187 = arith.constant 0 : i32
        %dma_start3A_1188 = arith.constant 0 : i32
        %dma_start3A_1189 = tpu.memref_slice %arg3[%dma_start3A_1187, %dma_start3A_1188] : memref<2000000x64xf32, #tpu.memory_space<hbm>> -> memref<2000000x64xf32, #tpu.memory_space<hbm>>
        tpu.enqueue_indirect_dma source(%dma_start3A_1189 : memref<2000000x64xf32, #tpu.memory_space<hbm>>) target(%dma_start3A_1183 : memref<50x64xf32, #tpu.memory_space<vmem>>) offsets(%dma_start3A_1186 : memref<50xi32, #tpu.memory_space<vmem>>) semaphore(%arg9 : memref<!tpu.dma_semaphore, #tpu.memory_space<semaphore_mem>>)
        %mul3A_1190 = arith.constant 8 : i32
        %mul3A_1191 = arith.muli %add3A_532, %mul3A_1190 : i32
        %add3A_1192 = arith.constant 6 : i32
        %add3A_1193 = arith.addi %mul3A_1191, %add3A_1192 : i32
        %dma_start3A_1194 = arith.constant 2 : i32
        %dma_start3A_1195 = arith.constant 6 : i32
        %dma_start3A_1196 = arith.constant 0 : i32
        %dma_start3A_1197 = arith.constant 0 : i32
        %dma_start3A_1198 = arith.constant 0 : i32
        %dma_start3A_1199 = tpu.memref_slice %arg6[%dma_start3A_1194, %dma_start3A_1196, %dma_start3A_1197, %dma_start3A_1198] : memref<4x8x50x64xf32, #tpu.memory_space<vmem>> -> memref<1x8x50x64xf32, #tpu.memory_space<vmem>>
        %dma_start3A_1200 = tpu.memref_squeeze %dma_start3A_1199 : memref<1x8x50x64xf32, #tpu.memory_space<vmem>> -> memref<8x50x64xf32, #tpu.memory_space<vmem>>
        %dma_start3A_1201 = arith.constant 0 : i32
        %dma_start3A_1202 = arith.constant 0 : i32
        %dma_start3A_1203 = tpu.memref_slice %dma_start3A_1200[%dma_start3A_1195, %dma_start3A_1201, %dma_start3A_1202] : memref<8x50x64xf32, #tpu.memory_space<vmem>> -> memref<1x50x64xf32, #tpu.memory_space<vmem>>
        %dma_start3A_1204 = tpu.memref_squeeze %dma_start3A_1203 : memref<1x50x64xf32, #tpu.memory_space<vmem>> -> memref<50x64xf32, #tpu.memory_space<vmem>>
        %dma_start3A_1205 = arith.constant 0 : i32
        %dma_start3A_1206 = tpu.memref_slice %arg5[%add3A_1193, %dma_start3A_1205] : memref<512x50xi32, #tpu.memory_space<vmem>> -> memref<1x50xi32, #tpu.memory_space<vmem>>
        %dma_start3A_1207 = tpu.memref_squeeze %dma_start3A_1206 : memref<1x50xi32, #tpu.memory_space<vmem>> -> memref<50xi32, #tpu.memory_space<vmem>>
        %dma_start3A_1208 = arith.constant 0 : i32
        %dma_start3A_1209 = arith.constant 0 : i32
        %dma_start3A_1210 = tpu.memref_slice %arg3[%dma_start3A_1208, %dma_start3A_1209] : memref<2000000x64xf32, #tpu.memory_space<hbm>> -> memref<2000000x64xf32, #tpu.memory_space<hbm>>
        tpu.enqueue_indirect_dma source(%dma_start3A_1210 : memref<2000000x64xf32, #tpu.memory_space<hbm>>) target(%dma_start3A_1204 : memref<50x64xf32, #tpu.memory_space<vmem>>) offsets(%dma_start3A_1207 : memref<50xi32, #tpu.memory_space<vmem>>) semaphore(%arg9 : memref<!tpu.dma_semaphore, #tpu.memory_space<semaphore_mem>>)
        %mul3A_1211 = arith.constant 8 : i32
        %mul3A_1212 = arith.muli %add3A_532, %mul3A_1211 : i32
        %add3A_1213 = arith.constant 7 : i32
        %add3A_1214 = arith.addi %mul3A_1212, %add3A_1213 : i32
        %dma_start3A_1215 = arith.constant 2 : i32
        %dma_start3A_1216 = arith.constant 7 : i32
        %dma_start3A_1217 = arith.constant 0 : i32
        %dma_start3A_1218 = arith.constant 0 : i32
        %dma_start3A_1219 = arith.constant 0 : i32
        %dma_start3A_1220 = tpu.memref_slice %arg6[%dma_start3A_1215, %dma_start3A_1217, %dma_start3A_1218, %dma_start3A_1219] : memref<4x8x50x64xf32, #tpu.memory_space<vmem>> -> memref<1x8x50x64xf32, #tpu.memory_space<vmem>>
        %dma_start3A_1221 = tpu.memref_squeeze %dma_start3A_1220 : memref<1x8x50x64xf32, #tpu.memory_space<vmem>> -> memref<8x50x64xf32, #tpu.memory_space<vmem>>
        %dma_start3A_1222 = arith.constant 0 : i32
        %dma_start3A_1223 = arith.constant 0 : i32
        %dma_start3A_1224 = tpu.memref_slice %dma_start3A_1221[%dma_start3A_1216, %dma_start3A_1222, %dma_start3A_1223] : memref<8x50x64xf32, #tpu.memory_space<vmem>> -> memref<1x50x64xf32, #tpu.memory_space<vmem>>
        %dma_start3A_1225 = tpu.memref_squeeze %dma_start3A_1224 : memref<1x50x64xf32, #tpu.memory_space<vmem>> -> memref<50x64xf32, #tpu.memory_space<vmem>>
        %dma_start3A_1226 = arith.constant 0 : i32
        %dma_start3A_1227 = tpu.memref_slice %arg5[%add3A_1214, %dma_start3A_1226] : memref<512x50xi32, #tpu.memory_space<vmem>> -> memref<1x50xi32, #tpu.memory_space<vmem>>
        %dma_start3A_1228 = tpu.memref_squeeze %dma_start3A_1227 : memref<1x50xi32, #tpu.memory_space<vmem>> -> memref<50xi32, #tpu.memory_space<vmem>>
        %dma_start3A_1229 = arith.constant 0 : i32
        %dma_start3A_1230 = arith.constant 0 : i32
        %dma_start3A_1231 = tpu.memref_slice %arg3[%dma_start3A_1229, %dma_start3A_1230] : memref<2000000x64xf32, #tpu.memory_space<hbm>> -> memref<2000000x64xf32, #tpu.memory_space<hbm>>
        tpu.enqueue_indirect_dma source(%dma_start3A_1231 : memref<2000000x64xf32, #tpu.memory_space<hbm>>) target(%dma_start3A_1225 : memref<50x64xf32, #tpu.memory_space<vmem>>) offsets(%dma_start3A_1228 : memref<50xi32, #tpu.memory_space<vmem>>) semaphore(%arg9 : memref<!tpu.dma_semaphore, #tpu.memory_space<semaphore_mem>>)
      } else {
      }
      %mul3A_535 = arith.constant 4 : i32
      %mul3A_536 = arith.muli %scan3A_362, %mul3A_535 : i32
      %add3A_537 = arith.constant 1 : i32
      %add3A_538 = arith.addi %mul3A_536, %add3A_537 : i32
      %dma_wait3A_539 = arith.constant 0 : i32
      %dma_wait3A_540 = arith.constant 1 : i32
      %dma_wait3A_541 = arith.constant 0 : i32
      %dma_wait3A_542 = arith.constant 0 : i32
      %dma_wait3A_543 = arith.constant 0 : i32
      %dma_wait3A_544 = arith.constant 0 : i32
      %dma_wait3A_545 = tpu.memref_slice %arg6[%dma_wait3A_540, %dma_wait3A_542, %dma_wait3A_543, %dma_wait3A_544] : memref<4x8x50x64xf32, #tpu.memory_space<vmem>> -> memref<1x8x50x64xf32, #tpu.memory_space<vmem>>
      %dma_wait3A_546 = tpu.memref_squeeze %dma_wait3A_545 : memref<1x8x50x64xf32, #tpu.memory_space<vmem>> -> memref<8x50x64xf32, #tpu.memory_space<vmem>>
      %dma_wait3A_547 = arith.constant 0 : i32
      %dma_wait3A_548 = arith.constant 0 : i32
      %dma_wait3A_549 = tpu.memref_slice %dma_wait3A_546[%dma_wait3A_541, %dma_wait3A_547, %dma_wait3A_548] : memref<8x50x64xf32, #tpu.memory_space<vmem>> -> memref<1x50x64xf32, #tpu.memory_space<vmem>>
      %dma_wait3A_550 = tpu.memref_squeeze %dma_wait3A_549 : memref<1x50x64xf32, #tpu.memory_space<vmem>> -> memref<50x64xf32, #tpu.memory_space<vmem>>
      %dma_wait3A_551 = arith.constant 0 : i32
      %dma_wait3A_552 = tpu.memref_slice %arg5[%dma_wait3A_539, %dma_wait3A_551] : memref<512x50xi32, #tpu.memory_space<vmem>> -> memref<1x50xi32, #tpu.memory_space<vmem>>
      %dma_wait3A_553 = tpu.memref_squeeze %dma_wait3A_552 : memref<1x50xi32, #tpu.memory_space<vmem>> -> memref<50xi32, #tpu.memory_space<vmem>>
      %dma_wait3A_554 = arith.constant 0 : i32
      %dma_wait3A_555 = arith.constant 0 : i32
      %dma_wait3A_556 = tpu.memref_slice %arg3[%dma_wait3A_554, %dma_wait3A_555] : memref<2000000x64xf32, #tpu.memory_space<hbm>> -> memref<2000000x64xf32, #tpu.memory_space<hbm>>
      tpu.wait_indirect_dma semaphore(%arg8 : memref<!tpu.dma_semaphore, #tpu.memory_space<semaphore_mem>>) src(%dma_wait3A_556 : memref<2000000x64xf32, #tpu.memory_space<hbm>>) dst(%dma_wait3A_550 : memref<50x64xf32, #tpu.memory_space<vmem>>)
      %dma_wait3A_557 = arith.constant 0 : i32
      %dma_wait3A_558 = arith.constant 1 : i32
      %dma_wait3A_559 = arith.constant 1 : i32
      %dma_wait3A_560 = arith.constant 0 : i32
      %dma_wait3A_561 = arith.constant 0 : i32
      %dma_wait3A_562 = arith.constant 0 : i32
      %dma_wait3A_563 = tpu.memref_slice %arg6[%dma_wait3A_558, %dma_wait3A_560, %dma_wait3A_561, %dma_wait3A_562] : memref<4x8x50x64xf32, #tpu.memory_space<vmem>> -> memref<1x8x50x64xf32, #tpu.memory_space<vmem>>
      %dma_wait3A_564 = tpu.memref_squeeze %dma_wait3A_563 : memref<1x8x50x64xf32, #tpu.memory_space<vmem>> -> memref<8x50x64xf32, #tpu.memory_space<vmem>>
      %dma_wait3A_565 = arith.constant 0 : i32
      %dma_wait3A_566 = arith.constant 0 : i32
      %dma_wait3A_567 = tpu.memref_slice %dma_wait3A_564[%dma_wait3A_559, %dma_wait3A_565, %dma_wait3A_566] : memref<8x50x64xf32, #tpu.memory_space<vmem>> -> memref<1x50x64xf32, #tpu.memory_space<vmem>>
      %dma_wait3A_568 = tpu.memref_squeeze %dma_wait3A_567 : memref<1x50x64xf32, #tpu.memory_space<vmem>> -> memref<50x64xf32, #tpu.memory_space<vmem>>
      %dma_wait3A_569 = arith.constant 0 : i32
      %dma_wait3A_570 = tpu.memref_slice %arg5[%dma_wait3A_557, %dma_wait3A_569] : memref<512x50xi32, #tpu.memory_space<vmem>> -> memref<1x50xi32, #tpu.memory_space<vmem>>
      %dma_wait3A_571 = tpu.memref_squeeze %dma_wait3A_570 : memref<1x50xi32, #tpu.memory_space<vmem>> -> memref<50xi32, #tpu.memory_space<vmem>>
      %dma_wait3A_572 = arith.constant 0 : i32
      %dma_wait3A_573 = arith.constant 0 : i32
      %dma_wait3A_574 = tpu.memref_slice %arg3[%dma_wait3A_572, %dma_wait3A_573] : memref<2000000x64xf32, #tpu.memory_space<hbm>> -> memref<2000000x64xf32, #tpu.memory_space<hbm>>
      tpu.wait_indirect_dma semaphore(%arg8 : memref<!tpu.dma_semaphore, #tpu.memory_space<semaphore_mem>>) src(%dma_wait3A_574 : memref<2000000x64xf32, #tpu.memory_space<hbm>>) dst(%dma_wait3A_568 : memref<50x64xf32, #tpu.memory_space<vmem>>)
      %dma_wait3A_575 = arith.constant 0 : i32
      %dma_wait3A_576 = arith.constant 1 : i32
      %dma_wait3A_577 = arith.constant 2 : i32
      %dma_wait3A_578 = arith.constant 0 : i32
      %dma_wait3A_579 = arith.constant 0 : i32
      %dma_wait3A_580 = arith.constant 0 : i32
      %dma_wait3A_581 = tpu.memref_slice %arg6[%dma_wait3A_576, %dma_wait3A_578, %dma_wait3A_579, %dma_wait3A_580] : memref<4x8x50x64xf32, #tpu.memory_space<vmem>> -> memref<1x8x50x64xf32, #tpu.memory_space<vmem>>
      %dma_wait3A_582 = tpu.memref_squeeze %dma_wait3A_581 : memref<1x8x50x64xf32, #tpu.memory_space<vmem>> -> memref<8x50x64xf32, #tpu.memory_space<vmem>>
      %dma_wait3A_583 = arith.constant 0 : i32
      %dma_wait3A_584 = arith.constant 0 : i32
      %dma_wait3A_585 = tpu.memref_slice %dma_wait3A_582[%dma_wait3A_577, %dma_wait3A_583, %dma_wait3A_584] : memref<8x50x64xf32, #tpu.memory_space<vmem>> -> memref<1x50x64xf32, #tpu.memory_space<vmem>>
      %dma_wait3A_586 = tpu.memref_squeeze %dma_wait3A_585 : memref<1x50x64xf32, #tpu.memory_space<vmem>> -> memref<50x64xf32, #tpu.memory_space<vmem>>
      %dma_wait3A_587 = arith.constant 0 : i32
      %dma_wait3A_588 = tpu.memref_slice %arg5[%dma_wait3A_575, %dma_wait3A_587] : memref<512x50xi32, #tpu.memory_space<vmem>> -> memref<1x50xi32, #tpu.memory_space<vmem>>
      %dma_wait3A_589 = tpu.memref_squeeze %dma_wait3A_588 : memref<1x50xi32, #tpu.memory_space<vmem>> -> memref<50xi32, #tpu.memory_space<vmem>>
      %dma_wait3A_590 = arith.constant 0 : i32
      %dma_wait3A_591 = arith.constant 0 : i32
      %dma_wait3A_592 = tpu.memref_slice %arg3[%dma_wait3A_590, %dma_wait3A_591] : memref<2000000x64xf32, #tpu.memory_space<hbm>> -> memref<2000000x64xf32, #tpu.memory_space<hbm>>
      tpu.wait_indirect_dma semaphore(%arg8 : memref<!tpu.dma_semaphore, #tpu.memory_space<semaphore_mem>>) src(%dma_wait3A_592 : memref<2000000x64xf32, #tpu.memory_space<hbm>>) dst(%dma_wait3A_586 : memref<50x64xf32, #tpu.memory_space<vmem>>)
      %dma_wait3A_593 = arith.constant 0 : i32
      %dma_wait3A_594 = arith.constant 1 : i32
      %dma_wait3A_595 = arith.constant 3 : i32
      %dma_wait3A_596 = arith.constant 0 : i32
      %dma_wait3A_597 = arith.constant 0 : i32
      %dma_wait3A_598 = arith.constant 0 : i32
      %dma_wait3A_599 = tpu.memref_slice %arg6[%dma_wait3A_594, %dma_wait3A_596, %dma_wait3A_597, %dma_wait3A_598] : memref<4x8x50x64xf32, #tpu.memory_space<vmem>> -> memref<1x8x50x64xf32, #tpu.memory_space<vmem>>
      %dma_wait3A_600 = tpu.memref_squeeze %dma_wait3A_599 : memref<1x8x50x64xf32, #tpu.memory_space<vmem>> -> memref<8x50x64xf32, #tpu.memory_space<vmem>>
      %dma_wait3A_601 = arith.constant 0 : i32
      %dma_wait3A_602 = arith.constant 0 : i32
      %dma_wait3A_603 = tpu.memref_slice %dma_wait3A_600[%dma_wait3A_595, %dma_wait3A_601, %dma_wait3A_602] : memref<8x50x64xf32, #tpu.memory_space<vmem>> -> memref<1x50x64xf32, #tpu.memory_space<vmem>>
      %dma_wait3A_604 = tpu.memref_squeeze %dma_wait3A_603 : memref<1x50x64xf32, #tpu.memory_space<vmem>> -> memref<50x64xf32, #tpu.memory_space<vmem>>
      %dma_wait3A_605 = arith.constant 0 : i32
      %dma_wait3A_606 = tpu.memref_slice %arg5[%dma_wait3A_593, %dma_wait3A_605] : memref<512x50xi32, #tpu.memory_space<vmem>> -> memref<1x50xi32, #tpu.memory_space<vmem>>
      %dma_wait3A_607 = tpu.memref_squeeze %dma_wait3A_606 : memref<1x50xi32, #tpu.memory_space<vmem>> -> memref<50xi32, #tpu.memory_space<vmem>>
      %dma_wait3A_608 = arith.constant 0 : i32
      %dma_wait3A_609 = arith.constant 0 : i32
      %dma_wait3A_610 = tpu.memref_slice %arg3[%dma_wait3A_608, %dma_wait3A_609] : memref<2000000x64xf32, #tpu.memory_space<hbm>> -> memref<2000000x64xf32, #tpu.memory_space<hbm>>
      tpu.wait_indirect_dma semaphore(%arg8 : memref<!tpu.dma_semaphore, #tpu.memory_space<semaphore_mem>>) src(%dma_wait3A_610 : memref<2000000x64xf32, #tpu.memory_space<hbm>>) dst(%dma_wait3A_604 : memref<50x64xf32, #tpu.memory_space<vmem>>)
      %dma_wait3A_611 = arith.constant 0 : i32
      %dma_wait3A_612 = arith.constant 1 : i32
      %dma_wait3A_613 = arith.constant 4 : i32
      %dma_wait3A_614 = arith.constant 0 : i32
      %dma_wait3A_615 = arith.constant 0 : i32
      %dma_wait3A_616 = arith.constant 0 : i32
      %dma_wait3A_617 = tpu.memref_slice %arg6[%dma_wait3A_612, %dma_wait3A_614, %dma_wait3A_615, %dma_wait3A_616] : memref<4x8x50x64xf32, #tpu.memory_space<vmem>> -> memref<1x8x50x64xf32, #tpu.memory_space<vmem>>
      %dma_wait3A_618 = tpu.memref_squeeze %dma_wait3A_617 : memref<1x8x50x64xf32, #tpu.memory_space<vmem>> -> memref<8x50x64xf32, #tpu.memory_space<vmem>>
      %dma_wait3A_619 = arith.constant 0 : i32
      %dma_wait3A_620 = arith.constant 0 : i32
      %dma_wait3A_621 = tpu.memref_slice %dma_wait3A_618[%dma_wait3A_613, %dma_wait3A_619, %dma_wait3A_620] : memref<8x50x64xf32, #tpu.memory_space<vmem>> -> memref<1x50x64xf32, #tpu.memory_space<vmem>>
      %dma_wait3A_622 = tpu.memref_squeeze %dma_wait3A_621 : memref<1x50x64xf32, #tpu.memory_space<vmem>> -> memref<50x64xf32, #tpu.memory_space<vmem>>
      %dma_wait3A_623 = arith.constant 0 : i32
      %dma_wait3A_624 = tpu.memref_slice %arg5[%dma_wait3A_611, %dma_wait3A_623] : memref<512x50xi32, #tpu.memory_space<vmem>> -> memref<1x50xi32, #tpu.memory_space<vmem>>
      %dma_wait3A_625 = tpu.memref_squeeze %dma_wait3A_624 : memref<1x50xi32, #tpu.memory_space<vmem>> -> memref<50xi32, #tpu.memory_space<vmem>>
      %dma_wait3A_626 = arith.constant 0 : i32
      %dma_wait3A_627 = arith.constant 0 : i32
      %dma_wait3A_628 = tpu.memref_slice %arg3[%dma_wait3A_626, %dma_wait3A_627] : memref<2000000x64xf32, #tpu.memory_space<hbm>> -> memref<2000000x64xf32, #tpu.memory_space<hbm>>
      tpu.wait_indirect_dma semaphore(%arg8 : memref<!tpu.dma_semaphore, #tpu.memory_space<semaphore_mem>>) src(%dma_wait3A_628 : memref<2000000x64xf32, #tpu.memory_space<hbm>>) dst(%dma_wait3A_622 : memref<50x64xf32, #tpu.memory_space<vmem>>)
      %dma_wait3A_629 = arith.constant 0 : i32
      %dma_wait3A_630 = arith.constant 1 : i32
      %dma_wait3A_631 = arith.constant 5 : i32
      %dma_wait3A_632 = arith.constant 0 : i32
      %dma_wait3A_633 = arith.constant 0 : i32
      %dma_wait3A_634 = arith.constant 0 : i32
      %dma_wait3A_635 = tpu.memref_slice %arg6[%dma_wait3A_630, %dma_wait3A_632, %dma_wait3A_633, %dma_wait3A_634] : memref<4x8x50x64xf32, #tpu.memory_space<vmem>> -> memref<1x8x50x64xf32, #tpu.memory_space<vmem>>
      %dma_wait3A_636 = tpu.memref_squeeze %dma_wait3A_635 : memref<1x8x50x64xf32, #tpu.memory_space<vmem>> -> memref<8x50x64xf32, #tpu.memory_space<vmem>>
      %dma_wait3A_637 = arith.constant 0 : i32
      %dma_wait3A_638 = arith.constant 0 : i32
      %dma_wait3A_639 = tpu.memref_slice %dma_wait3A_636[%dma_wait3A_631, %dma_wait3A_637, %dma_wait3A_638] : memref<8x50x64xf32, #tpu.memory_space<vmem>> -> memref<1x50x64xf32, #tpu.memory_space<vmem>>
      %dma_wait3A_640 = tpu.memref_squeeze %dma_wait3A_639 : memref<1x50x64xf32, #tpu.memory_space<vmem>> -> memref<50x64xf32, #tpu.memory_space<vmem>>
      %dma_wait3A_641 = arith.constant 0 : i32
      %dma_wait3A_642 = tpu.memref_slice %arg5[%dma_wait3A_629, %dma_wait3A_641] : memref<512x50xi32, #tpu.memory_space<vmem>> -> memref<1x50xi32, #tpu.memory_space<vmem>>
      %dma_wait3A_643 = tpu.memref_squeeze %dma_wait3A_642 : memref<1x50xi32, #tpu.memory_space<vmem>> -> memref<50xi32, #tpu.memory_space<vmem>>
      %dma_wait3A_644 = arith.constant 0 : i32
      %dma_wait3A_645 = arith.constant 0 : i32
      %dma_wait3A_646 = tpu.memref_slice %arg3[%dma_wait3A_644, %dma_wait3A_645] : memref<2000000x64xf32, #tpu.memory_space<hbm>> -> memref<2000000x64xf32, #tpu.memory_space<hbm>>
      tpu.wait_indirect_dma semaphore(%arg8 : memref<!tpu.dma_semaphore, #tpu.memory_space<semaphore_mem>>) src(%dma_wait3A_646 : memref<2000000x64xf32, #tpu.memory_space<hbm>>) dst(%dma_wait3A_640 : memref<50x64xf32, #tpu.memory_space<vmem>>)
      %dma_wait3A_647 = arith.constant 0 : i32
      %dma_wait3A_648 = arith.constant 1 : i32
      %dma_wait3A_649 = arith.constant 6 : i32
      %dma_wait3A_650 = arith.constant 0 : i32
      %dma_wait3A_651 = arith.constant 0 : i32
      %dma_wait3A_652 = arith.constant 0 : i32
      %dma_wait3A_653 = tpu.memref_slice %arg6[%dma_wait3A_648, %dma_wait3A_650, %dma_wait3A_651, %dma_wait3A_652] : memref<4x8x50x64xf32, #tpu.memory_space<vmem>> -> memref<1x8x50x64xf32, #tpu.memory_space<vmem>>
      %dma_wait3A_654 = tpu.memref_squeeze %dma_wait3A_653 : memref<1x8x50x64xf32, #tpu.memory_space<vmem>> -> memref<8x50x64xf32, #tpu.memory_space<vmem>>
      %dma_wait3A_655 = arith.constant 0 : i32
      %dma_wait3A_656 = arith.constant 0 : i32
      %dma_wait3A_657 = tpu.memref_slice %dma_wait3A_654[%dma_wait3A_649, %dma_wait3A_655, %dma_wait3A_656] : memref<8x50x64xf32, #tpu.memory_space<vmem>> -> memref<1x50x64xf32, #tpu.memory_space<vmem>>
      %dma_wait3A_658 = tpu.memref_squeeze %dma_wait3A_657 : memref<1x50x64xf32, #tpu.memory_space<vmem>> -> memref<50x64xf32, #tpu.memory_space<vmem>>
      %dma_wait3A_659 = arith.constant 0 : i32
      %dma_wait3A_660 = tpu.memref_slice %arg5[%dma_wait3A_647, %dma_wait3A_659] : memref<512x50xi32, #tpu.memory_space<vmem>> -> memref<1x50xi32, #tpu.memory_space<vmem>>
      %dma_wait3A_661 = tpu.memref_squeeze %dma_wait3A_660 : memref<1x50xi32, #tpu.memory_space<vmem>> -> memref<50xi32, #tpu.memory_space<vmem>>
      %dma_wait3A_662 = arith.constant 0 : i32
      %dma_wait3A_663 = arith.constant 0 : i32
      %dma_wait3A_664 = tpu.memref_slice %arg3[%dma_wait3A_662, %dma_wait3A_663] : memref<2000000x64xf32, #tpu.memory_space<hbm>> -> memref<2000000x64xf32, #tpu.memory_space<hbm>>
      tpu.wait_indirect_dma semaphore(%arg8 : memref<!tpu.dma_semaphore, #tpu.memory_space<semaphore_mem>>) src(%dma_wait3A_664 : memref<2000000x64xf32, #tpu.memory_space<hbm>>) dst(%dma_wait3A_658 : memref<50x64xf32, #tpu.memory_space<vmem>>)
      %dma_wait3A_665 = arith.constant 0 : i32
      %dma_wait3A_666 = arith.constant 1 : i32
      %dma_wait3A_667 = arith.constant 7 : i32
      %dma_wait3A_668 = arith.constant 0 : i32
      %dma_wait3A_669 = arith.constant 0 : i32
      %dma_wait3A_670 = arith.constant 0 : i32
      %dma_wait3A_671 = tpu.memref_slice %arg6[%dma_wait3A_666, %dma_wait3A_668, %dma_wait3A_669, %dma_wait3A_670] : memref<4x8x50x64xf32, #tpu.memory_space<vmem>> -> memref<1x8x50x64xf32, #tpu.memory_space<vmem>>
      %dma_wait3A_672 = tpu.memref_squeeze %dma_wait3A_671 : memref<1x8x50x64xf32, #tpu.memory_space<vmem>> -> memref<8x50x64xf32, #tpu.memory_space<vmem>>
      %dma_wait3A_673 = arith.constant 0 : i32
      %dma_wait3A_674 = arith.constant 0 : i32
      %dma_wait3A_675 = tpu.memref_slice %dma_wait3A_672[%dma_wait3A_667, %dma_wait3A_673, %dma_wait3A_674] : memref<8x50x64xf32, #tpu.memory_space<vmem>> -> memref<1x50x64xf32, #tpu.memory_space<vmem>>
      %dma_wait3A_676 = tpu.memref_squeeze %dma_wait3A_675 : memref<1x50x64xf32, #tpu.memory_space<vmem>> -> memref<50x64xf32, #tpu.memory_space<vmem>>
      %dma_wait3A_677 = arith.constant 0 : i32
      %dma_wait3A_678 = tpu.memref_slice %arg5[%dma_wait3A_665, %dma_wait3A_677] : memref<512x50xi32, #tpu.memory_space<vmem>> -> memref<1x50xi32, #tpu.memory_space<vmem>>
      %dma_wait3A_679 = tpu.memref_squeeze %dma_wait3A_678 : memref<1x50xi32, #tpu.memory_space<vmem>> -> memref<50xi32, #tpu.memory_space<vmem>>
      %dma_wait3A_680 = arith.constant 0 : i32
      %dma_wait3A_681 = arith.constant 0 : i32
      %dma_wait3A_682 = tpu.memref_slice %arg3[%dma_wait3A_680, %dma_wait3A_681] : memref<2000000x64xf32, #tpu.memory_space<hbm>> -> memref<2000000x64xf32, #tpu.memory_space<hbm>>
      tpu.wait_indirect_dma semaphore(%arg8 : memref<!tpu.dma_semaphore, #tpu.memory_space<semaphore_mem>>) src(%dma_wait3A_682 : memref<2000000x64xf32, #tpu.memory_space<hbm>>) dst(%dma_wait3A_676 : memref<50x64xf32, #tpu.memory_space<vmem>>)
      %mul3A_683 = arith.constant 8 : i32
      %mul3A_684 = arith.muli %add3A_538, %mul3A_683 : i32
      %add3A_685 = arith.addi %mul3A_2, %mul3A_684 : i32
      %dma_start3A_686 = arith.constant 1 : i32
      %dma_start3A_687 = arith.constant 0 : i32
      %dma_start3A_688 = arith.constant 0 : i32
      %dma_start3A_689 = arith.constant 0 : i32
      %dma_start3A_690 = tpu.memref_slice %arg6[%dma_start3A_686, %dma_start3A_687, %dma_start3A_688, %dma_start3A_689] : memref<4x8x50x64xf32, #tpu.memory_space<vmem>> -> memref<1x8x50x64xf32, #tpu.memory_space<vmem>>
      %dma_start3A_691 = tpu.memref_squeeze %dma_start3A_690 : memref<1x8x50x64xf32, #tpu.memory_space<vmem>> -> memref<8x50x64xf32, #tpu.memory_space<vmem>>
      %dma_start3A_692 = arith.constant 0 : i32
      %dma_start3A_693 = arith.constant 0 : i32
      %dma_start3A_694 = tpu.memref_slice %arg4[%add3A_685, %dma_start3A_692, %dma_start3A_693] : memref<16384x50x64xf32, #tpu.memory_space<hbm>> -> memref<8x50x64xf32, #tpu.memory_space<hbm>>
      %dma_start3A_695 = arith.constant 0 : i32
      %dma_start3A_696 = arith.constant 0 : i32
      %dma_start3A_697 = tpu.memref_slice %arg4[%add3A_685, %dma_start3A_695, %dma_start3A_696] : memref<16384x50x64xf32, #tpu.memory_space<hbm>> -> memref<8x50x64xf32, #tpu.memory_space<hbm>>
      %dma_start3A_698 = arith.constant 0 : i32
      %dma_start3A_699 = arith.constant 0 : i32
      %dma_start3A_700 = arith.constant 0 : i32
      %dma_start3A_701 = tpu.memref_slice %arg6[%dma_start3A_686, %dma_start3A_698, %dma_start3A_699, %dma_start3A_700] : memref<4x8x50x64xf32, #tpu.memory_space<vmem>> -> memref<1x8x50x64xf32, #tpu.memory_space<vmem>>
      %dma_start3A_702 = tpu.memref_squeeze %dma_start3A_701 : memref<1x8x50x64xf32, #tpu.memory_space<vmem>> -> memref<8x50x64xf32, #tpu.memory_space<vmem>>
      tpu.enqueue_dma source(%dma_start3A_702 : memref<8x50x64xf32, #tpu.memory_space<vmem>>) target(%dma_start3A_697 : memref<8x50x64xf32, #tpu.memory_space<hbm>>) target_semaphore(%arg12 : memref<!tpu.dma_semaphore, #tpu.memory_space<semaphore_mem>>)
      %add3A_703 = arith.constant 2 : i32
      %add3A_704 = arith.addi %add3A_538, %add3A_703 : i32
      %lt3A_705 = arith.constant 64 : i32
      %lt3A_706 = arith.cmpi slt, %add3A_704, %lt3A_705 : i32
      %convert_element_type3A_707 = arith.extui %lt3A_706 : i1 to i32
      %cond3A_708 = arith.constant 0 : i32
      %cond3A_709 = arith.cmpi ne, %convert_element_type3A_707, %cond3A_708 : i32
      scf.if %cond3A_709 {
        %ge3A = arith.constant 4 : i32
        %ge3A_1060 = arith.cmpi sge, %add3A_704, %ge3A : i32
        %convert_element_type3A_1061 = arith.extui %ge3A_1060 : i1 to i32
        %cond3A_1062 = arith.constant 0 : i32
        %cond3A_1063 = arith.cmpi ne, %convert_element_type3A_1061, %cond3A_1062 : i32
        scf.if %cond3A_1063 {
          %dma_wait3A_1232 = arith.constant 3 : i32
          %dma_wait3A_1233 = arith.constant 0 : i32
          %dma_wait3A_1234 = arith.constant 0 : i32
          %dma_wait3A_1235 = arith.constant 0 : i32
          %dma_wait3A_1236 = tpu.memref_slice %arg6[%dma_wait3A_1232, %dma_wait3A_1233, %dma_wait3A_1234, %dma_wait3A_1235] : memref<4x8x50x64xf32, #tpu.memory_space<vmem>> -> memref<1x8x50x64xf32, #tpu.memory_space<vmem>>
          %dma_wait3A_1237 = tpu.memref_squeeze %dma_wait3A_1236 : memref<1x8x50x64xf32, #tpu.memory_space<vmem>> -> memref<8x50x64xf32, #tpu.memory_space<vmem>>
          %dma_wait3A_1238 = arith.constant 0 : i32
          %dma_wait3A_1239 = arith.constant 0 : i32
          %dma_wait3A_1240 = tpu.memref_slice %arg4[%mul3A_2, %dma_wait3A_1238, %dma_wait3A_1239] : memref<16384x50x64xf32, #tpu.memory_space<hbm>> -> memref<8x50x64xf32, #tpu.memory_space<hbm>>
          %dma_wait3A_1241 = arith.constant 0 : i32
          %dma_wait3A_1242 = arith.constant 0 : i32
          %dma_wait3A_1243 = tpu.memref_slice %arg4[%mul3A_2, %dma_wait3A_1241, %dma_wait3A_1242] : memref<16384x50x64xf32, #tpu.memory_space<hbm>> -> memref<8x50x64xf32, #tpu.memory_space<hbm>>
          %dma_wait3A_1244 = arith.constant 0 : i32
          %dma_wait3A_1245 = arith.constant 0 : i32
          %dma_wait3A_1246 = arith.constant 0 : i32
          %dma_wait3A_1247 = tpu.memref_slice %arg6[%dma_wait3A_1232, %dma_wait3A_1244, %dma_wait3A_1245, %dma_wait3A_1246] : memref<4x8x50x64xf32, #tpu.memory_space<vmem>> -> memref<1x8x50x64xf32, #tpu.memory_space<vmem>>
          %dma_wait3A_1248 = tpu.memref_squeeze %dma_wait3A_1247 : memref<1x8x50x64xf32, #tpu.memory_space<vmem>> -> memref<8x50x64xf32, #tpu.memory_space<vmem>>
          tpu.wait_dma2 semaphore(%arg14 : memref<!tpu.dma_semaphore, #tpu.memory_space<semaphore_mem>>) src(%dma_wait3A_1248 : memref<8x50x64xf32, #tpu.memory_space<vmem>>) dst(%dma_wait3A_1243 : memref<8x50x64xf32, #tpu.memory_space<hbm>>)
        } else {
        }
        %mul3A_1064 = arith.constant 8 : i32
        %mul3A_1065 = arith.muli %add3A_704, %mul3A_1064 : i32
        %add3A_1066 = arith.constant 0 : i32
        %add3A_1067 = arith.addi %mul3A_1065, %add3A_1066 : i32
        %dma_start3A_1068 = arith.constant 3 : i32
        %dma_start3A_1069 = arith.constant 0 : i32
        %dma_start3A_1070 = arith.constant 0 : i32
        %dma_start3A_1071 = arith.constant 0 : i32
        %dma_start3A_1072 = arith.constant 0 : i32
        %dma_start3A_1073 = tpu.memref_slice %arg6[%dma_start3A_1068, %dma_start3A_1070, %dma_start3A_1071, %dma_start3A_1072] : memref<4x8x50x64xf32, #tpu.memory_space<vmem>> -> memref<1x8x50x64xf32, #tpu.memory_space<vmem>>
        %dma_start3A_1074 = tpu.memref_squeeze %dma_start3A_1073 : memref<1x8x50x64xf32, #tpu.memory_space<vmem>> -> memref<8x50x64xf32, #tpu.memory_space<vmem>>
        %dma_start3A_1075 = arith.constant 0 : i32
        %dma_start3A_1076 = arith.constant 0 : i32
        %dma_start3A_1077 = tpu.memref_slice %dma_start3A_1074[%dma_start3A_1069, %dma_start3A_1075, %dma_start3A_1076] : memref<8x50x64xf32, #tpu.memory_space<vmem>> -> memref<1x50x64xf32, #tpu.memory_space<vmem>>
        %dma_start3A_1078 = tpu.memref_squeeze %dma_start3A_1077 : memref<1x50x64xf32, #tpu.memory_space<vmem>> -> memref<50x64xf32, #tpu.memory_space<vmem>>
        %dma_start3A_1079 = arith.constant 0 : i32
        %dma_start3A_1080 = tpu.memref_slice %arg5[%add3A_1067, %dma_start3A_1079] : memref<512x50xi32, #tpu.memory_space<vmem>> -> memref<1x50xi32, #tpu.memory_space<vmem>>
        %dma_start3A_1081 = tpu.memref_squeeze %dma_start3A_1080 : memref<1x50xi32, #tpu.memory_space<vmem>> -> memref<50xi32, #tpu.memory_space<vmem>>
        %dma_start3A_1082 = arith.constant 0 : i32
        %dma_start3A_1083 = arith.constant 0 : i32
        %dma_start3A_1084 = tpu.memref_slice %arg3[%dma_start3A_1082, %dma_start3A_1083] : memref<2000000x64xf32, #tpu.memory_space<hbm>> -> memref<2000000x64xf32, #tpu.memory_space<hbm>>
        tpu.enqueue_indirect_dma source(%dma_start3A_1084 : memref<2000000x64xf32, #tpu.memory_space<hbm>>) target(%dma_start3A_1078 : memref<50x64xf32, #tpu.memory_space<vmem>>) offsets(%dma_start3A_1081 : memref<50xi32, #tpu.memory_space<vmem>>) semaphore(%arg10 : memref<!tpu.dma_semaphore, #tpu.memory_space<semaphore_mem>>)
        %mul3A_1085 = arith.constant 8 : i32
        %mul3A_1086 = arith.muli %add3A_704, %mul3A_1085 : i32
        %add3A_1087 = arith.constant 1 : i32
        %add3A_1088 = arith.addi %mul3A_1086, %add3A_1087 : i32
        %dma_start3A_1089 = arith.constant 3 : i32
        %dma_start3A_1090 = arith.constant 1 : i32
        %dma_start3A_1091 = arith.constant 0 : i32
        %dma_start3A_1092 = arith.constant 0 : i32
        %dma_start3A_1093 = arith.constant 0 : i32
        %dma_start3A_1094 = tpu.memref_slice %arg6[%dma_start3A_1089, %dma_start3A_1091, %dma_start3A_1092, %dma_start3A_1093] : memref<4x8x50x64xf32, #tpu.memory_space<vmem>> -> memref<1x8x50x64xf32, #tpu.memory_space<vmem>>
        %dma_start3A_1095 = tpu.memref_squeeze %dma_start3A_1094 : memref<1x8x50x64xf32, #tpu.memory_space<vmem>> -> memref<8x50x64xf32, #tpu.memory_space<vmem>>
        %dma_start3A_1096 = arith.constant 0 : i32
        %dma_start3A_1097 = arith.constant 0 : i32
        %dma_start3A_1098 = tpu.memref_slice %dma_start3A_1095[%dma_start3A_1090, %dma_start3A_1096, %dma_start3A_1097] : memref<8x50x64xf32, #tpu.memory_space<vmem>> -> memref<1x50x64xf32, #tpu.memory_space<vmem>>
        %dma_start3A_1099 = tpu.memref_squeeze %dma_start3A_1098 : memref<1x50x64xf32, #tpu.memory_space<vmem>> -> memref<50x64xf32, #tpu.memory_space<vmem>>
        %dma_start3A_1100 = arith.constant 0 : i32
        %dma_start3A_1101 = tpu.memref_slice %arg5[%add3A_1088, %dma_start3A_1100] : memref<512x50xi32, #tpu.memory_space<vmem>> -> memref<1x50xi32, #tpu.memory_space<vmem>>
        %dma_start3A_1102 = tpu.memref_squeeze %dma_start3A_1101 : memref<1x50xi32, #tpu.memory_space<vmem>> -> memref<50xi32, #tpu.memory_space<vmem>>
        %dma_start3A_1103 = arith.constant 0 : i32
        %dma_start3A_1104 = arith.constant 0 : i32
        %dma_start3A_1105 = tpu.memref_slice %arg3[%dma_start3A_1103, %dma_start3A_1104] : memref<2000000x64xf32, #tpu.memory_space<hbm>> -> memref<2000000x64xf32, #tpu.memory_space<hbm>>
        tpu.enqueue_indirect_dma source(%dma_start3A_1105 : memref<2000000x64xf32, #tpu.memory_space<hbm>>) target(%dma_start3A_1099 : memref<50x64xf32, #tpu.memory_space<vmem>>) offsets(%dma_start3A_1102 : memref<50xi32, #tpu.memory_space<vmem>>) semaphore(%arg10 : memref<!tpu.dma_semaphore, #tpu.memory_space<semaphore_mem>>)
        %mul3A_1106 = arith.constant 8 : i32
        %mul3A_1107 = arith.muli %add3A_704, %mul3A_1106 : i32
        %add3A_1108 = arith.constant 2 : i32
        %add3A_1109 = arith.addi %mul3A_1107, %add3A_1108 : i32
        %dma_start3A_1110 = arith.constant 3 : i32
        %dma_start3A_1111 = arith.constant 2 : i32
        %dma_start3A_1112 = arith.constant 0 : i32
        %dma_start3A_1113 = arith.constant 0 : i32
        %dma_start3A_1114 = arith.constant 0 : i32
        %dma_start3A_1115 = tpu.memref_slice %arg6[%dma_start3A_1110, %dma_start3A_1112, %dma_start3A_1113, %dma_start3A_1114] : memref<4x8x50x64xf32, #tpu.memory_space<vmem>> -> memref<1x8x50x64xf32, #tpu.memory_space<vmem>>
        %dma_start3A_1116 = tpu.memref_squeeze %dma_start3A_1115 : memref<1x8x50x64xf32, #tpu.memory_space<vmem>> -> memref<8x50x64xf32, #tpu.memory_space<vmem>>
        %dma_start3A_1117 = arith.constant 0 : i32
        %dma_start3A_1118 = arith.constant 0 : i32
        %dma_start3A_1119 = tpu.memref_slice %dma_start3A_1116[%dma_start3A_1111, %dma_start3A_1117, %dma_start3A_1118] : memref<8x50x64xf32, #tpu.memory_space<vmem>> -> memref<1x50x64xf32, #tpu.memory_space<vmem>>
        %dma_start3A_1120 = tpu.memref_squeeze %dma_start3A_1119 : memref<1x50x64xf32, #tpu.memory_space<vmem>> -> memref<50x64xf32, #tpu.memory_space<vmem>>
        %dma_start3A_1121 = arith.constant 0 : i32
        %dma_start3A_1122 = tpu.memref_slice %arg5[%add3A_1109, %dma_start3A_1121] : memref<512x50xi32, #tpu.memory_space<vmem>> -> memref<1x50xi32, #tpu.memory_space<vmem>>
        %dma_start3A_1123 = tpu.memref_squeeze %dma_start3A_1122 : memref<1x50xi32, #tpu.memory_space<vmem>> -> memref<50xi32, #tpu.memory_space<vmem>>
        %dma_start3A_1124 = arith.constant 0 : i32
        %dma_start3A_1125 = arith.constant 0 : i32
        %dma_start3A_1126 = tpu.memref_slice %arg3[%dma_start3A_1124, %dma_start3A_1125] : memref<2000000x64xf32, #tpu.memory_space<hbm>> -> memref<2000000x64xf32, #tpu.memory_space<hbm>>
        tpu.enqueue_indirect_dma source(%dma_start3A_1126 : memref<2000000x64xf32, #tpu.memory_space<hbm>>) target(%dma_start3A_1120 : memref<50x64xf32, #tpu.memory_space<vmem>>) offsets(%dma_start3A_1123 : memref<50xi32, #tpu.memory_space<vmem>>) semaphore(%arg10 : memref<!tpu.dma_semaphore, #tpu.memory_space<semaphore_mem>>)
        %mul3A_1127 = arith.constant 8 : i32
        %mul3A_1128 = arith.muli %add3A_704, %mul3A_1127 : i32
        %add3A_1129 = arith.constant 3 : i32
        %add3A_1130 = arith.addi %mul3A_1128, %add3A_1129 : i32
        %dma_start3A_1131 = arith.constant 3 : i32
        %dma_start3A_1132 = arith.constant 3 : i32
        %dma_start3A_1133 = arith.constant 0 : i32
        %dma_start3A_1134 = arith.constant 0 : i32
        %dma_start3A_1135 = arith.constant 0 : i32
        %dma_start3A_1136 = tpu.memref_slice %arg6[%dma_start3A_1131, %dma_start3A_1133, %dma_start3A_1134, %dma_start3A_1135] : memref<4x8x50x64xf32, #tpu.memory_space<vmem>> -> memref<1x8x50x64xf32, #tpu.memory_space<vmem>>
        %dma_start3A_1137 = tpu.memref_squeeze %dma_start3A_1136 : memref<1x8x50x64xf32, #tpu.memory_space<vmem>> -> memref<8x50x64xf32, #tpu.memory_space<vmem>>
        %dma_start3A_1138 = arith.constant 0 : i32
        %dma_start3A_1139 = arith.constant 0 : i32
        %dma_start3A_1140 = tpu.memref_slice %dma_start3A_1137[%dma_start3A_1132, %dma_start3A_1138, %dma_start3A_1139] : memref<8x50x64xf32, #tpu.memory_space<vmem>> -> memref<1x50x64xf32, #tpu.memory_space<vmem>>
        %dma_start3A_1141 = tpu.memref_squeeze %dma_start3A_1140 : memref<1x50x64xf32, #tpu.memory_space<vmem>> -> memref<50x64xf32, #tpu.memory_space<vmem>>
        %dma_start3A_1142 = arith.constant 0 : i32
        %dma_start3A_1143 = tpu.memref_slice %arg5[%add3A_1130, %dma_start3A_1142] : memref<512x50xi32, #tpu.memory_space<vmem>> -> memref<1x50xi32, #tpu.memory_space<vmem>>
        %dma_start3A_1144 = tpu.memref_squeeze %dma_start3A_1143 : memref<1x50xi32, #tpu.memory_space<vmem>> -> memref<50xi32, #tpu.memory_space<vmem>>
        %dma_start3A_1145 = arith.constant 0 : i32
        %dma_start3A_1146 = arith.constant 0 : i32
        %dma_start3A_1147 = tpu.memref_slice %arg3[%dma_start3A_1145, %dma_start3A_1146] : memref<2000000x64xf32, #tpu.memory_space<hbm>> -> memref<2000000x64xf32, #tpu.memory_space<hbm>>
        tpu.enqueue_indirect_dma source(%dma_start3A_1147 : memref<2000000x64xf32, #tpu.memory_space<hbm>>) target(%dma_start3A_1141 : memref<50x64xf32, #tpu.memory_space<vmem>>) offsets(%dma_start3A_1144 : memref<50xi32, #tpu.memory_space<vmem>>) semaphore(%arg10 : memref<!tpu.dma_semaphore, #tpu.memory_space<semaphore_mem>>)
        %mul3A_1148 = arith.constant 8 : i32
        %mul3A_1149 = arith.muli %add3A_704, %mul3A_1148 : i32
        %add3A_1150 = arith.constant 4 : i32
        %add3A_1151 = arith.addi %mul3A_1149, %add3A_1150 : i32
        %dma_start3A_1152 = arith.constant 3 : i32
        %dma_start3A_1153 = arith.constant 4 : i32
        %dma_start3A_1154 = arith.constant 0 : i32
        %dma_start3A_1155 = arith.constant 0 : i32
        %dma_start3A_1156 = arith.constant 0 : i32
        %dma_start3A_1157 = tpu.memref_slice %arg6[%dma_start3A_1152, %dma_start3A_1154, %dma_start3A_1155, %dma_start3A_1156] : memref<4x8x50x64xf32, #tpu.memory_space<vmem>> -> memref<1x8x50x64xf32, #tpu.memory_space<vmem>>
        %dma_start3A_1158 = tpu.memref_squeeze %dma_start3A_1157 : memref<1x8x50x64xf32, #tpu.memory_space<vmem>> -> memref<8x50x64xf32, #tpu.memory_space<vmem>>
        %dma_start3A_1159 = arith.constant 0 : i32
        %dma_start3A_1160 = arith.constant 0 : i32
        %dma_start3A_1161 = tpu.memref_slice %dma_start3A_1158[%dma_start3A_1153, %dma_start3A_1159, %dma_start3A_1160] : memref<8x50x64xf32, #tpu.memory_space<vmem>> -> memref<1x50x64xf32, #tpu.memory_space<vmem>>
        %dma_start3A_1162 = tpu.memref_squeeze %dma_start3A_1161 : memref<1x50x64xf32, #tpu.memory_space<vmem>> -> memref<50x64xf32, #tpu.memory_space<vmem>>
        %dma_start3A_1163 = arith.constant 0 : i32
        %dma_start3A_1164 = tpu.memref_slice %arg5[%add3A_1151, %dma_start3A_1163] : memref<512x50xi32, #tpu.memory_space<vmem>> -> memref<1x50xi32, #tpu.memory_space<vmem>>
        %dma_start3A_1165 = tpu.memref_squeeze %dma_start3A_1164 : memref<1x50xi32, #tpu.memory_space<vmem>> -> memref<50xi32, #tpu.memory_space<vmem>>
        %dma_start3A_1166 = arith.constant 0 : i32
        %dma_start3A_1167 = arith.constant 0 : i32
        %dma_start3A_1168 = tpu.memref_slice %arg3[%dma_start3A_1166, %dma_start3A_1167] : memref<2000000x64xf32, #tpu.memory_space<hbm>> -> memref<2000000x64xf32, #tpu.memory_space<hbm>>
        tpu.enqueue_indirect_dma source(%dma_start3A_1168 : memref<2000000x64xf32, #tpu.memory_space<hbm>>) target(%dma_start3A_1162 : memref<50x64xf32, #tpu.memory_space<vmem>>) offsets(%dma_start3A_1165 : memref<50xi32, #tpu.memory_space<vmem>>) semaphore(%arg10 : memref<!tpu.dma_semaphore, #tpu.memory_space<semaphore_mem>>)
        %mul3A_1169 = arith.constant 8 : i32
        %mul3A_1170 = arith.muli %add3A_704, %mul3A_1169 : i32
        %add3A_1171 = arith.constant 5 : i32
        %add3A_1172 = arith.addi %mul3A_1170, %add3A_1171 : i32
        %dma_start3A_1173 = arith.constant 3 : i32
        %dma_start3A_1174 = arith.constant 5 : i32
        %dma_start3A_1175 = arith.constant 0 : i32
        %dma_start3A_1176 = arith.constant 0 : i32
        %dma_start3A_1177 = arith.constant 0 : i32
        %dma_start3A_1178 = tpu.memref_slice %arg6[%dma_start3A_1173, %dma_start3A_1175, %dma_start3A_1176, %dma_start3A_1177] : memref<4x8x50x64xf32, #tpu.memory_space<vmem>> -> memref<1x8x50x64xf32, #tpu.memory_space<vmem>>
        %dma_start3A_1179 = tpu.memref_squeeze %dma_start3A_1178 : memref<1x8x50x64xf32, #tpu.memory_space<vmem>> -> memref<8x50x64xf32, #tpu.memory_space<vmem>>
        %dma_start3A_1180 = arith.constant 0 : i32
        %dma_start3A_1181 = arith.constant 0 : i32
        %dma_start3A_1182 = tpu.memref_slice %dma_start3A_1179[%dma_start3A_1174, %dma_start3A_1180, %dma_start3A_1181] : memref<8x50x64xf32, #tpu.memory_space<vmem>> -> memref<1x50x64xf32, #tpu.memory_space<vmem>>
        %dma_start3A_1183 = tpu.memref_squeeze %dma_start3A_1182 : memref<1x50x64xf32, #tpu.memory_space<vmem>> -> memref<50x64xf32, #tpu.memory_space<vmem>>
        %dma_start3A_1184 = arith.constant 0 : i32
        %dma_start3A_1185 = tpu.memref_slice %arg5[%add3A_1172, %dma_start3A_1184] : memref<512x50xi32, #tpu.memory_space<vmem>> -> memref<1x50xi32, #tpu.memory_space<vmem>>
        %dma_start3A_1186 = tpu.memref_squeeze %dma_start3A_1185 : memref<1x50xi32, #tpu.memory_space<vmem>> -> memref<50xi32, #tpu.memory_space<vmem>>
        %dma_start3A_1187 = arith.constant 0 : i32
        %dma_start3A_1188 = arith.constant 0 : i32
        %dma_start3A_1189 = tpu.memref_slice %arg3[%dma_start3A_1187, %dma_start3A_1188] : memref<2000000x64xf32, #tpu.memory_space<hbm>> -> memref<2000000x64xf32, #tpu.memory_space<hbm>>
        tpu.enqueue_indirect_dma source(%dma_start3A_1189 : memref<2000000x64xf32, #tpu.memory_space<hbm>>) target(%dma_start3A_1183 : memref<50x64xf32, #tpu.memory_space<vmem>>) offsets(%dma_start3A_1186 : memref<50xi32, #tpu.memory_space<vmem>>) semaphore(%arg10 : memref<!tpu.dma_semaphore, #tpu.memory_space<semaphore_mem>>)
        %mul3A_1190 = arith.constant 8 : i32
        %mul3A_1191 = arith.muli %add3A_704, %mul3A_1190 : i32
        %add3A_1192 = arith.constant 6 : i32
        %add3A_1193 = arith.addi %mul3A_1191, %add3A_1192 : i32
        %dma_start3A_1194 = arith.constant 3 : i32
        %dma_start3A_1195 = arith.constant 6 : i32
        %dma_start3A_1196 = arith.constant 0 : i32
        %dma_start3A_1197 = arith.constant 0 : i32
        %dma_start3A_1198 = arith.constant 0 : i32
        %dma_start3A_1199 = tpu.memref_slice %arg6[%dma_start3A_1194, %dma_start3A_1196, %dma_start3A_1197, %dma_start3A_1198] : memref<4x8x50x64xf32, #tpu.memory_space<vmem>> -> memref<1x8x50x64xf32, #tpu.memory_space<vmem>>
        %dma_start3A_1200 = tpu.memref_squeeze %dma_start3A_1199 : memref<1x8x50x64xf32, #tpu.memory_space<vmem>> -> memref<8x50x64xf32, #tpu.memory_space<vmem>>
        %dma_start3A_1201 = arith.constant 0 : i32
        %dma_start3A_1202 = arith.constant 0 : i32
        %dma_start3A_1203 = tpu.memref_slice %dma_start3A_1200[%dma_start3A_1195, %dma_start3A_1201, %dma_start3A_1202] : memref<8x50x64xf32, #tpu.memory_space<vmem>> -> memref<1x50x64xf32, #tpu.memory_space<vmem>>
        %dma_start3A_1204 = tpu.memref_squeeze %dma_start3A_1203 : memref<1x50x64xf32, #tpu.memory_space<vmem>> -> memref<50x64xf32, #tpu.memory_space<vmem>>
        %dma_start3A_1205 = arith.constant 0 : i32
        %dma_start3A_1206 = tpu.memref_slice %arg5[%add3A_1193, %dma_start3A_1205] : memref<512x50xi32, #tpu.memory_space<vmem>> -> memref<1x50xi32, #tpu.memory_space<vmem>>
        %dma_start3A_1207 = tpu.memref_squeeze %dma_start3A_1206 : memref<1x50xi32, #tpu.memory_space<vmem>> -> memref<50xi32, #tpu.memory_space<vmem>>
        %dma_start3A_1208 = arith.constant 0 : i32
        %dma_start3A_1209 = arith.constant 0 : i32
        %dma_start3A_1210 = tpu.memref_slice %arg3[%dma_start3A_1208, %dma_start3A_1209] : memref<2000000x64xf32, #tpu.memory_space<hbm>> -> memref<2000000x64xf32, #tpu.memory_space<hbm>>
        tpu.enqueue_indirect_dma source(%dma_start3A_1210 : memref<2000000x64xf32, #tpu.memory_space<hbm>>) target(%dma_start3A_1204 : memref<50x64xf32, #tpu.memory_space<vmem>>) offsets(%dma_start3A_1207 : memref<50xi32, #tpu.memory_space<vmem>>) semaphore(%arg10 : memref<!tpu.dma_semaphore, #tpu.memory_space<semaphore_mem>>)
        %mul3A_1211 = arith.constant 8 : i32
        %mul3A_1212 = arith.muli %add3A_704, %mul3A_1211 : i32
        %add3A_1213 = arith.constant 7 : i32
        %add3A_1214 = arith.addi %mul3A_1212, %add3A_1213 : i32
        %dma_start3A_1215 = arith.constant 3 : i32
        %dma_start3A_1216 = arith.constant 7 : i32
        %dma_start3A_1217 = arith.constant 0 : i32
        %dma_start3A_1218 = arith.constant 0 : i32
        %dma_start3A_1219 = arith.constant 0 : i32
        %dma_start3A_1220 = tpu.memref_slice %arg6[%dma_start3A_1215, %dma_start3A_1217, %dma_start3A_1218, %dma_start3A_1219] : memref<4x8x50x64xf32, #tpu.memory_space<vmem>> -> memref<1x8x50x64xf32, #tpu.memory_space<vmem>>
        %dma_start3A_1221 = tpu.memref_squeeze %dma_start3A_1220 : memref<1x8x50x64xf32, #tpu.memory_space<vmem>> -> memref<8x50x64xf32, #tpu.memory_space<vmem>>
        %dma_start3A_1222 = arith.constant 0 : i32
        %dma_start3A_1223 = arith.constant 0 : i32
        %dma_start3A_1224 = tpu.memref_slice %dma_start3A_1221[%dma_start3A_1216, %dma_start3A_1222, %dma_start3A_1223] : memref<8x50x64xf32, #tpu.memory_space<vmem>> -> memref<1x50x64xf32, #tpu.memory_space<vmem>>
        %dma_start3A_1225 = tpu.memref_squeeze %dma_start3A_1224 : memref<1x50x64xf32, #tpu.memory_space<vmem>> -> memref<50x64xf32, #tpu.memory_space<vmem>>
        %dma_start3A_1226 = arith.constant 0 : i32
        %dma_start3A_1227 = tpu.memref_slice %arg5[%add3A_1214, %dma_start3A_1226] : memref<512x50xi32, #tpu.memory_space<vmem>> -> memref<1x50xi32, #tpu.memory_space<vmem>>
        %dma_start3A_1228 = tpu.memref_squeeze %dma_start3A_1227 : memref<1x50xi32, #tpu.memory_space<vmem>> -> memref<50xi32, #tpu.memory_space<vmem>>
        %dma_start3A_1229 = arith.constant 0 : i32
        %dma_start3A_1230 = arith.constant 0 : i32
        %dma_start3A_1231 = tpu.memref_slice %arg3[%dma_start3A_1229, %dma_start3A_1230] : memref<2000000x64xf32, #tpu.memory_space<hbm>> -> memref<2000000x64xf32, #tpu.memory_space<hbm>>
        tpu.enqueue_indirect_dma source(%dma_start3A_1231 : memref<2000000x64xf32, #tpu.memory_space<hbm>>) target(%dma_start3A_1225 : memref<50x64xf32, #tpu.memory_space<vmem>>) offsets(%dma_start3A_1228 : memref<50xi32, #tpu.memory_space<vmem>>) semaphore(%arg10 : memref<!tpu.dma_semaphore, #tpu.memory_space<semaphore_mem>>)
      } else {
      }
      %mul3A_710 = arith.constant 4 : i32
      %mul3A_711 = arith.muli %scan3A_362, %mul3A_710 : i32
      %add3A_712 = arith.constant 2 : i32
      %add3A_713 = arith.addi %mul3A_711, %add3A_712 : i32
      %dma_wait3A_714 = arith.constant 0 : i32
      %dma_wait3A_715 = arith.constant 2 : i32
      %dma_wait3A_716 = arith.constant 0 : i32
      %dma_wait3A_717 = arith.constant 0 : i32
      %dma_wait3A_718 = arith.constant 0 : i32
      %dma_wait3A_719 = arith.constant 0 : i32
      %dma_wait3A_720 = tpu.memref_slice %arg6[%dma_wait3A_715, %dma_wait3A_717, %dma_wait3A_718, %dma_wait3A_719] : memref<4x8x50x64xf32, #tpu.memory_space<vmem>> -> memref<1x8x50x64xf32, #tpu.memory_space<vmem>>
      %dma_wait3A_721 = tpu.memref_squeeze %dma_wait3A_720 : memref<1x8x50x64xf32, #tpu.memory_space<vmem>> -> memref<8x50x64xf32, #tpu.memory_space<vmem>>
      %dma_wait3A_722 = arith.constant 0 : i32
      %dma_wait3A_723 = arith.constant 0 : i32
      %dma_wait3A_724 = tpu.memref_slice %dma_wait3A_721[%dma_wait3A_716, %dma_wait3A_722, %dma_wait3A_723] : memref<8x50x64xf32, #tpu.memory_space<vmem>> -> memref<1x50x64xf32, #tpu.memory_space<vmem>>
      %dma_wait3A_725 = tpu.memref_squeeze %dma_wait3A_724 : memref<1x50x64xf32, #tpu.memory_space<vmem>> -> memref<50x64xf32, #tpu.memory_space<vmem>>
      %dma_wait3A_726 = arith.constant 0 : i32
      %dma_wait3A_727 = tpu.memref_slice %arg5[%dma_wait3A_714, %dma_wait3A_726] : memref<512x50xi32, #tpu.memory_space<vmem>> -> memref<1x50xi32, #tpu.memory_space<vmem>>
      %dma_wait3A_728 = tpu.memref_squeeze %dma_wait3A_727 : memref<1x50xi32, #tpu.memory_space<vmem>> -> memref<50xi32, #tpu.memory_space<vmem>>
      %dma_wait3A_729 = arith.constant 0 : i32
      %dma_wait3A_730 = arith.constant 0 : i32
      %dma_wait3A_731 = tpu.memref_slice %arg3[%dma_wait3A_729, %dma_wait3A_730] : memref<2000000x64xf32, #tpu.memory_space<hbm>> -> memref<2000000x64xf32, #tpu.memory_space<hbm>>
      tpu.wait_indirect_dma semaphore(%arg9 : memref<!tpu.dma_semaphore, #tpu.memory_space<semaphore_mem>>) src(%dma_wait3A_731 : memref<2000000x64xf32, #tpu.memory_space<hbm>>) dst(%dma_wait3A_725 : memref<50x64xf32, #tpu.memory_space<vmem>>)
      %dma_wait3A_732 = arith.constant 0 : i32
      %dma_wait3A_733 = arith.constant 2 : i32
      %dma_wait3A_734 = arith.constant 1 : i32
      %dma_wait3A_735 = arith.constant 0 : i32
      %dma_wait3A_736 = arith.constant 0 : i32
      %dma_wait3A_737 = arith.constant 0 : i32
      %dma_wait3A_738 = tpu.memref_slice %arg6[%dma_wait3A_733, %dma_wait3A_735, %dma_wait3A_736, %dma_wait3A_737] : memref<4x8x50x64xf32, #tpu.memory_space<vmem>> -> memref<1x8x50x64xf32, #tpu.memory_space<vmem>>
      %dma_wait3A_739 = tpu.memref_squeeze %dma_wait3A_738 : memref<1x8x50x64xf32, #tpu.memory_space<vmem>> -> memref<8x50x64xf32, #tpu.memory_space<vmem>>
      %dma_wait3A_740 = arith.constant 0 : i32
      %dma_wait3A_741 = arith.constant 0 : i32
      %dma_wait3A_742 = tpu.memref_slice %dma_wait3A_739[%dma_wait3A_734, %dma_wait3A_740, %dma_wait3A_741] : memref<8x50x64xf32, #tpu.memory_space<vmem>> -> memref<1x50x64xf32, #tpu.memory_space<vmem>>
      %dma_wait3A_743 = tpu.memref_squeeze %dma_wait3A_742 : memref<1x50x64xf32, #tpu.memory_space<vmem>> -> memref<50x64xf32, #tpu.memory_space<vmem>>
      %dma_wait3A_744 = arith.constant 0 : i32
      %dma_wait3A_745 = tpu.memref_slice %arg5[%dma_wait3A_732, %dma_wait3A_744] : memref<512x50xi32, #tpu.memory_space<vmem>> -> memref<1x50xi32, #tpu.memory_space<vmem>>
      %dma_wait3A_746 = tpu.memref_squeeze %dma_wait3A_745 : memref<1x50xi32, #tpu.memory_space<vmem>> -> memref<50xi32, #tpu.memory_space<vmem>>
      %dma_wait3A_747 = arith.constant 0 : i32
      %dma_wait3A_748 = arith.constant 0 : i32
      %dma_wait3A_749 = tpu.memref_slice %arg3[%dma_wait3A_747, %dma_wait3A_748] : memref<2000000x64xf32, #tpu.memory_space<hbm>> -> memref<2000000x64xf32, #tpu.memory_space<hbm>>
      tpu.wait_indirect_dma semaphore(%arg9 : memref<!tpu.dma_semaphore, #tpu.memory_space<semaphore_mem>>) src(%dma_wait3A_749 : memref<2000000x64xf32, #tpu.memory_space<hbm>>) dst(%dma_wait3A_743 : memref<50x64xf32, #tpu.memory_space<vmem>>)
      %dma_wait3A_750 = arith.constant 0 : i32
      %dma_wait3A_751 = arith.constant 2 : i32
      %dma_wait3A_752 = arith.constant 2 : i32
      %dma_wait3A_753 = arith.constant 0 : i32
      %dma_wait3A_754 = arith.constant 0 : i32
      %dma_wait3A_755 = arith.constant 0 : i32
      %dma_wait3A_756 = tpu.memref_slice %arg6[%dma_wait3A_751, %dma_wait3A_753, %dma_wait3A_754, %dma_wait3A_755] : memref<4x8x50x64xf32, #tpu.memory_space<vmem>> -> memref<1x8x50x64xf32, #tpu.memory_space<vmem>>
      %dma_wait3A_757 = tpu.memref_squeeze %dma_wait3A_756 : memref<1x8x50x64xf32, #tpu.memory_space<vmem>> -> memref<8x50x64xf32, #tpu.memory_space<vmem>>
      %dma_wait3A_758 = arith.constant 0 : i32
      %dma_wait3A_759 = arith.constant 0 : i32
      %dma_wait3A_760 = tpu.memref_slice %dma_wait3A_757[%dma_wait3A_752, %dma_wait3A_758, %dma_wait3A_759] : memref<8x50x64xf32, #tpu.memory_space<vmem>> -> memref<1x50x64xf32, #tpu.memory_space<vmem>>
      %dma_wait3A_761 = tpu.memref_squeeze %dma_wait3A_760 : memref<1x50x64xf32, #tpu.memory_space<vmem>> -> memref<50x64xf32, #tpu.memory_space<vmem>>
      %dma_wait3A_762 = arith.constant 0 : i32
      %dma_wait3A_763 = tpu.memref_slice %arg5[%dma_wait3A_750, %dma_wait3A_762] : memref<512x50xi32, #tpu.memory_space<vmem>> -> memref<1x50xi32, #tpu.memory_space<vmem>>
      %dma_wait3A_764 = tpu.memref_squeeze %dma_wait3A_763 : memref<1x50xi32, #tpu.memory_space<vmem>> -> memref<50xi32, #tpu.memory_space<vmem>>
      %dma_wait3A_765 = arith.constant 0 : i32
      %dma_wait3A_766 = arith.constant 0 : i32
      %dma_wait3A_767 = tpu.memref_slice %arg3[%dma_wait3A_765, %dma_wait3A_766] : memref<2000000x64xf32, #tpu.memory_space<hbm>> -> memref<2000000x64xf32, #tpu.memory_space<hbm>>
      tpu.wait_indirect_dma semaphore(%arg9 : memref<!tpu.dma_semaphore, #tpu.memory_space<semaphore_mem>>) src(%dma_wait3A_767 : memref<2000000x64xf32, #tpu.memory_space<hbm>>) dst(%dma_wait3A_761 : memref<50x64xf32, #tpu.memory_space<vmem>>)
      %dma_wait3A_768 = arith.constant 0 : i32
      %dma_wait3A_769 = arith.constant 2 : i32
      %dma_wait3A_770 = arith.constant 3 : i32
      %dma_wait3A_771 = arith.constant 0 : i32
      %dma_wait3A_772 = arith.constant 0 : i32
      %dma_wait3A_773 = arith.constant 0 : i32
      %dma_wait3A_774 = tpu.memref_slice %arg6[%dma_wait3A_769, %dma_wait3A_771, %dma_wait3A_772, %dma_wait3A_773] : memref<4x8x50x64xf32, #tpu.memory_space<vmem>> -> memref<1x8x50x64xf32, #tpu.memory_space<vmem>>
      %dma_wait3A_775 = tpu.memref_squeeze %dma_wait3A_774 : memref<1x8x50x64xf32, #tpu.memory_space<vmem>> -> memref<8x50x64xf32, #tpu.memory_space<vmem>>
      %dma_wait3A_776 = arith.constant 0 : i32
      %dma_wait3A_777 = arith.constant 0 : i32
      %dma_wait3A_778 = tpu.memref_slice %dma_wait3A_775[%dma_wait3A_770, %dma_wait3A_776, %dma_wait3A_777] : memref<8x50x64xf32, #tpu.memory_space<vmem>> -> memref<1x50x64xf32, #tpu.memory_space<vmem>>
      %dma_wait3A_779 = tpu.memref_squeeze %dma_wait3A_778 : memref<1x50x64xf32, #tpu.memory_space<vmem>> -> memref<50x64xf32, #tpu.memory_space<vmem>>
      %dma_wait3A_780 = arith.constant 0 : i32
      %dma_wait3A_781 = tpu.memref_slice %arg5[%dma_wait3A_768, %dma_wait3A_780] : memref<512x50xi32, #tpu.memory_space<vmem>> -> memref<1x50xi32, #tpu.memory_space<vmem>>
      %dma_wait3A_782 = tpu.memref_squeeze %dma_wait3A_781 : memref<1x50xi32, #tpu.memory_space<vmem>> -> memref<50xi32, #tpu.memory_space<vmem>>
      %dma_wait3A_783 = arith.constant 0 : i32
      %dma_wait3A_784 = arith.constant 0 : i32
      %dma_wait3A_785 = tpu.memref_slice %arg3[%dma_wait3A_783, %dma_wait3A_784] : memref<2000000x64xf32, #tpu.memory_space<hbm>> -> memref<2000000x64xf32, #tpu.memory_space<hbm>>
      tpu.wait_indirect_dma semaphore(%arg9 : memref<!tpu.dma_semaphore, #tpu.memory_space<semaphore_mem>>) src(%dma_wait3A_785 : memref<2000000x64xf32, #tpu.memory_space<hbm>>) dst(%dma_wait3A_779 : memref<50x64xf32, #tpu.memory_space<vmem>>)
      %dma_wait3A_786 = arith.constant 0 : i32
      %dma_wait3A_787 = arith.constant 2 : i32
      %dma_wait3A_788 = arith.constant 4 : i32
      %dma_wait3A_789 = arith.constant 0 : i32
      %dma_wait3A_790 = arith.constant 0 : i32
      %dma_wait3A_791 = arith.constant 0 : i32
      %dma_wait3A_792 = tpu.memref_slice %arg6[%dma_wait3A_787, %dma_wait3A_789, %dma_wait3A_790, %dma_wait3A_791] : memref<4x8x50x64xf32, #tpu.memory_space<vmem>> -> memref<1x8x50x64xf32, #tpu.memory_space<vmem>>
      %dma_wait3A_793 = tpu.memref_squeeze %dma_wait3A_792 : memref<1x8x50x64xf32, #tpu.memory_space<vmem>> -> memref<8x50x64xf32, #tpu.memory_space<vmem>>
      %dma_wait3A_794 = arith.constant 0 : i32
      %dma_wait3A_795 = arith.constant 0 : i32
      %dma_wait3A_796 = tpu.memref_slice %dma_wait3A_793[%dma_wait3A_788, %dma_wait3A_794, %dma_wait3A_795] : memref<8x50x64xf32, #tpu.memory_space<vmem>> -> memref<1x50x64xf32, #tpu.memory_space<vmem>>
      %dma_wait3A_797 = tpu.memref_squeeze %dma_wait3A_796 : memref<1x50x64xf32, #tpu.memory_space<vmem>> -> memref<50x64xf32, #tpu.memory_space<vmem>>
      %dma_wait3A_798 = arith.constant 0 : i32
      %dma_wait3A_799 = tpu.memref_slice %arg5[%dma_wait3A_786, %dma_wait3A_798] : memref<512x50xi32, #tpu.memory_space<vmem>> -> memref<1x50xi32, #tpu.memory_space<vmem>>
      %dma_wait3A_800 = tpu.memref_squeeze %dma_wait3A_799 : memref<1x50xi32, #tpu.memory_space<vmem>> -> memref<50xi32, #tpu.memory_space<vmem>>
      %dma_wait3A_801 = arith.constant 0 : i32
      %dma_wait3A_802 = arith.constant 0 : i32
      %dma_wait3A_803 = tpu.memref_slice %arg3[%dma_wait3A_801, %dma_wait3A_802] : memref<2000000x64xf32, #tpu.memory_space<hbm>> -> memref<2000000x64xf32, #tpu.memory_space<hbm>>
      tpu.wait_indirect_dma semaphore(%arg9 : memref<!tpu.dma_semaphore, #tpu.memory_space<semaphore_mem>>) src(%dma_wait3A_803 : memref<2000000x64xf32, #tpu.memory_space<hbm>>) dst(%dma_wait3A_797 : memref<50x64xf32, #tpu.memory_space<vmem>>)
      %dma_wait3A_804 = arith.constant 0 : i32
      %dma_wait3A_805 = arith.constant 2 : i32
      %dma_wait3A_806 = arith.constant 5 : i32
      %dma_wait3A_807 = arith.constant 0 : i32
      %dma_wait3A_808 = arith.constant 0 : i32
      %dma_wait3A_809 = arith.constant 0 : i32
      %dma_wait3A_810 = tpu.memref_slice %arg6[%dma_wait3A_805, %dma_wait3A_807, %dma_wait3A_808, %dma_wait3A_809] : memref<4x8x50x64xf32, #tpu.memory_space<vmem>> -> memref<1x8x50x64xf32, #tpu.memory_space<vmem>>
      %dma_wait3A_811 = tpu.memref_squeeze %dma_wait3A_810 : memref<1x8x50x64xf32, #tpu.memory_space<vmem>> -> memref<8x50x64xf32, #tpu.memory_space<vmem>>
      %dma_wait3A_812 = arith.constant 0 : i32
      %dma_wait3A_813 = arith.constant 0 : i32
      %dma_wait3A_814 = tpu.memref_slice %dma_wait3A_811[%dma_wait3A_806, %dma_wait3A_812, %dma_wait3A_813] : memref<8x50x64xf32, #tpu.memory_space<vmem>> -> memref<1x50x64xf32, #tpu.memory_space<vmem>>
      %dma_wait3A_815 = tpu.memref_squeeze %dma_wait3A_814 : memref<1x50x64xf32, #tpu.memory_space<vmem>> -> memref<50x64xf32, #tpu.memory_space<vmem>>
      %dma_wait3A_816 = arith.constant 0 : i32
      %dma_wait3A_817 = tpu.memref_slice %arg5[%dma_wait3A_804, %dma_wait3A_816] : memref<512x50xi32, #tpu.memory_space<vmem>> -> memref<1x50xi32, #tpu.memory_space<vmem>>
      %dma_wait3A_818 = tpu.memref_squeeze %dma_wait3A_817 : memref<1x50xi32, #tpu.memory_space<vmem>> -> memref<50xi32, #tpu.memory_space<vmem>>
      %dma_wait3A_819 = arith.constant 0 : i32
      %dma_wait3A_820 = arith.constant 0 : i32
      %dma_wait3A_821 = tpu.memref_slice %arg3[%dma_wait3A_819, %dma_wait3A_820] : memref<2000000x64xf32, #tpu.memory_space<hbm>> -> memref<2000000x64xf32, #tpu.memory_space<hbm>>
      tpu.wait_indirect_dma semaphore(%arg9 : memref<!tpu.dma_semaphore, #tpu.memory_space<semaphore_mem>>) src(%dma_wait3A_821 : memref<2000000x64xf32, #tpu.memory_space<hbm>>) dst(%dma_wait3A_815 : memref<50x64xf32, #tpu.memory_space<vmem>>)
      %dma_wait3A_822 = arith.constant 0 : i32
      %dma_wait3A_823 = arith.constant 2 : i32
      %dma_wait3A_824 = arith.constant 6 : i32
      %dma_wait3A_825 = arith.constant 0 : i32
      %dma_wait3A_826 = arith.constant 0 : i32
      %dma_wait3A_827 = arith.constant 0 : i32
      %dma_wait3A_828 = tpu.memref_slice %arg6[%dma_wait3A_823, %dma_wait3A_825, %dma_wait3A_826, %dma_wait3A_827] : memref<4x8x50x64xf32, #tpu.memory_space<vmem>> -> memref<1x8x50x64xf32, #tpu.memory_space<vmem>>
      %dma_wait3A_829 = tpu.memref_squeeze %dma_wait3A_828 : memref<1x8x50x64xf32, #tpu.memory_space<vmem>> -> memref<8x50x64xf32, #tpu.memory_space<vmem>>
      %dma_wait3A_830 = arith.constant 0 : i32
      %dma_wait3A_831 = arith.constant 0 : i32
      %dma_wait3A_832 = tpu.memref_slice %dma_wait3A_829[%dma_wait3A_824, %dma_wait3A_830, %dma_wait3A_831] : memref<8x50x64xf32, #tpu.memory_space<vmem>> -> memref<1x50x64xf32, #tpu.memory_space<vmem>>
      %dma_wait3A_833 = tpu.memref_squeeze %dma_wait3A_832 : memref<1x50x64xf32, #tpu.memory_space<vmem>> -> memref<50x64xf32, #tpu.memory_space<vmem>>
      %dma_wait3A_834 = arith.constant 0 : i32
      %dma_wait3A_835 = tpu.memref_slice %arg5[%dma_wait3A_822, %dma_wait3A_834] : memref<512x50xi32, #tpu.memory_space<vmem>> -> memref<1x50xi32, #tpu.memory_space<vmem>>
      %dma_wait3A_836 = tpu.memref_squeeze %dma_wait3A_835 : memref<1x50xi32, #tpu.memory_space<vmem>> -> memref<50xi32, #tpu.memory_space<vmem>>
      %dma_wait3A_837 = arith.constant 0 : i32
      %dma_wait3A_838 = arith.constant 0 : i32
      %dma_wait3A_839 = tpu.memref_slice %arg3[%dma_wait3A_837, %dma_wait3A_838] : memref<2000000x64xf32, #tpu.memory_space<hbm>> -> memref<2000000x64xf32, #tpu.memory_space<hbm>>
      tpu.wait_indirect_dma semaphore(%arg9 : memref<!tpu.dma_semaphore, #tpu.memory_space<semaphore_mem>>) src(%dma_wait3A_839 : memref<2000000x64xf32, #tpu.memory_space<hbm>>) dst(%dma_wait3A_833 : memref<50x64xf32, #tpu.memory_space<vmem>>)
      %dma_wait3A_840 = arith.constant 0 : i32
      %dma_wait3A_841 = arith.constant 2 : i32
      %dma_wait3A_842 = arith.constant 7 : i32
      %dma_wait3A_843 = arith.constant 0 : i32
      %dma_wait3A_844 = arith.constant 0 : i32
      %dma_wait3A_845 = arith.constant 0 : i32
      %dma_wait3A_846 = tpu.memref_slice %arg6[%dma_wait3A_841, %dma_wait3A_843, %dma_wait3A_844, %dma_wait3A_845] : memref<4x8x50x64xf32, #tpu.memory_space<vmem>> -> memref<1x8x50x64xf32, #tpu.memory_space<vmem>>
      %dma_wait3A_847 = tpu.memref_squeeze %dma_wait3A_846 : memref<1x8x50x64xf32, #tpu.memory_space<vmem>> -> memref<8x50x64xf32, #tpu.memory_space<vmem>>
      %dma_wait3A_848 = arith.constant 0 : i32
      %dma_wait3A_849 = arith.constant 0 : i32
      %dma_wait3A_850 = tpu.memref_slice %dma_wait3A_847[%dma_wait3A_842, %dma_wait3A_848, %dma_wait3A_849] : memref<8x50x64xf32, #tpu.memory_space<vmem>> -> memref<1x50x64xf32, #tpu.memory_space<vmem>>
      %dma_wait3A_851 = tpu.memref_squeeze %dma_wait3A_850 : memref<1x50x64xf32, #tpu.memory_space<vmem>> -> memref<50x64xf32, #tpu.memory_space<vmem>>
      %dma_wait3A_852 = arith.constant 0 : i32
      %dma_wait3A_853 = tpu.memref_slice %arg5[%dma_wait3A_840, %dma_wait3A_852] : memref<512x50xi32, #tpu.memory_space<vmem>> -> memref<1x50xi32, #tpu.memory_space<vmem>>
      %dma_wait3A_854 = tpu.memref_squeeze %dma_wait3A_853 : memref<1x50xi32, #tpu.memory_space<vmem>> -> memref<50xi32, #tpu.memory_space<vmem>>
      %dma_wait3A_855 = arith.constant 0 : i32
      %dma_wait3A_856 = arith.constant 0 : i32
      %dma_wait3A_857 = tpu.memref_slice %arg3[%dma_wait3A_855, %dma_wait3A_856] : memref<2000000x64xf32, #tpu.memory_space<hbm>> -> memref<2000000x64xf32, #tpu.memory_space<hbm>>
      tpu.wait_indirect_dma semaphore(%arg9 : memref<!tpu.dma_semaphore, #tpu.memory_space<semaphore_mem>>) src(%dma_wait3A_857 : memref<2000000x64xf32, #tpu.memory_space<hbm>>) dst(%dma_wait3A_851 : memref<50x64xf32, #tpu.memory_space<vmem>>)
      %mul3A_858 = arith.constant 8 : i32
      %mul3A_859 = arith.muli %add3A_713, %mul3A_858 : i32
      %add3A_860 = arith.addi %mul3A_2, %mul3A_859 : i32
      %dma_start3A_861 = arith.constant 2 : i32
      %dma_start3A_862 = arith.constant 0 : i32
      %dma_start3A_863 = arith.constant 0 : i32
      %dma_start3A_864 = arith.constant 0 : i32
      %dma_start3A_865 = tpu.memref_slice %arg6[%dma_start3A_861, %dma_start3A_862, %dma_start3A_863, %dma_start3A_864] : memref<4x8x50x64xf32, #tpu.memory_space<vmem>> -> memref<1x8x50x64xf32, #tpu.memory_space<vmem>>
      %dma_start3A_866 = tpu.memref_squeeze %dma_start3A_865 : memref<1x8x50x64xf32, #tpu.memory_space<vmem>> -> memref<8x50x64xf32, #tpu.memory_space<vmem>>
      %dma_start3A_867 = arith.constant 0 : i32
      %dma_start3A_868 = arith.constant 0 : i32
      %dma_start3A_869 = tpu.memref_slice %arg4[%add3A_860, %dma_start3A_867, %dma_start3A_868] : memref<16384x50x64xf32, #tpu.memory_space<hbm>> -> memref<8x50x64xf32, #tpu.memory_space<hbm>>
      %dma_start3A_870 = arith.constant 0 : i32
      %dma_start3A_871 = arith.constant 0 : i32
      %dma_start3A_872 = tpu.memref_slice %arg4[%add3A_860, %dma_start3A_870, %dma_start3A_871] : memref<16384x50x64xf32, #tpu.memory_space<hbm>> -> memref<8x50x64xf32, #tpu.memory_space<hbm>>
      %dma_start3A_873 = arith.constant 0 : i32
      %dma_start3A_874 = arith.constant 0 : i32
      %dma_start3A_875 = arith.constant 0 : i32
      %dma_start3A_876 = tpu.memref_slice %arg6[%dma_start3A_861, %dma_start3A_873, %dma_start3A_874, %dma_start3A_875] : memref<4x8x50x64xf32, #tpu.memory_space<vmem>> -> memref<1x8x50x64xf32, #tpu.memory_space<vmem>>
      %dma_start3A_877 = tpu.memref_squeeze %dma_start3A_876 : memref<1x8x50x64xf32, #tpu.memory_space<vmem>> -> memref<8x50x64xf32, #tpu.memory_space<vmem>>
      tpu.enqueue_dma source(%dma_start3A_877 : memref<8x50x64xf32, #tpu.memory_space<vmem>>) target(%dma_start3A_872 : memref<8x50x64xf32, #tpu.memory_space<hbm>>) target_semaphore(%arg13 : memref<!tpu.dma_semaphore, #tpu.memory_space<semaphore_mem>>)
      %add3A_878 = arith.constant 2 : i32
      %add3A_879 = arith.addi %add3A_713, %add3A_878 : i32
      %lt3A_880 = arith.constant 64 : i32
      %lt3A_881 = arith.cmpi slt, %add3A_879, %lt3A_880 : i32
      %convert_element_type3A_882 = arith.extui %lt3A_881 : i1 to i32
      %cond3A_883 = arith.constant 0 : i32
      %cond3A_884 = arith.cmpi ne, %convert_element_type3A_882, %cond3A_883 : i32
      scf.if %cond3A_884 {
        %ge3A = arith.constant 4 : i32
        %ge3A_1060 = arith.cmpi sge, %add3A_879, %ge3A : i32
        %convert_element_type3A_1061 = arith.extui %ge3A_1060 : i1 to i32
        %cond3A_1062 = arith.constant 0 : i32
        %cond3A_1063 = arith.cmpi ne, %convert_element_type3A_1061, %cond3A_1062 : i32
        scf.if %cond3A_1063 {
          %dma_wait3A_1232 = arith.constant 0 : i32
          %dma_wait3A_1233 = arith.constant 0 : i32
          %dma_wait3A_1234 = arith.constant 0 : i32
          %dma_wait3A_1235 = arith.constant 0 : i32
          %dma_wait3A_1236 = tpu.memref_slice %arg6[%dma_wait3A_1232, %dma_wait3A_1233, %dma_wait3A_1234, %dma_wait3A_1235] : memref<4x8x50x64xf32, #tpu.memory_space<vmem>> -> memref<1x8x50x64xf32, #tpu.memory_space<vmem>>
          %dma_wait3A_1237 = tpu.memref_squeeze %dma_wait3A_1236 : memref<1x8x50x64xf32, #tpu.memory_space<vmem>> -> memref<8x50x64xf32, #tpu.memory_space<vmem>>
          %dma_wait3A_1238 = arith.constant 0 : i32
          %dma_wait3A_1239 = arith.constant 0 : i32
          %dma_wait3A_1240 = tpu.memref_slice %arg4[%mul3A_2, %dma_wait3A_1238, %dma_wait3A_1239] : memref<16384x50x64xf32, #tpu.memory_space<hbm>> -> memref<8x50x64xf32, #tpu.memory_space<hbm>>
          %dma_wait3A_1241 = arith.constant 0 : i32
          %dma_wait3A_1242 = arith.constant 0 : i32
          %dma_wait3A_1243 = tpu.memref_slice %arg4[%mul3A_2, %dma_wait3A_1241, %dma_wait3A_1242] : memref<16384x50x64xf32, #tpu.memory_space<hbm>> -> memref<8x50x64xf32, #tpu.memory_space<hbm>>
          %dma_wait3A_1244 = arith.constant 0 : i32
          %dma_wait3A_1245 = arith.constant 0 : i32
          %dma_wait3A_1246 = arith.constant 0 : i32
          %dma_wait3A_1247 = tpu.memref_slice %arg6[%dma_wait3A_1232, %dma_wait3A_1244, %dma_wait3A_1245, %dma_wait3A_1246] : memref<4x8x50x64xf32, #tpu.memory_space<vmem>> -> memref<1x8x50x64xf32, #tpu.memory_space<vmem>>
          %dma_wait3A_1248 = tpu.memref_squeeze %dma_wait3A_1247 : memref<1x8x50x64xf32, #tpu.memory_space<vmem>> -> memref<8x50x64xf32, #tpu.memory_space<vmem>>
          tpu.wait_dma2 semaphore(%arg11 : memref<!tpu.dma_semaphore, #tpu.memory_space<semaphore_mem>>) src(%dma_wait3A_1248 : memref<8x50x64xf32, #tpu.memory_space<vmem>>) dst(%dma_wait3A_1243 : memref<8x50x64xf32, #tpu.memory_space<hbm>>)
        } else {
        }
        %mul3A_1064 = arith.constant 8 : i32
        %mul3A_1065 = arith.muli %add3A_879, %mul3A_1064 : i32
        %add3A_1066 = arith.constant 0 : i32
        %add3A_1067 = arith.addi %mul3A_1065, %add3A_1066 : i32
        %dma_start3A_1068 = arith.constant 0 : i32
        %dma_start3A_1069 = arith.constant 0 : i32
        %dma_start3A_1070 = arith.constant 0 : i32
        %dma_start3A_1071 = arith.constant 0 : i32
        %dma_start3A_1072 = arith.constant 0 : i32
        %dma_start3A_1073 = tpu.memref_slice %arg6[%dma_start3A_1068, %dma_start3A_1070, %dma_start3A_1071, %dma_start3A_1072] : memref<4x8x50x64xf32, #tpu.memory_space<vmem>> -> memref<1x8x50x64xf32, #tpu.memory_space<vmem>>
        %dma_start3A_1074 = tpu.memref_squeeze %dma_start3A_1073 : memref<1x8x50x64xf32, #tpu.memory_space<vmem>> -> memref<8x50x64xf32, #tpu.memory_space<vmem>>
        %dma_start3A_1075 = arith.constant 0 : i32
        %dma_start3A_1076 = arith.constant 0 : i32
        %dma_start3A_1077 = tpu.memref_slice %dma_start3A_1074[%dma_start3A_1069, %dma_start3A_1075, %dma_start3A_1076] : memref<8x50x64xf32, #tpu.memory_space<vmem>> -> memref<1x50x64xf32, #tpu.memory_space<vmem>>
        %dma_start3A_1078 = tpu.memref_squeeze %dma_start3A_1077 : memref<1x50x64xf32, #tpu.memory_space<vmem>> -> memref<50x64xf32, #tpu.memory_space<vmem>>
        %dma_start3A_1079 = arith.constant 0 : i32
        %dma_start3A_1080 = tpu.memref_slice %arg5[%add3A_1067, %dma_start3A_1079] : memref<512x50xi32, #tpu.memory_space<vmem>> -> memref<1x50xi32, #tpu.memory_space<vmem>>
        %dma_start3A_1081 = tpu.memref_squeeze %dma_start3A_1080 : memref<1x50xi32, #tpu.memory_space<vmem>> -> memref<50xi32, #tpu.memory_space<vmem>>
        %dma_start3A_1082 = arith.constant 0 : i32
        %dma_start3A_1083 = arith.constant 0 : i32
        %dma_start3A_1084 = tpu.memref_slice %arg3[%dma_start3A_1082, %dma_start3A_1083] : memref<2000000x64xf32, #tpu.memory_space<hbm>> -> memref<2000000x64xf32, #tpu.memory_space<hbm>>
        tpu.enqueue_indirect_dma source(%dma_start3A_1084 : memref<2000000x64xf32, #tpu.memory_space<hbm>>) target(%dma_start3A_1078 : memref<50x64xf32, #tpu.memory_space<vmem>>) offsets(%dma_start3A_1081 : memref<50xi32, #tpu.memory_space<vmem>>) semaphore(%arg7 : memref<!tpu.dma_semaphore, #tpu.memory_space<semaphore_mem>>)
        %mul3A_1085 = arith.constant 8 : i32
        %mul3A_1086 = arith.muli %add3A_879, %mul3A_1085 : i32
        %add3A_1087 = arith.constant 1 : i32
        %add3A_1088 = arith.addi %mul3A_1086, %add3A_1087 : i32
        %dma_start3A_1089 = arith.constant 0 : i32
        %dma_start3A_1090 = arith.constant 1 : i32
        %dma_start3A_1091 = arith.constant 0 : i32
        %dma_start3A_1092 = arith.constant 0 : i32
        %dma_start3A_1093 = arith.constant 0 : i32
        %dma_start3A_1094 = tpu.memref_slice %arg6[%dma_start3A_1089, %dma_start3A_1091, %dma_start3A_1092, %dma_start3A_1093] : memref<4x8x50x64xf32, #tpu.memory_space<vmem>> -> memref<1x8x50x64xf32, #tpu.memory_space<vmem>>
        %dma_start3A_1095 = tpu.memref_squeeze %dma_start3A_1094 : memref<1x8x50x64xf32, #tpu.memory_space<vmem>> -> memref<8x50x64xf32, #tpu.memory_space<vmem>>
        %dma_start3A_1096 = arith.constant 0 : i32
        %dma_start3A_1097 = arith.constant 0 : i32
        %dma_start3A_1098 = tpu.memref_slice %dma_start3A_1095[%dma_start3A_1090, %dma_start3A_1096, %dma_start3A_1097] : memref<8x50x64xf32, #tpu.memory_space<vmem>> -> memref<1x50x64xf32, #tpu.memory_space<vmem>>
        %dma_start3A_1099 = tpu.memref_squeeze %dma_start3A_1098 : memref<1x50x64xf32, #tpu.memory_space<vmem>> -> memref<50x64xf32, #tpu.memory_space<vmem>>
        %dma_start3A_1100 = arith.constant 0 : i32
        %dma_start3A_1101 = tpu.memref_slice %arg5[%add3A_1088, %dma_start3A_1100] : memref<512x50xi32, #tpu.memory_space<vmem>> -> memref<1x50xi32, #tpu.memory_space<vmem>>
        %dma_start3A_1102 = tpu.memref_squeeze %dma_start3A_1101 : memref<1x50xi32, #tpu.memory_space<vmem>> -> memref<50xi32, #tpu.memory_space<vmem>>
        %dma_start3A_1103 = arith.constant 0 : i32
        %dma_start3A_1104 = arith.constant 0 : i32
        %dma_start3A_1105 = tpu.memref_slice %arg3[%dma_start3A_1103, %dma_start3A_1104] : memref<2000000x64xf32, #tpu.memory_space<hbm>> -> memref<2000000x64xf32, #tpu.memory_space<hbm>>
        tpu.enqueue_indirect_dma source(%dma_start3A_1105 : memref<2000000x64xf32, #tpu.memory_space<hbm>>) target(%dma_start3A_1099 : memref<50x64xf32, #tpu.memory_space<vmem>>) offsets(%dma_start3A_1102 : memref<50xi32, #tpu.memory_space<vmem>>) semaphore(%arg7 : memref<!tpu.dma_semaphore, #tpu.memory_space<semaphore_mem>>)
        %mul3A_1106 = arith.constant 8 : i32
        %mul3A_1107 = arith.muli %add3A_879, %mul3A_1106 : i32
        %add3A_1108 = arith.constant 2 : i32
        %add3A_1109 = arith.addi %mul3A_1107, %add3A_1108 : i32
        %dma_start3A_1110 = arith.constant 0 : i32
        %dma_start3A_1111 = arith.constant 2 : i32
        %dma_start3A_1112 = arith.constant 0 : i32
        %dma_start3A_1113 = arith.constant 0 : i32
        %dma_start3A_1114 = arith.constant 0 : i32
        %dma_start3A_1115 = tpu.memref_slice %arg6[%dma_start3A_1110, %dma_start3A_1112, %dma_start3A_1113, %dma_start3A_1114] : memref<4x8x50x64xf32, #tpu.memory_space<vmem>> -> memref<1x8x50x64xf32, #tpu.memory_space<vmem>>
        %dma_start3A_1116 = tpu.memref_squeeze %dma_start3A_1115 : memref<1x8x50x64xf32, #tpu.memory_space<vmem>> -> memref<8x50x64xf32, #tpu.memory_space<vmem>>
        %dma_start3A_1117 = arith.constant 0 : i32
        %dma_start3A_1118 = arith.constant 0 : i32
        %dma_start3A_1119 = tpu.memref_slice %dma_start3A_1116[%dma_start3A_1111, %dma_start3A_1117, %dma_start3A_1118] : memref<8x50x64xf32, #tpu.memory_space<vmem>> -> memref<1x50x64xf32, #tpu.memory_space<vmem>>
        %dma_start3A_1120 = tpu.memref_squeeze %dma_start3A_1119 : memref<1x50x64xf32, #tpu.memory_space<vmem>> -> memref<50x64xf32, #tpu.memory_space<vmem>>
        %dma_start3A_1121 = arith.constant 0 : i32
        %dma_start3A_1122 = tpu.memref_slice %arg5[%add3A_1109, %dma_start3A_1121] : memref<512x50xi32, #tpu.memory_space<vmem>> -> memref<1x50xi32, #tpu.memory_space<vmem>>
        %dma_start3A_1123 = tpu.memref_squeeze %dma_start3A_1122 : memref<1x50xi32, #tpu.memory_space<vmem>> -> memref<50xi32, #tpu.memory_space<vmem>>
        %dma_start3A_1124 = arith.constant 0 : i32
        %dma_start3A_1125 = arith.constant 0 : i32
        %dma_start3A_1126 = tpu.memref_slice %arg3[%dma_start3A_1124, %dma_start3A_1125] : memref<2000000x64xf32, #tpu.memory_space<hbm>> -> memref<2000000x64xf32, #tpu.memory_space<hbm>>
        tpu.enqueue_indirect_dma source(%dma_start3A_1126 : memref<2000000x64xf32, #tpu.memory_space<hbm>>) target(%dma_start3A_1120 : memref<50x64xf32, #tpu.memory_space<vmem>>) offsets(%dma_start3A_1123 : memref<50xi32, #tpu.memory_space<vmem>>) semaphore(%arg7 : memref<!tpu.dma_semaphore, #tpu.memory_space<semaphore_mem>>)
        %mul3A_1127 = arith.constant 8 : i32
        %mul3A_1128 = arith.muli %add3A_879, %mul3A_1127 : i32
        %add3A_1129 = arith.constant 3 : i32
        %add3A_1130 = arith.addi %mul3A_1128, %add3A_1129 : i32
        %dma_start3A_1131 = arith.constant 0 : i32
        %dma_start3A_1132 = arith.constant 3 : i32
        %dma_start3A_1133 = arith.constant 0 : i32
        %dma_start3A_1134 = arith.constant 0 : i32
        %dma_start3A_1135 = arith.constant 0 : i32
        %dma_start3A_1136 = tpu.memref_slice %arg6[%dma_start3A_1131, %dma_start3A_1133, %dma_start3A_1134, %dma_start3A_1135] : memref<4x8x50x64xf32, #tpu.memory_space<vmem>> -> memref<1x8x50x64xf32, #tpu.memory_space<vmem>>
        %dma_start3A_1137 = tpu.memref_squeeze %dma_start3A_1136 : memref<1x8x50x64xf32, #tpu.memory_space<vmem>> -> memref<8x50x64xf32, #tpu.memory_space<vmem>>
        %dma_start3A_1138 = arith.constant 0 : i32
        %dma_start3A_1139 = arith.constant 0 : i32
        %dma_start3A_1140 = tpu.memref_slice %dma_start3A_1137[%dma_start3A_1132, %dma_start3A_1138, %dma_start3A_1139] : memref<8x50x64xf32, #tpu.memory_space<vmem>> -> memref<1x50x64xf32, #tpu.memory_space<vmem>>
        %dma_start3A_1141 = tpu.memref_squeeze %dma_start3A_1140 : memref<1x50x64xf32, #tpu.memory_space<vmem>> -> memref<50x64xf32, #tpu.memory_space<vmem>>
        %dma_start3A_1142 = arith.constant 0 : i32
        %dma_start3A_1143 = tpu.memref_slice %arg5[%add3A_1130, %dma_start3A_1142] : memref<512x50xi32, #tpu.memory_space<vmem>> -> memref<1x50xi32, #tpu.memory_space<vmem>>
        %dma_start3A_1144 = tpu.memref_squeeze %dma_start3A_1143 : memref<1x50xi32, #tpu.memory_space<vmem>> -> memref<50xi32, #tpu.memory_space<vmem>>
        %dma_start3A_1145 = arith.constant 0 : i32
        %dma_start3A_1146 = arith.constant 0 : i32
        %dma_start3A_1147 = tpu.memref_slice %arg3[%dma_start3A_1145, %dma_start3A_1146] : memref<2000000x64xf32, #tpu.memory_space<hbm>> -> memref<2000000x64xf32, #tpu.memory_space<hbm>>
        tpu.enqueue_indirect_dma source(%dma_start3A_1147 : memref<2000000x64xf32, #tpu.memory_space<hbm>>) target(%dma_start3A_1141 : memref<50x64xf32, #tpu.memory_space<vmem>>) offsets(%dma_start3A_1144 : memref<50xi32, #tpu.memory_space<vmem>>) semaphore(%arg7 : memref<!tpu.dma_semaphore, #tpu.memory_space<semaphore_mem>>)
        %mul3A_1148 = arith.constant 8 : i32
        %mul3A_1149 = arith.muli %add3A_879, %mul3A_1148 : i32
        %add3A_1150 = arith.constant 4 : i32
        %add3A_1151 = arith.addi %mul3A_1149, %add3A_1150 : i32
        %dma_start3A_1152 = arith.constant 0 : i32
        %dma_start3A_1153 = arith.constant 4 : i32
        %dma_start3A_1154 = arith.constant 0 : i32
        %dma_start3A_1155 = arith.constant 0 : i32
        %dma_start3A_1156 = arith.constant 0 : i32
        %dma_start3A_1157 = tpu.memref_slice %arg6[%dma_start3A_1152, %dma_start3A_1154, %dma_start3A_1155, %dma_start3A_1156] : memref<4x8x50x64xf32, #tpu.memory_space<vmem>> -> memref<1x8x50x64xf32, #tpu.memory_space<vmem>>
        %dma_start3A_1158 = tpu.memref_squeeze %dma_start3A_1157 : memref<1x8x50x64xf32, #tpu.memory_space<vmem>> -> memref<8x50x64xf32, #tpu.memory_space<vmem>>
        %dma_start3A_1159 = arith.constant 0 : i32
        %dma_start3A_1160 = arith.constant 0 : i32
        %dma_start3A_1161 = tpu.memref_slice %dma_start3A_1158[%dma_start3A_1153, %dma_start3A_1159, %dma_start3A_1160] : memref<8x50x64xf32, #tpu.memory_space<vmem>> -> memref<1x50x64xf32, #tpu.memory_space<vmem>>
        %dma_start3A_1162 = tpu.memref_squeeze %dma_start3A_1161 : memref<1x50x64xf32, #tpu.memory_space<vmem>> -> memref<50x64xf32, #tpu.memory_space<vmem>>
        %dma_start3A_1163 = arith.constant 0 : i32
        %dma_start3A_1164 = tpu.memref_slice %arg5[%add3A_1151, %dma_start3A_1163] : memref<512x50xi32, #tpu.memory_space<vmem>> -> memref<1x50xi32, #tpu.memory_space<vmem>>
        %dma_start3A_1165 = tpu.memref_squeeze %dma_start3A_1164 : memref<1x50xi32, #tpu.memory_space<vmem>> -> memref<50xi32, #tpu.memory_space<vmem>>
        %dma_start3A_1166 = arith.constant 0 : i32
        %dma_start3A_1167 = arith.constant 0 : i32
        %dma_start3A_1168 = tpu.memref_slice %arg3[%dma_start3A_1166, %dma_start3A_1167] : memref<2000000x64xf32, #tpu.memory_space<hbm>> -> memref<2000000x64xf32, #tpu.memory_space<hbm>>
        tpu.enqueue_indirect_dma source(%dma_start3A_1168 : memref<2000000x64xf32, #tpu.memory_space<hbm>>) target(%dma_start3A_1162 : memref<50x64xf32, #tpu.memory_space<vmem>>) offsets(%dma_start3A_1165 : memref<50xi32, #tpu.memory_space<vmem>>) semaphore(%arg7 : memref<!tpu.dma_semaphore, #tpu.memory_space<semaphore_mem>>)
        %mul3A_1169 = arith.constant 8 : i32
        %mul3A_1170 = arith.muli %add3A_879, %mul3A_1169 : i32
        %add3A_1171 = arith.constant 5 : i32
        %add3A_1172 = arith.addi %mul3A_1170, %add3A_1171 : i32
        %dma_start3A_1173 = arith.constant 0 : i32
        %dma_start3A_1174 = arith.constant 5 : i32
        %dma_start3A_1175 = arith.constant 0 : i32
        %dma_start3A_1176 = arith.constant 0 : i32
        %dma_start3A_1177 = arith.constant 0 : i32
        %dma_start3A_1178 = tpu.memref_slice %arg6[%dma_start3A_1173, %dma_start3A_1175, %dma_start3A_1176, %dma_start3A_1177] : memref<4x8x50x64xf32, #tpu.memory_space<vmem>> -> memref<1x8x50x64xf32, #tpu.memory_space<vmem>>
        %dma_start3A_1179 = tpu.memref_squeeze %dma_start3A_1178 : memref<1x8x50x64xf32, #tpu.memory_space<vmem>> -> memref<8x50x64xf32, #tpu.memory_space<vmem>>
        %dma_start3A_1180 = arith.constant 0 : i32
        %dma_start3A_1181 = arith.constant 0 : i32
        %dma_start3A_1182 = tpu.memref_slice %dma_start3A_1179[%dma_start3A_1174, %dma_start3A_1180, %dma_start3A_1181] : memref<8x50x64xf32, #tpu.memory_space<vmem>> -> memref<1x50x64xf32, #tpu.memory_space<vmem>>
        %dma_start3A_1183 = tpu.memref_squeeze %dma_start3A_1182 : memref<1x50x64xf32, #tpu.memory_space<vmem>> -> memref<50x64xf32, #tpu.memory_space<vmem>>
        %dma_start3A_1184 = arith.constant 0 : i32
        %dma_start3A_1185 = tpu.memref_slice %arg5[%add3A_1172, %dma_start3A_1184] : memref<512x50xi32, #tpu.memory_space<vmem>> -> memref<1x50xi32, #tpu.memory_space<vmem>>
        %dma_start3A_1186 = tpu.memref_squeeze %dma_start3A_1185 : memref<1x50xi32, #tpu.memory_space<vmem>> -> memref<50xi32, #tpu.memory_space<vmem>>
        %dma_start3A_1187 = arith.constant 0 : i32
        %dma_start3A_1188 = arith.constant 0 : i32
        %dma_start3A_1189 = tpu.memref_slice %arg3[%dma_start3A_1187, %dma_start3A_1188] : memref<2000000x64xf32, #tpu.memory_space<hbm>> -> memref<2000000x64xf32, #tpu.memory_space<hbm>>
        tpu.enqueue_indirect_dma source(%dma_start3A_1189 : memref<2000000x64xf32, #tpu.memory_space<hbm>>) target(%dma_start3A_1183 : memref<50x64xf32, #tpu.memory_space<vmem>>) offsets(%dma_start3A_1186 : memref<50xi32, #tpu.memory_space<vmem>>) semaphore(%arg7 : memref<!tpu.dma_semaphore, #tpu.memory_space<semaphore_mem>>)
        %mul3A_1190 = arith.constant 8 : i32
        %mul3A_1191 = arith.muli %add3A_879, %mul3A_1190 : i32
        %add3A_1192 = arith.constant 6 : i32
        %add3A_1193 = arith.addi %mul3A_1191, %add3A_1192 : i32
        %dma_start3A_1194 = arith.constant 0 : i32
        %dma_start3A_1195 = arith.constant 6 : i32
        %dma_start3A_1196 = arith.constant 0 : i32
        %dma_start3A_1197 = arith.constant 0 : i32
        %dma_start3A_1198 = arith.constant 0 : i32
        %dma_start3A_1199 = tpu.memref_slice %arg6[%dma_start3A_1194, %dma_start3A_1196, %dma_start3A_1197, %dma_start3A_1198] : memref<4x8x50x64xf32, #tpu.memory_space<vmem>> -> memref<1x8x50x64xf32, #tpu.memory_space<vmem>>
        %dma_start3A_1200 = tpu.memref_squeeze %dma_start3A_1199 : memref<1x8x50x64xf32, #tpu.memory_space<vmem>> -> memref<8x50x64xf32, #tpu.memory_space<vmem>>
        %dma_start3A_1201 = arith.constant 0 : i32
        %dma_start3A_1202 = arith.constant 0 : i32
        %dma_start3A_1203 = tpu.memref_slice %dma_start3A_1200[%dma_start3A_1195, %dma_start3A_1201, %dma_start3A_1202] : memref<8x50x64xf32, #tpu.memory_space<vmem>> -> memref<1x50x64xf32, #tpu.memory_space<vmem>>
        %dma_start3A_1204 = tpu.memref_squeeze %dma_start3A_1203 : memref<1x50x64xf32, #tpu.memory_space<vmem>> -> memref<50x64xf32, #tpu.memory_space<vmem>>
        %dma_start3A_1205 = arith.constant 0 : i32
        %dma_start3A_1206 = tpu.memref_slice %arg5[%add3A_1193, %dma_start3A_1205] : memref<512x50xi32, #tpu.memory_space<vmem>> -> memref<1x50xi32, #tpu.memory_space<vmem>>
        %dma_start3A_1207 = tpu.memref_squeeze %dma_start3A_1206 : memref<1x50xi32, #tpu.memory_space<vmem>> -> memref<50xi32, #tpu.memory_space<vmem>>
        %dma_start3A_1208 = arith.constant 0 : i32
        %dma_start3A_1209 = arith.constant 0 : i32
        %dma_start3A_1210 = tpu.memref_slice %arg3[%dma_start3A_1208, %dma_start3A_1209] : memref<2000000x64xf32, #tpu.memory_space<hbm>> -> memref<2000000x64xf32, #tpu.memory_space<hbm>>
        tpu.enqueue_indirect_dma source(%dma_start3A_1210 : memref<2000000x64xf32, #tpu.memory_space<hbm>>) target(%dma_start3A_1204 : memref<50x64xf32, #tpu.memory_space<vmem>>) offsets(%dma_start3A_1207 : memref<50xi32, #tpu.memory_space<vmem>>) semaphore(%arg7 : memref<!tpu.dma_semaphore, #tpu.memory_space<semaphore_mem>>)
        %mul3A_1211 = arith.constant 8 : i32
        %mul3A_1212 = arith.muli %add3A_879, %mul3A_1211 : i32
        %add3A_1213 = arith.constant 7 : i32
        %add3A_1214 = arith.addi %mul3A_1212, %add3A_1213 : i32
        %dma_start3A_1215 = arith.constant 0 : i32
        %dma_start3A_1216 = arith.constant 7 : i32
        %dma_start3A_1217 = arith.constant 0 : i32
        %dma_start3A_1218 = arith.constant 0 : i32
        %dma_start3A_1219 = arith.constant 0 : i32
        %dma_start3A_1220 = tpu.memref_slice %arg6[%dma_start3A_1215, %dma_start3A_1217, %dma_start3A_1218, %dma_start3A_1219] : memref<4x8x50x64xf32, #tpu.memory_space<vmem>> -> memref<1x8x50x64xf32, #tpu.memory_space<vmem>>
        %dma_start3A_1221 = tpu.memref_squeeze %dma_start3A_1220 : memref<1x8x50x64xf32, #tpu.memory_space<vmem>> -> memref<8x50x64xf32, #tpu.memory_space<vmem>>
        %dma_start3A_1222 = arith.constant 0 : i32
        %dma_start3A_1223 = arith.constant 0 : i32
        %dma_start3A_1224 = tpu.memref_slice %dma_start3A_1221[%dma_start3A_1216, %dma_start3A_1222, %dma_start3A_1223] : memref<8x50x64xf32, #tpu.memory_space<vmem>> -> memref<1x50x64xf32, #tpu.memory_space<vmem>>
        %dma_start3A_1225 = tpu.memref_squeeze %dma_start3A_1224 : memref<1x50x64xf32, #tpu.memory_space<vmem>> -> memref<50x64xf32, #tpu.memory_space<vmem>>
        %dma_start3A_1226 = arith.constant 0 : i32
        %dma_start3A_1227 = tpu.memref_slice %arg5[%add3A_1214, %dma_start3A_1226] : memref<512x50xi32, #tpu.memory_space<vmem>> -> memref<1x50xi32, #tpu.memory_space<vmem>>
        %dma_start3A_1228 = tpu.memref_squeeze %dma_start3A_1227 : memref<1x50xi32, #tpu.memory_space<vmem>> -> memref<50xi32, #tpu.memory_space<vmem>>
        %dma_start3A_1229 = arith.constant 0 : i32
        %dma_start3A_1230 = arith.constant 0 : i32
        %dma_start3A_1231 = tpu.memref_slice %arg3[%dma_start3A_1229, %dma_start3A_1230] : memref<2000000x64xf32, #tpu.memory_space<hbm>> -> memref<2000000x64xf32, #tpu.memory_space<hbm>>
        tpu.enqueue_indirect_dma source(%dma_start3A_1231 : memref<2000000x64xf32, #tpu.memory_space<hbm>>) target(%dma_start3A_1225 : memref<50x64xf32, #tpu.memory_space<vmem>>) offsets(%dma_start3A_1228 : memref<50xi32, #tpu.memory_space<vmem>>) semaphore(%arg7 : memref<!tpu.dma_semaphore, #tpu.memory_space<semaphore_mem>>)
      } else {
      }
      %mul3A_885 = arith.constant 4 : i32
      %mul3A_886 = arith.muli %scan3A_362, %mul3A_885 : i32
      %add3A_887 = arith.constant 3 : i32
      %add3A_888 = arith.addi %mul3A_886, %add3A_887 : i32
      %dma_wait3A_889 = arith.constant 0 : i32
      %dma_wait3A_890 = arith.constant 3 : i32
      %dma_wait3A_891 = arith.constant 0 : i32
      %dma_wait3A_892 = arith.constant 0 : i32
      %dma_wait3A_893 = arith.constant 0 : i32
      %dma_wait3A_894 = arith.constant 0 : i32
      %dma_wait3A_895 = tpu.memref_slice %arg6[%dma_wait3A_890, %dma_wait3A_892, %dma_wait3A_893, %dma_wait3A_894] : memref<4x8x50x64xf32, #tpu.memory_space<vmem>> -> memref<1x8x50x64xf32, #tpu.memory_space<vmem>>
      %dma_wait3A_896 = tpu.memref_squeeze %dma_wait3A_895 : memref<1x8x50x64xf32, #tpu.memory_space<vmem>> -> memref<8x50x64xf32, #tpu.memory_space<vmem>>
      %dma_wait3A_897 = arith.constant 0 : i32
      %dma_wait3A_898 = arith.constant 0 : i32
      %dma_wait3A_899 = tpu.memref_slice %dma_wait3A_896[%dma_wait3A_891, %dma_wait3A_897, %dma_wait3A_898] : memref<8x50x64xf32, #tpu.memory_space<vmem>> -> memref<1x50x64xf32, #tpu.memory_space<vmem>>
      %dma_wait3A_900 = tpu.memref_squeeze %dma_wait3A_899 : memref<1x50x64xf32, #tpu.memory_space<vmem>> -> memref<50x64xf32, #tpu.memory_space<vmem>>
      %dma_wait3A_901 = arith.constant 0 : i32
      %dma_wait3A_902 = tpu.memref_slice %arg5[%dma_wait3A_889, %dma_wait3A_901] : memref<512x50xi32, #tpu.memory_space<vmem>> -> memref<1x50xi32, #tpu.memory_space<vmem>>
      %dma_wait3A_903 = tpu.memref_squeeze %dma_wait3A_902 : memref<1x50xi32, #tpu.memory_space<vmem>> -> memref<50xi32, #tpu.memory_space<vmem>>
      %dma_wait3A_904 = arith.constant 0 : i32
      %dma_wait3A_905 = arith.constant 0 : i32
      %dma_wait3A_906 = tpu.memref_slice %arg3[%dma_wait3A_904, %dma_wait3A_905] : memref<2000000x64xf32, #tpu.memory_space<hbm>> -> memref<2000000x64xf32, #tpu.memory_space<hbm>>
      tpu.wait_indirect_dma semaphore(%arg10 : memref<!tpu.dma_semaphore, #tpu.memory_space<semaphore_mem>>) src(%dma_wait3A_906 : memref<2000000x64xf32, #tpu.memory_space<hbm>>) dst(%dma_wait3A_900 : memref<50x64xf32, #tpu.memory_space<vmem>>)
      %dma_wait3A_907 = arith.constant 0 : i32
      %dma_wait3A_908 = arith.constant 3 : i32
      %dma_wait3A_909 = arith.constant 1 : i32
      %dma_wait3A_910 = arith.constant 0 : i32
      %dma_wait3A_911 = arith.constant 0 : i32
      %dma_wait3A_912 = arith.constant 0 : i32
      %dma_wait3A_913 = tpu.memref_slice %arg6[%dma_wait3A_908, %dma_wait3A_910, %dma_wait3A_911, %dma_wait3A_912] : memref<4x8x50x64xf32, #tpu.memory_space<vmem>> -> memref<1x8x50x64xf32, #tpu.memory_space<vmem>>
      %dma_wait3A_914 = tpu.memref_squeeze %dma_wait3A_913 : memref<1x8x50x64xf32, #tpu.memory_space<vmem>> -> memref<8x50x64xf32, #tpu.memory_space<vmem>>
      %dma_wait3A_915 = arith.constant 0 : i32
      %dma_wait3A_916 = arith.constant 0 : i32
      %dma_wait3A_917 = tpu.memref_slice %dma_wait3A_914[%dma_wait3A_909, %dma_wait3A_915, %dma_wait3A_916] : memref<8x50x64xf32, #tpu.memory_space<vmem>> -> memref<1x50x64xf32, #tpu.memory_space<vmem>>
      %dma_wait3A_918 = tpu.memref_squeeze %dma_wait3A_917 : memref<1x50x64xf32, #tpu.memory_space<vmem>> -> memref<50x64xf32, #tpu.memory_space<vmem>>
      %dma_wait3A_919 = arith.constant 0 : i32
      %dma_wait3A_920 = tpu.memref_slice %arg5[%dma_wait3A_907, %dma_wait3A_919] : memref<512x50xi32, #tpu.memory_space<vmem>> -> memref<1x50xi32, #tpu.memory_space<vmem>>
      %dma_wait3A_921 = tpu.memref_squeeze %dma_wait3A_920 : memref<1x50xi32, #tpu.memory_space<vmem>> -> memref<50xi32, #tpu.memory_space<vmem>>
      %dma_wait3A_922 = arith.constant 0 : i32
      %dma_wait3A_923 = arith.constant 0 : i32
      %dma_wait3A_924 = tpu.memref_slice %arg3[%dma_wait3A_922, %dma_wait3A_923] : memref<2000000x64xf32, #tpu.memory_space<hbm>> -> memref<2000000x64xf32, #tpu.memory_space<hbm>>
      tpu.wait_indirect_dma semaphore(%arg10 : memref<!tpu.dma_semaphore, #tpu.memory_space<semaphore_mem>>) src(%dma_wait3A_924 : memref<2000000x64xf32, #tpu.memory_space<hbm>>) dst(%dma_wait3A_918 : memref<50x64xf32, #tpu.memory_space<vmem>>)
      %dma_wait3A_925 = arith.constant 0 : i32
      %dma_wait3A_926 = arith.constant 3 : i32
      %dma_wait3A_927 = arith.constant 2 : i32
      %dma_wait3A_928 = arith.constant 0 : i32
      %dma_wait3A_929 = arith.constant 0 : i32
      %dma_wait3A_930 = arith.constant 0 : i32
      %dma_wait3A_931 = tpu.memref_slice %arg6[%dma_wait3A_926, %dma_wait3A_928, %dma_wait3A_929, %dma_wait3A_930] : memref<4x8x50x64xf32, #tpu.memory_space<vmem>> -> memref<1x8x50x64xf32, #tpu.memory_space<vmem>>
      %dma_wait3A_932 = tpu.memref_squeeze %dma_wait3A_931 : memref<1x8x50x64xf32, #tpu.memory_space<vmem>> -> memref<8x50x64xf32, #tpu.memory_space<vmem>>
      %dma_wait3A_933 = arith.constant 0 : i32
      %dma_wait3A_934 = arith.constant 0 : i32
      %dma_wait3A_935 = tpu.memref_slice %dma_wait3A_932[%dma_wait3A_927, %dma_wait3A_933, %dma_wait3A_934] : memref<8x50x64xf32, #tpu.memory_space<vmem>> -> memref<1x50x64xf32, #tpu.memory_space<vmem>>
      %dma_wait3A_936 = tpu.memref_squeeze %dma_wait3A_935 : memref<1x50x64xf32, #tpu.memory_space<vmem>> -> memref<50x64xf32, #tpu.memory_space<vmem>>
      %dma_wait3A_937 = arith.constant 0 : i32
      %dma_wait3A_938 = tpu.memref_slice %arg5[%dma_wait3A_925, %dma_wait3A_937] : memref<512x50xi32, #tpu.memory_space<vmem>> -> memref<1x50xi32, #tpu.memory_space<vmem>>
      %dma_wait3A_939 = tpu.memref_squeeze %dma_wait3A_938 : memref<1x50xi32, #tpu.memory_space<vmem>> -> memref<50xi32, #tpu.memory_space<vmem>>
      %dma_wait3A_940 = arith.constant 0 : i32
      %dma_wait3A_941 = arith.constant 0 : i32
      %dma_wait3A_942 = tpu.memref_slice %arg3[%dma_wait3A_940, %dma_wait3A_941] : memref<2000000x64xf32, #tpu.memory_space<hbm>> -> memref<2000000x64xf32, #tpu.memory_space<hbm>>
      tpu.wait_indirect_dma semaphore(%arg10 : memref<!tpu.dma_semaphore, #tpu.memory_space<semaphore_mem>>) src(%dma_wait3A_942 : memref<2000000x64xf32, #tpu.memory_space<hbm>>) dst(%dma_wait3A_936 : memref<50x64xf32, #tpu.memory_space<vmem>>)
      %dma_wait3A_943 = arith.constant 0 : i32
      %dma_wait3A_944 = arith.constant 3 : i32
      %dma_wait3A_945 = arith.constant 3 : i32
      %dma_wait3A_946 = arith.constant 0 : i32
      %dma_wait3A_947 = arith.constant 0 : i32
      %dma_wait3A_948 = arith.constant 0 : i32
      %dma_wait3A_949 = tpu.memref_slice %arg6[%dma_wait3A_944, %dma_wait3A_946, %dma_wait3A_947, %dma_wait3A_948] : memref<4x8x50x64xf32, #tpu.memory_space<vmem>> -> memref<1x8x50x64xf32, #tpu.memory_space<vmem>>
      %dma_wait3A_950 = tpu.memref_squeeze %dma_wait3A_949 : memref<1x8x50x64xf32, #tpu.memory_space<vmem>> -> memref<8x50x64xf32, #tpu.memory_space<vmem>>
      %dma_wait3A_951 = arith.constant 0 : i32
      %dma_wait3A_952 = arith.constant 0 : i32
      %dma_wait3A_953 = tpu.memref_slice %dma_wait3A_950[%dma_wait3A_945, %dma_wait3A_951, %dma_wait3A_952] : memref<8x50x64xf32, #tpu.memory_space<vmem>> -> memref<1x50x64xf32, #tpu.memory_space<vmem>>
      %dma_wait3A_954 = tpu.memref_squeeze %dma_wait3A_953 : memref<1x50x64xf32, #tpu.memory_space<vmem>> -> memref<50x64xf32, #tpu.memory_space<vmem>>
      %dma_wait3A_955 = arith.constant 0 : i32
      %dma_wait3A_956 = tpu.memref_slice %arg5[%dma_wait3A_943, %dma_wait3A_955] : memref<512x50xi32, #tpu.memory_space<vmem>> -> memref<1x50xi32, #tpu.memory_space<vmem>>
      %dma_wait3A_957 = tpu.memref_squeeze %dma_wait3A_956 : memref<1x50xi32, #tpu.memory_space<vmem>> -> memref<50xi32, #tpu.memory_space<vmem>>
      %dma_wait3A_958 = arith.constant 0 : i32
      %dma_wait3A_959 = arith.constant 0 : i32
      %dma_wait3A_960 = tpu.memref_slice %arg3[%dma_wait3A_958, %dma_wait3A_959] : memref<2000000x64xf32, #tpu.memory_space<hbm>> -> memref<2000000x64xf32, #tpu.memory_space<hbm>>
      tpu.wait_indirect_dma semaphore(%arg10 : memref<!tpu.dma_semaphore, #tpu.memory_space<semaphore_mem>>) src(%dma_wait3A_960 : memref<2000000x64xf32, #tpu.memory_space<hbm>>) dst(%dma_wait3A_954 : memref<50x64xf32, #tpu.memory_space<vmem>>)
      %dma_wait3A_961 = arith.constant 0 : i32
      %dma_wait3A_962 = arith.constant 3 : i32
      %dma_wait3A_963 = arith.constant 4 : i32
      %dma_wait3A_964 = arith.constant 0 : i32
      %dma_wait3A_965 = arith.constant 0 : i32
      %dma_wait3A_966 = arith.constant 0 : i32
      %dma_wait3A_967 = tpu.memref_slice %arg6[%dma_wait3A_962, %dma_wait3A_964, %dma_wait3A_965, %dma_wait3A_966] : memref<4x8x50x64xf32, #tpu.memory_space<vmem>> -> memref<1x8x50x64xf32, #tpu.memory_space<vmem>>
      %dma_wait3A_968 = tpu.memref_squeeze %dma_wait3A_967 : memref<1x8x50x64xf32, #tpu.memory_space<vmem>> -> memref<8x50x64xf32, #tpu.memory_space<vmem>>
      %dma_wait3A_969 = arith.constant 0 : i32
      %dma_wait3A_970 = arith.constant 0 : i32
      %dma_wait3A_971 = tpu.memref_slice %dma_wait3A_968[%dma_wait3A_963, %dma_wait3A_969, %dma_wait3A_970] : memref<8x50x64xf32, #tpu.memory_space<vmem>> -> memref<1x50x64xf32, #tpu.memory_space<vmem>>
      %dma_wait3A_972 = tpu.memref_squeeze %dma_wait3A_971 : memref<1x50x64xf32, #tpu.memory_space<vmem>> -> memref<50x64xf32, #tpu.memory_space<vmem>>
      %dma_wait3A_973 = arith.constant 0 : i32
      %dma_wait3A_974 = tpu.memref_slice %arg5[%dma_wait3A_961, %dma_wait3A_973] : memref<512x50xi32, #tpu.memory_space<vmem>> -> memref<1x50xi32, #tpu.memory_space<vmem>>
      %dma_wait3A_975 = tpu.memref_squeeze %dma_wait3A_974 : memref<1x50xi32, #tpu.memory_space<vmem>> -> memref<50xi32, #tpu.memory_space<vmem>>
      %dma_wait3A_976 = arith.constant 0 : i32
      %dma_wait3A_977 = arith.constant 0 : i32
      %dma_wait3A_978 = tpu.memref_slice %arg3[%dma_wait3A_976, %dma_wait3A_977] : memref<2000000x64xf32, #tpu.memory_space<hbm>> -> memref<2000000x64xf32, #tpu.memory_space<hbm>>
      tpu.wait_indirect_dma semaphore(%arg10 : memref<!tpu.dma_semaphore, #tpu.memory_space<semaphore_mem>>) src(%dma_wait3A_978 : memref<2000000x64xf32, #tpu.memory_space<hbm>>) dst(%dma_wait3A_972 : memref<50x64xf32, #tpu.memory_space<vmem>>)
      %dma_wait3A_979 = arith.constant 0 : i32
      %dma_wait3A_980 = arith.constant 3 : i32
      %dma_wait3A_981 = arith.constant 5 : i32
      %dma_wait3A_982 = arith.constant 0 : i32
      %dma_wait3A_983 = arith.constant 0 : i32
      %dma_wait3A_984 = arith.constant 0 : i32
      %dma_wait3A_985 = tpu.memref_slice %arg6[%dma_wait3A_980, %dma_wait3A_982, %dma_wait3A_983, %dma_wait3A_984] : memref<4x8x50x64xf32, #tpu.memory_space<vmem>> -> memref<1x8x50x64xf32, #tpu.memory_space<vmem>>
      %dma_wait3A_986 = tpu.memref_squeeze %dma_wait3A_985 : memref<1x8x50x64xf32, #tpu.memory_space<vmem>> -> memref<8x50x64xf32, #tpu.memory_space<vmem>>
      %dma_wait3A_987 = arith.constant 0 : i32
      %dma_wait3A_988 = arith.constant 0 : i32
      %dma_wait3A_989 = tpu.memref_slice %dma_wait3A_986[%dma_wait3A_981, %dma_wait3A_987, %dma_wait3A_988] : memref<8x50x64xf32, #tpu.memory_space<vmem>> -> memref<1x50x64xf32, #tpu.memory_space<vmem>>
      %dma_wait3A_990 = tpu.memref_squeeze %dma_wait3A_989 : memref<1x50x64xf32, #tpu.memory_space<vmem>> -> memref<50x64xf32, #tpu.memory_space<vmem>>
      %dma_wait3A_991 = arith.constant 0 : i32
      %dma_wait3A_992 = tpu.memref_slice %arg5[%dma_wait3A_979, %dma_wait3A_991] : memref<512x50xi32, #tpu.memory_space<vmem>> -> memref<1x50xi32, #tpu.memory_space<vmem>>
      %dma_wait3A_993 = tpu.memref_squeeze %dma_wait3A_992 : memref<1x50xi32, #tpu.memory_space<vmem>> -> memref<50xi32, #tpu.memory_space<vmem>>
      %dma_wait3A_994 = arith.constant 0 : i32
      %dma_wait3A_995 = arith.constant 0 : i32
      %dma_wait3A_996 = tpu.memref_slice %arg3[%dma_wait3A_994, %dma_wait3A_995] : memref<2000000x64xf32, #tpu.memory_space<hbm>> -> memref<2000000x64xf32, #tpu.memory_space<hbm>>
      tpu.wait_indirect_dma semaphore(%arg10 : memref<!tpu.dma_semaphore, #tpu.memory_space<semaphore_mem>>) src(%dma_wait3A_996 : memref<2000000x64xf32, #tpu.memory_space<hbm>>) dst(%dma_wait3A_990 : memref<50x64xf32, #tpu.memory_space<vmem>>)
      %dma_wait3A_997 = arith.constant 0 : i32
      %dma_wait3A_998 = arith.constant 3 : i32
      %dma_wait3A_999 = arith.constant 6 : i32
      %dma_wait3A_1000 = arith.constant 0 : i32
      %dma_wait3A_1001 = arith.constant 0 : i32
      %dma_wait3A_1002 = arith.constant 0 : i32
      %dma_wait3A_1003 = tpu.memref_slice %arg6[%dma_wait3A_998, %dma_wait3A_1000, %dma_wait3A_1001, %dma_wait3A_1002] : memref<4x8x50x64xf32, #tpu.memory_space<vmem>> -> memref<1x8x50x64xf32, #tpu.memory_space<vmem>>
      %dma_wait3A_1004 = tpu.memref_squeeze %dma_wait3A_1003 : memref<1x8x50x64xf32, #tpu.memory_space<vmem>> -> memref<8x50x64xf32, #tpu.memory_space<vmem>>
      %dma_wait3A_1005 = arith.constant 0 : i32
      %dma_wait3A_1006 = arith.constant 0 : i32
      %dma_wait3A_1007 = tpu.memref_slice %dma_wait3A_1004[%dma_wait3A_999, %dma_wait3A_1005, %dma_wait3A_1006] : memref<8x50x64xf32, #tpu.memory_space<vmem>> -> memref<1x50x64xf32, #tpu.memory_space<vmem>>
      %dma_wait3A_1008 = tpu.memref_squeeze %dma_wait3A_1007 : memref<1x50x64xf32, #tpu.memory_space<vmem>> -> memref<50x64xf32, #tpu.memory_space<vmem>>
      %dma_wait3A_1009 = arith.constant 0 : i32
      %dma_wait3A_1010 = tpu.memref_slice %arg5[%dma_wait3A_997, %dma_wait3A_1009] : memref<512x50xi32, #tpu.memory_space<vmem>> -> memref<1x50xi32, #tpu.memory_space<vmem>>
      %dma_wait3A_1011 = tpu.memref_squeeze %dma_wait3A_1010 : memref<1x50xi32, #tpu.memory_space<vmem>> -> memref<50xi32, #tpu.memory_space<vmem>>
      %dma_wait3A_1012 = arith.constant 0 : i32
      %dma_wait3A_1013 = arith.constant 0 : i32
      %dma_wait3A_1014 = tpu.memref_slice %arg3[%dma_wait3A_1012, %dma_wait3A_1013] : memref<2000000x64xf32, #tpu.memory_space<hbm>> -> memref<2000000x64xf32, #tpu.memory_space<hbm>>
      tpu.wait_indirect_dma semaphore(%arg10 : memref<!tpu.dma_semaphore, #tpu.memory_space<semaphore_mem>>) src(%dma_wait3A_1014 : memref<2000000x64xf32, #tpu.memory_space<hbm>>) dst(%dma_wait3A_1008 : memref<50x64xf32, #tpu.memory_space<vmem>>)
      %dma_wait3A_1015 = arith.constant 0 : i32
      %dma_wait3A_1016 = arith.constant 3 : i32
      %dma_wait3A_1017 = arith.constant 7 : i32
      %dma_wait3A_1018 = arith.constant 0 : i32
      %dma_wait3A_1019 = arith.constant 0 : i32
      %dma_wait3A_1020 = arith.constant 0 : i32
      %dma_wait3A_1021 = tpu.memref_slice %arg6[%dma_wait3A_1016, %dma_wait3A_1018, %dma_wait3A_1019, %dma_wait3A_1020] : memref<4x8x50x64xf32, #tpu.memory_space<vmem>> -> memref<1x8x50x64xf32, #tpu.memory_space<vmem>>
      %dma_wait3A_1022 = tpu.memref_squeeze %dma_wait3A_1021 : memref<1x8x50x64xf32, #tpu.memory_space<vmem>> -> memref<8x50x64xf32, #tpu.memory_space<vmem>>
      %dma_wait3A_1023 = arith.constant 0 : i32
      %dma_wait3A_1024 = arith.constant 0 : i32
      %dma_wait3A_1025 = tpu.memref_slice %dma_wait3A_1022[%dma_wait3A_1017, %dma_wait3A_1023, %dma_wait3A_1024] : memref<8x50x64xf32, #tpu.memory_space<vmem>> -> memref<1x50x64xf32, #tpu.memory_space<vmem>>
      %dma_wait3A_1026 = tpu.memref_squeeze %dma_wait3A_1025 : memref<1x50x64xf32, #tpu.memory_space<vmem>> -> memref<50x64xf32, #tpu.memory_space<vmem>>
      %dma_wait3A_1027 = arith.constant 0 : i32
      %dma_wait3A_1028 = tpu.memref_slice %arg5[%dma_wait3A_1015, %dma_wait3A_1027] : memref<512x50xi32, #tpu.memory_space<vmem>> -> memref<1x50xi32, #tpu.memory_space<vmem>>
      %dma_wait3A_1029 = tpu.memref_squeeze %dma_wait3A_1028 : memref<1x50xi32, #tpu.memory_space<vmem>> -> memref<50xi32, #tpu.memory_space<vmem>>
      %dma_wait3A_1030 = arith.constant 0 : i32
      %dma_wait3A_1031 = arith.constant 0 : i32
      %dma_wait3A_1032 = tpu.memref_slice %arg3[%dma_wait3A_1030, %dma_wait3A_1031] : memref<2000000x64xf32, #tpu.memory_space<hbm>> -> memref<2000000x64xf32, #tpu.memory_space<hbm>>
      tpu.wait_indirect_dma semaphore(%arg10 : memref<!tpu.dma_semaphore, #tpu.memory_space<semaphore_mem>>) src(%dma_wait3A_1032 : memref<2000000x64xf32, #tpu.memory_space<hbm>>) dst(%dma_wait3A_1026 : memref<50x64xf32, #tpu.memory_space<vmem>>)
      %mul3A_1033 = arith.constant 8 : i32
      %mul3A_1034 = arith.muli %add3A_888, %mul3A_1033 : i32
      %add3A_1035 = arith.addi %mul3A_2, %mul3A_1034 : i32
      %dma_start3A_1036 = arith.constant 3 : i32
      %dma_start3A_1037 = arith.constant 0 : i32
      %dma_start3A_1038 = arith.constant 0 : i32
      %dma_start3A_1039 = arith.constant 0 : i32
      %dma_start3A_1040 = tpu.memref_slice %arg6[%dma_start3A_1036, %dma_start3A_1037, %dma_start3A_1038, %dma_start3A_1039] : memref<4x8x50x64xf32, #tpu.memory_space<vmem>> -> memref<1x8x50x64xf32, #tpu.memory_space<vmem>>
      %dma_start3A_1041 = tpu.memref_squeeze %dma_start3A_1040 : memref<1x8x50x64xf32, #tpu.memory_space<vmem>> -> memref<8x50x64xf32, #tpu.memory_space<vmem>>
      %dma_start3A_1042 = arith.constant 0 : i32
      %dma_start3A_1043 = arith.constant 0 : i32
      %dma_start3A_1044 = tpu.memref_slice %arg4[%add3A_1035, %dma_start3A_1042, %dma_start3A_1043] : memref<16384x50x64xf32, #tpu.memory_space<hbm>> -> memref<8x50x64xf32, #tpu.memory_space<hbm>>
      %dma_start3A_1045 = arith.constant 0 : i32
      %dma_start3A_1046 = arith.constant 0 : i32
      %dma_start3A_1047 = tpu.memref_slice %arg4[%add3A_1035, %dma_start3A_1045, %dma_start3A_1046] : memref<16384x50x64xf32, #tpu.memory_space<hbm>> -> memref<8x50x64xf32, #tpu.memory_space<hbm>>
      %dma_start3A_1048 = arith.constant 0 : i32
      %dma_start3A_1049 = arith.constant 0 : i32
      %dma_start3A_1050 = arith.constant 0 : i32
      %dma_start3A_1051 = tpu.memref_slice %arg6[%dma_start3A_1036, %dma_start3A_1048, %dma_start3A_1049, %dma_start3A_1050] : memref<4x8x50x64xf32, #tpu.memory_space<vmem>> -> memref<1x8x50x64xf32, #tpu.memory_space<vmem>>
      %dma_start3A_1052 = tpu.memref_squeeze %dma_start3A_1051 : memref<1x8x50x64xf32, #tpu.memory_space<vmem>> -> memref<8x50x64xf32, #tpu.memory_space<vmem>>
      tpu.enqueue_dma source(%dma_start3A_1052 : memref<8x50x64xf32, #tpu.memory_space<vmem>>) target(%dma_start3A_1047 : memref<8x50x64xf32, #tpu.memory_space<hbm>>) target_semaphore(%arg14 : memref<!tpu.dma_semaphore, #tpu.memory_space<semaphore_mem>>)
      %add3A_1053 = arith.constant 2 : i32
      %add3A_1054 = arith.addi %add3A_888, %add3A_1053 : i32
      %lt3A_1055 = arith.constant 64 : i32
      %lt3A_1056 = arith.cmpi slt, %add3A_1054, %lt3A_1055 : i32
      %convert_element_type3A_1057 = arith.extui %lt3A_1056 : i1 to i32
      %cond3A_1058 = arith.constant 0 : i32
      %cond3A_1059 = arith.cmpi ne, %convert_element_type3A_1057, %cond3A_1058 : i32
      scf.if %cond3A_1059 {
        %ge3A = arith.constant 4 : i32
        %ge3A_1060 = arith.cmpi sge, %add3A_1054, %ge3A : i32
        %convert_element_type3A_1061 = arith.extui %ge3A_1060 : i1 to i32
        %cond3A_1062 = arith.constant 0 : i32
        %cond3A_1063 = arith.cmpi ne, %convert_element_type3A_1061, %cond3A_1062 : i32
        scf.if %cond3A_1063 {
          %dma_wait3A_1232 = arith.constant 1 : i32
          %dma_wait3A_1233 = arith.constant 0 : i32
          %dma_wait3A_1234 = arith.constant 0 : i32
          %dma_wait3A_1235 = arith.constant 0 : i32
          %dma_wait3A_1236 = tpu.memref_slice %arg6[%dma_wait3A_1232, %dma_wait3A_1233, %dma_wait3A_1234, %dma_wait3A_1235] : memref<4x8x50x64xf32, #tpu.memory_space<vmem>> -> memref<1x8x50x64xf32, #tpu.memory_space<vmem>>
          %dma_wait3A_1237 = tpu.memref_squeeze %dma_wait3A_1236 : memref<1x8x50x64xf32, #tpu.memory_space<vmem>> -> memref<8x50x64xf32, #tpu.memory_space<vmem>>
          %dma_wait3A_1238 = arith.constant 0 : i32
          %dma_wait3A_1239 = arith.constant 0 : i32
          %dma_wait3A_1240 = tpu.memref_slice %arg4[%mul3A_2, %dma_wait3A_1238, %dma_wait3A_1239] : memref<16384x50x64xf32, #tpu.memory_space<hbm>> -> memref<8x50x64xf32, #tpu.memory_space<hbm>>
          %dma_wait3A_1241 = arith.constant 0 : i32
          %dma_wait3A_1242 = arith.constant 0 : i32
          %dma_wait3A_1243 = tpu.memref_slice %arg4[%mul3A_2, %dma_wait3A_1241, %dma_wait3A_1242] : memref<16384x50x64xf32, #tpu.memory_space<hbm>> -> memref<8x50x64xf32, #tpu.memory_space<hbm>>
          %dma_wait3A_1244 = arith.constant 0 : i32
          %dma_wait3A_1245 = arith.constant 0 : i32
          %dma_wait3A_1246 = arith.constant 0 : i32
          %dma_wait3A_1247 = tpu.memref_slice %arg6[%dma_wait3A_1232, %dma_wait3A_1244, %dma_wait3A_1245, %dma_wait3A_1246] : memref<4x8x50x64xf32, #tpu.memory_space<vmem>> -> memref<1x8x50x64xf32, #tpu.memory_space<vmem>>
          %dma_wait3A_1248 = tpu.memref_squeeze %dma_wait3A_1247 : memref<1x8x50x64xf32, #tpu.memory_space<vmem>> -> memref<8x50x64xf32, #tpu.memory_space<vmem>>
          tpu.wait_dma2 semaphore(%arg12 : memref<!tpu.dma_semaphore, #tpu.memory_space<semaphore_mem>>) src(%dma_wait3A_1248 : memref<8x50x64xf32, #tpu.memory_space<vmem>>) dst(%dma_wait3A_1243 : memref<8x50x64xf32, #tpu.memory_space<hbm>>)
        } else {
        }
        %mul3A_1064 = arith.constant 8 : i32
        %mul3A_1065 = arith.muli %add3A_1054, %mul3A_1064 : i32
        %add3A_1066 = arith.constant 0 : i32
        %add3A_1067 = arith.addi %mul3A_1065, %add3A_1066 : i32
        %dma_start3A_1068 = arith.constant 1 : i32
        %dma_start3A_1069 = arith.constant 0 : i32
        %dma_start3A_1070 = arith.constant 0 : i32
        %dma_start3A_1071 = arith.constant 0 : i32
        %dma_start3A_1072 = arith.constant 0 : i32
        %dma_start3A_1073 = tpu.memref_slice %arg6[%dma_start3A_1068, %dma_start3A_1070, %dma_start3A_1071, %dma_start3A_1072] : memref<4x8x50x64xf32, #tpu.memory_space<vmem>> -> memref<1x8x50x64xf32, #tpu.memory_space<vmem>>
        %dma_start3A_1074 = tpu.memref_squeeze %dma_start3A_1073 : memref<1x8x50x64xf32, #tpu.memory_space<vmem>> -> memref<8x50x64xf32, #tpu.memory_space<vmem>>
        %dma_start3A_1075 = arith.constant 0 : i32
        %dma_start3A_1076 = arith.constant 0 : i32
        %dma_start3A_1077 = tpu.memref_slice %dma_start3A_1074[%dma_start3A_1069, %dma_start3A_1075, %dma_start3A_1076] : memref<8x50x64xf32, #tpu.memory_space<vmem>> -> memref<1x50x64xf32, #tpu.memory_space<vmem>>
        %dma_start3A_1078 = tpu.memref_squeeze %dma_start3A_1077 : memref<1x50x64xf32, #tpu.memory_space<vmem>> -> memref<50x64xf32, #tpu.memory_space<vmem>>
        %dma_start3A_1079 = arith.constant 0 : i32
        %dma_start3A_1080 = tpu.memref_slice %arg5[%add3A_1067, %dma_start3A_1079] : memref<512x50xi32, #tpu.memory_space<vmem>> -> memref<1x50xi32, #tpu.memory_space<vmem>>
        %dma_start3A_1081 = tpu.memref_squeeze %dma_start3A_1080 : memref<1x50xi32, #tpu.memory_space<vmem>> -> memref<50xi32, #tpu.memory_space<vmem>>
        %dma_start3A_1082 = arith.constant 0 : i32
        %dma_start3A_1083 = arith.constant 0 : i32
        %dma_start3A_1084 = tpu.memref_slice %arg3[%dma_start3A_1082, %dma_start3A_1083] : memref<2000000x64xf32, #tpu.memory_space<hbm>> -> memref<2000000x64xf32, #tpu.memory_space<hbm>>
        tpu.enqueue_indirect_dma source(%dma_start3A_1084 : memref<2000000x64xf32, #tpu.memory_space<hbm>>) target(%dma_start3A_1078 : memref<50x64xf32, #tpu.memory_space<vmem>>) offsets(%dma_start3A_1081 : memref<50xi32, #tpu.memory_space<vmem>>) semaphore(%arg8 : memref<!tpu.dma_semaphore, #tpu.memory_space<semaphore_mem>>)
        %mul3A_1085 = arith.constant 8 : i32
        %mul3A_1086 = arith.muli %add3A_1054, %mul3A_1085 : i32
        %add3A_1087 = arith.constant 1 : i32
        %add3A_1088 = arith.addi %mul3A_1086, %add3A_1087 : i32
        %dma_start3A_1089 = arith.constant 1 : i32
        %dma_start3A_1090 = arith.constant 1 : i32
        %dma_start3A_1091 = arith.constant 0 : i32
        %dma_start3A_1092 = arith.constant 0 : i32
        %dma_start3A_1093 = arith.constant 0 : i32
        %dma_start3A_1094 = tpu.memref_slice %arg6[%dma_start3A_1089, %dma_start3A_1091, %dma_start3A_1092, %dma_start3A_1093] : memref<4x8x50x64xf32, #tpu.memory_space<vmem>> -> memref<1x8x50x64xf32, #tpu.memory_space<vmem>>
        %dma_start3A_1095 = tpu.memref_squeeze %dma_start3A_1094 : memref<1x8x50x64xf32, #tpu.memory_space<vmem>> -> memref<8x50x64xf32, #tpu.memory_space<vmem>>
        %dma_start3A_1096 = arith.constant 0 : i32
        %dma_start3A_1097 = arith.constant 0 : i32
        %dma_start3A_1098 = tpu.memref_slice %dma_start3A_1095[%dma_start3A_1090, %dma_start3A_1096, %dma_start3A_1097] : memref<8x50x64xf32, #tpu.memory_space<vmem>> -> memref<1x50x64xf32, #tpu.memory_space<vmem>>
        %dma_start3A_1099 = tpu.memref_squeeze %dma_start3A_1098 : memref<1x50x64xf32, #tpu.memory_space<vmem>> -> memref<50x64xf32, #tpu.memory_space<vmem>>
        %dma_start3A_1100 = arith.constant 0 : i32
        %dma_start3A_1101 = tpu.memref_slice %arg5[%add3A_1088, %dma_start3A_1100] : memref<512x50xi32, #tpu.memory_space<vmem>> -> memref<1x50xi32, #tpu.memory_space<vmem>>
        %dma_start3A_1102 = tpu.memref_squeeze %dma_start3A_1101 : memref<1x50xi32, #tpu.memory_space<vmem>> -> memref<50xi32, #tpu.memory_space<vmem>>
        %dma_start3A_1103 = arith.constant 0 : i32
        %dma_start3A_1104 = arith.constant 0 : i32
        %dma_start3A_1105 = tpu.memref_slice %arg3[%dma_start3A_1103, %dma_start3A_1104] : memref<2000000x64xf32, #tpu.memory_space<hbm>> -> memref<2000000x64xf32, #tpu.memory_space<hbm>>
        tpu.enqueue_indirect_dma source(%dma_start3A_1105 : memref<2000000x64xf32, #tpu.memory_space<hbm>>) target(%dma_start3A_1099 : memref<50x64xf32, #tpu.memory_space<vmem>>) offsets(%dma_start3A_1102 : memref<50xi32, #tpu.memory_space<vmem>>) semaphore(%arg8 : memref<!tpu.dma_semaphore, #tpu.memory_space<semaphore_mem>>)
        %mul3A_1106 = arith.constant 8 : i32
        %mul3A_1107 = arith.muli %add3A_1054, %mul3A_1106 : i32
        %add3A_1108 = arith.constant 2 : i32
        %add3A_1109 = arith.addi %mul3A_1107, %add3A_1108 : i32
        %dma_start3A_1110 = arith.constant 1 : i32
        %dma_start3A_1111 = arith.constant 2 : i32
        %dma_start3A_1112 = arith.constant 0 : i32
        %dma_start3A_1113 = arith.constant 0 : i32
        %dma_start3A_1114 = arith.constant 0 : i32
        %dma_start3A_1115 = tpu.memref_slice %arg6[%dma_start3A_1110, %dma_start3A_1112, %dma_start3A_1113, %dma_start3A_1114] : memref<4x8x50x64xf32, #tpu.memory_space<vmem>> -> memref<1x8x50x64xf32, #tpu.memory_space<vmem>>
        %dma_start3A_1116 = tpu.memref_squeeze %dma_start3A_1115 : memref<1x8x50x64xf32, #tpu.memory_space<vmem>> -> memref<8x50x64xf32, #tpu.memory_space<vmem>>
        %dma_start3A_1117 = arith.constant 0 : i32
        %dma_start3A_1118 = arith.constant 0 : i32
        %dma_start3A_1119 = tpu.memref_slice %dma_start3A_1116[%dma_start3A_1111, %dma_start3A_1117, %dma_start3A_1118] : memref<8x50x64xf32, #tpu.memory_space<vmem>> -> memref<1x50x64xf32, #tpu.memory_space<vmem>>
        %dma_start3A_1120 = tpu.memref_squeeze %dma_start3A_1119 : memref<1x50x64xf32, #tpu.memory_space<vmem>> -> memref<50x64xf32, #tpu.memory_space<vmem>>
        %dma_start3A_1121 = arith.constant 0 : i32
        %dma_start3A_1122 = tpu.memref_slice %arg5[%add3A_1109, %dma_start3A_1121] : memref<512x50xi32, #tpu.memory_space<vmem>> -> memref<1x50xi32, #tpu.memory_space<vmem>>
        %dma_start3A_1123 = tpu.memref_squeeze %dma_start3A_1122 : memref<1x50xi32, #tpu.memory_space<vmem>> -> memref<50xi32, #tpu.memory_space<vmem>>
        %dma_start3A_1124 = arith.constant 0 : i32
        %dma_start3A_1125 = arith.constant 0 : i32
        %dma_start3A_1126 = tpu.memref_slice %arg3[%dma_start3A_1124, %dma_start3A_1125] : memref<2000000x64xf32, #tpu.memory_space<hbm>> -> memref<2000000x64xf32, #tpu.memory_space<hbm>>
        tpu.enqueue_indirect_dma source(%dma_start3A_1126 : memref<2000000x64xf32, #tpu.memory_space<hbm>>) target(%dma_start3A_1120 : memref<50x64xf32, #tpu.memory_space<vmem>>) offsets(%dma_start3A_1123 : memref<50xi32, #tpu.memory_space<vmem>>) semaphore(%arg8 : memref<!tpu.dma_semaphore, #tpu.memory_space<semaphore_mem>>)
        %mul3A_1127 = arith.constant 8 : i32
        %mul3A_1128 = arith.muli %add3A_1054, %mul3A_1127 : i32
        %add3A_1129 = arith.constant 3 : i32
        %add3A_1130 = arith.addi %mul3A_1128, %add3A_1129 : i32
        %dma_start3A_1131 = arith.constant 1 : i32
        %dma_start3A_1132 = arith.constant 3 : i32
        %dma_start3A_1133 = arith.constant 0 : i32
        %dma_start3A_1134 = arith.constant 0 : i32
        %dma_start3A_1135 = arith.constant 0 : i32
        %dma_start3A_1136 = tpu.memref_slice %arg6[%dma_start3A_1131, %dma_start3A_1133, %dma_start3A_1134, %dma_start3A_1135] : memref<4x8x50x64xf32, #tpu.memory_space<vmem>> -> memref<1x8x50x64xf32, #tpu.memory_space<vmem>>
        %dma_start3A_1137 = tpu.memref_squeeze %dma_start3A_1136 : memref<1x8x50x64xf32, #tpu.memory_space<vmem>> -> memref<8x50x64xf32, #tpu.memory_space<vmem>>
        %dma_start3A_1138 = arith.constant 0 : i32
        %dma_start3A_1139 = arith.constant 0 : i32
        %dma_start3A_1140 = tpu.memref_slice %dma_start3A_1137[%dma_start3A_1132, %dma_start3A_1138, %dma_start3A_1139] : memref<8x50x64xf32, #tpu.memory_space<vmem>> -> memref<1x50x64xf32, #tpu.memory_space<vmem>>
        %dma_start3A_1141 = tpu.memref_squeeze %dma_start3A_1140 : memref<1x50x64xf32, #tpu.memory_space<vmem>> -> memref<50x64xf32, #tpu.memory_space<vmem>>
        %dma_start3A_1142 = arith.constant 0 : i32
        %dma_start3A_1143 = tpu.memref_slice %arg5[%add3A_1130, %dma_start3A_1142] : memref<512x50xi32, #tpu.memory_space<vmem>> -> memref<1x50xi32, #tpu.memory_space<vmem>>
        %dma_start3A_1144 = tpu.memref_squeeze %dma_start3A_1143 : memref<1x50xi32, #tpu.memory_space<vmem>> -> memref<50xi32, #tpu.memory_space<vmem>>
        %dma_start3A_1145 = arith.constant 0 : i32
        %dma_start3A_1146 = arith.constant 0 : i32
        %dma_start3A_1147 = tpu.memref_slice %arg3[%dma_start3A_1145, %dma_start3A_1146] : memref<2000000x64xf32, #tpu.memory_space<hbm>> -> memref<2000000x64xf32, #tpu.memory_space<hbm>>
        tpu.enqueue_indirect_dma source(%dma_start3A_1147 : memref<2000000x64xf32, #tpu.memory_space<hbm>>) target(%dma_start3A_1141 : memref<50x64xf32, #tpu.memory_space<vmem>>) offsets(%dma_start3A_1144 : memref<50xi32, #tpu.memory_space<vmem>>) semaphore(%arg8 : memref<!tpu.dma_semaphore, #tpu.memory_space<semaphore_mem>>)
        %mul3A_1148 = arith.constant 8 : i32
        %mul3A_1149 = arith.muli %add3A_1054, %mul3A_1148 : i32
        %add3A_1150 = arith.constant 4 : i32
        %add3A_1151 = arith.addi %mul3A_1149, %add3A_1150 : i32
        %dma_start3A_1152 = arith.constant 1 : i32
        %dma_start3A_1153 = arith.constant 4 : i32
        %dma_start3A_1154 = arith.constant 0 : i32
        %dma_start3A_1155 = arith.constant 0 : i32
        %dma_start3A_1156 = arith.constant 0 : i32
        %dma_start3A_1157 = tpu.memref_slice %arg6[%dma_start3A_1152, %dma_start3A_1154, %dma_start3A_1155, %dma_start3A_1156] : memref<4x8x50x64xf32, #tpu.memory_space<vmem>> -> memref<1x8x50x64xf32, #tpu.memory_space<vmem>>
        %dma_start3A_1158 = tpu.memref_squeeze %dma_start3A_1157 : memref<1x8x50x64xf32, #tpu.memory_space<vmem>> -> memref<8x50x64xf32, #tpu.memory_space<vmem>>
        %dma_start3A_1159 = arith.constant 0 : i32
        %dma_start3A_1160 = arith.constant 0 : i32
        %dma_start3A_1161 = tpu.memref_slice %dma_start3A_1158[%dma_start3A_1153, %dma_start3A_1159, %dma_start3A_1160] : memref<8x50x64xf32, #tpu.memory_space<vmem>> -> memref<1x50x64xf32, #tpu.memory_space<vmem>>
        %dma_start3A_1162 = tpu.memref_squeeze %dma_start3A_1161 : memref<1x50x64xf32, #tpu.memory_space<vmem>> -> memref<50x64xf32, #tpu.memory_space<vmem>>
        %dma_start3A_1163 = arith.constant 0 : i32
        %dma_start3A_1164 = tpu.memref_slice %arg5[%add3A_1151, %dma_start3A_1163] : memref<512x50xi32, #tpu.memory_space<vmem>> -> memref<1x50xi32, #tpu.memory_space<vmem>>
        %dma_start3A_1165 = tpu.memref_squeeze %dma_start3A_1164 : memref<1x50xi32, #tpu.memory_space<vmem>> -> memref<50xi32, #tpu.memory_space<vmem>>
        %dma_start3A_1166 = arith.constant 0 : i32
        %dma_start3A_1167 = arith.constant 0 : i32
        %dma_start3A_1168 = tpu.memref_slice %arg3[%dma_start3A_1166, %dma_start3A_1167] : memref<2000000x64xf32, #tpu.memory_space<hbm>> -> memref<2000000x64xf32, #tpu.memory_space<hbm>>
        tpu.enqueue_indirect_dma source(%dma_start3A_1168 : memref<2000000x64xf32, #tpu.memory_space<hbm>>) target(%dma_start3A_1162 : memref<50x64xf32, #tpu.memory_space<vmem>>) offsets(%dma_start3A_1165 : memref<50xi32, #tpu.memory_space<vmem>>) semaphore(%arg8 : memref<!tpu.dma_semaphore, #tpu.memory_space<semaphore_mem>>)
        %mul3A_1169 = arith.constant 8 : i32
        %mul3A_1170 = arith.muli %add3A_1054, %mul3A_1169 : i32
        %add3A_1171 = arith.constant 5 : i32
        %add3A_1172 = arith.addi %mul3A_1170, %add3A_1171 : i32
        %dma_start3A_1173 = arith.constant 1 : i32
        %dma_start3A_1174 = arith.constant 5 : i32
        %dma_start3A_1175 = arith.constant 0 : i32
        %dma_start3A_1176 = arith.constant 0 : i32
        %dma_start3A_1177 = arith.constant 0 : i32
        %dma_start3A_1178 = tpu.memref_slice %arg6[%dma_start3A_1173, %dma_start3A_1175, %dma_start3A_1176, %dma_start3A_1177] : memref<4x8x50x64xf32, #tpu.memory_space<vmem>> -> memref<1x8x50x64xf32, #tpu.memory_space<vmem>>
        %dma_start3A_1179 = tpu.memref_squeeze %dma_start3A_1178 : memref<1x8x50x64xf32, #tpu.memory_space<vmem>> -> memref<8x50x64xf32, #tpu.memory_space<vmem>>
        %dma_start3A_1180 = arith.constant 0 : i32
        %dma_start3A_1181 = arith.constant 0 : i32
        %dma_start3A_1182 = tpu.memref_slice %dma_start3A_1179[%dma_start3A_1174, %dma_start3A_1180, %dma_start3A_1181] : memref<8x50x64xf32, #tpu.memory_space<vmem>> -> memref<1x50x64xf32, #tpu.memory_space<vmem>>
        %dma_start3A_1183 = tpu.memref_squeeze %dma_start3A_1182 : memref<1x50x64xf32, #tpu.memory_space<vmem>> -> memref<50x64xf32, #tpu.memory_space<vmem>>
        %dma_start3A_1184 = arith.constant 0 : i32
        %dma_start3A_1185 = tpu.memref_slice %arg5[%add3A_1172, %dma_start3A_1184] : memref<512x50xi32, #tpu.memory_space<vmem>> -> memref<1x50xi32, #tpu.memory_space<vmem>>
        %dma_start3A_1186 = tpu.memref_squeeze %dma_start3A_1185 : memref<1x50xi32, #tpu.memory_space<vmem>> -> memref<50xi32, #tpu.memory_space<vmem>>
        %dma_start3A_1187 = arith.constant 0 : i32
        %dma_start3A_1188 = arith.constant 0 : i32
        %dma_start3A_1189 = tpu.memref_slice %arg3[%dma_start3A_1187, %dma_start3A_1188] : memref<2000000x64xf32, #tpu.memory_space<hbm>> -> memref<2000000x64xf32, #tpu.memory_space<hbm>>
        tpu.enqueue_indirect_dma source(%dma_start3A_1189 : memref<2000000x64xf32, #tpu.memory_space<hbm>>) target(%dma_start3A_1183 : memref<50x64xf32, #tpu.memory_space<vmem>>) offsets(%dma_start3A_1186 : memref<50xi32, #tpu.memory_space<vmem>>) semaphore(%arg8 : memref<!tpu.dma_semaphore, #tpu.memory_space<semaphore_mem>>)
        %mul3A_1190 = arith.constant 8 : i32
        %mul3A_1191 = arith.muli %add3A_1054, %mul3A_1190 : i32
        %add3A_1192 = arith.constant 6 : i32
        %add3A_1193 = arith.addi %mul3A_1191, %add3A_1192 : i32
        %dma_start3A_1194 = arith.constant 1 : i32
        %dma_start3A_1195 = arith.constant 6 : i32
        %dma_start3A_1196 = arith.constant 0 : i32
        %dma_start3A_1197 = arith.constant 0 : i32
        %dma_start3A_1198 = arith.constant 0 : i32
        %dma_start3A_1199 = tpu.memref_slice %arg6[%dma_start3A_1194, %dma_start3A_1196, %dma_start3A_1197, %dma_start3A_1198] : memref<4x8x50x64xf32, #tpu.memory_space<vmem>> -> memref<1x8x50x64xf32, #tpu.memory_space<vmem>>
        %dma_start3A_1200 = tpu.memref_squeeze %dma_start3A_1199 : memref<1x8x50x64xf32, #tpu.memory_space<vmem>> -> memref<8x50x64xf32, #tpu.memory_space<vmem>>
        %dma_start3A_1201 = arith.constant 0 : i32
        %dma_start3A_1202 = arith.constant 0 : i32
        %dma_start3A_1203 = tpu.memref_slice %dma_start3A_1200[%dma_start3A_1195, %dma_start3A_1201, %dma_start3A_1202] : memref<8x50x64xf32, #tpu.memory_space<vmem>> -> memref<1x50x64xf32, #tpu.memory_space<vmem>>
        %dma_start3A_1204 = tpu.memref_squeeze %dma_start3A_1203 : memref<1x50x64xf32, #tpu.memory_space<vmem>> -> memref<50x64xf32, #tpu.memory_space<vmem>>
        %dma_start3A_1205 = arith.constant 0 : i32
        %dma_start3A_1206 = tpu.memref_slice %arg5[%add3A_1193, %dma_start3A_1205] : memref<512x50xi32, #tpu.memory_space<vmem>> -> memref<1x50xi32, #tpu.memory_space<vmem>>
        %dma_start3A_1207 = tpu.memref_squeeze %dma_start3A_1206 : memref<1x50xi32, #tpu.memory_space<vmem>> -> memref<50xi32, #tpu.memory_space<vmem>>
        %dma_start3A_1208 = arith.constant 0 : i32
        %dma_start3A_1209 = arith.constant 0 : i32
        %dma_start3A_1210 = tpu.memref_slice %arg3[%dma_start3A_1208, %dma_start3A_1209] : memref<2000000x64xf32, #tpu.memory_space<hbm>> -> memref<2000000x64xf32, #tpu.memory_space<hbm>>
        tpu.enqueue_indirect_dma source(%dma_start3A_1210 : memref<2000000x64xf32, #tpu.memory_space<hbm>>) target(%dma_start3A_1204 : memref<50x64xf32, #tpu.memory_space<vmem>>) offsets(%dma_start3A_1207 : memref<50xi32, #tpu.memory_space<vmem>>) semaphore(%arg8 : memref<!tpu.dma_semaphore, #tpu.memory_space<semaphore_mem>>)
        %mul3A_1211 = arith.constant 8 : i32
        %mul3A_1212 = arith.muli %add3A_1054, %mul3A_1211 : i32
        %add3A_1213 = arith.constant 7 : i32
        %add3A_1214 = arith.addi %mul3A_1212, %add3A_1213 : i32
        %dma_start3A_1215 = arith.constant 1 : i32
        %dma_start3A_1216 = arith.constant 7 : i32
        %dma_start3A_1217 = arith.constant 0 : i32
        %dma_start3A_1218 = arith.constant 0 : i32
        %dma_start3A_1219 = arith.constant 0 : i32
        %dma_start3A_1220 = tpu.memref_slice %arg6[%dma_start3A_1215, %dma_start3A_1217, %dma_start3A_1218, %dma_start3A_1219] : memref<4x8x50x64xf32, #tpu.memory_space<vmem>> -> memref<1x8x50x64xf32, #tpu.memory_space<vmem>>
        %dma_start3A_1221 = tpu.memref_squeeze %dma_start3A_1220 : memref<1x8x50x64xf32, #tpu.memory_space<vmem>> -> memref<8x50x64xf32, #tpu.memory_space<vmem>>
        %dma_start3A_1222 = arith.constant 0 : i32
        %dma_start3A_1223 = arith.constant 0 : i32
        %dma_start3A_1224 = tpu.memref_slice %dma_start3A_1221[%dma_start3A_1216, %dma_start3A_1222, %dma_start3A_1223] : memref<8x50x64xf32, #tpu.memory_space<vmem>> -> memref<1x50x64xf32, #tpu.memory_space<vmem>>
        %dma_start3A_1225 = tpu.memref_squeeze %dma_start3A_1224 : memref<1x50x64xf32, #tpu.memory_space<vmem>> -> memref<50x64xf32, #tpu.memory_space<vmem>>
        %dma_start3A_1226 = arith.constant 0 : i32
        %dma_start3A_1227 = tpu.memref_slice %arg5[%add3A_1214, %dma_start3A_1226] : memref<512x50xi32, #tpu.memory_space<vmem>> -> memref<1x50xi32, #tpu.memory_space<vmem>>
        %dma_start3A_1228 = tpu.memref_squeeze %dma_start3A_1227 : memref<1x50xi32, #tpu.memory_space<vmem>> -> memref<50xi32, #tpu.memory_space<vmem>>
        %dma_start3A_1229 = arith.constant 0 : i32
        %dma_start3A_1230 = arith.constant 0 : i32
        %dma_start3A_1231 = tpu.memref_slice %arg3[%dma_start3A_1229, %dma_start3A_1230] : memref<2000000x64xf32, #tpu.memory_space<hbm>> -> memref<2000000x64xf32, #tpu.memory_space<hbm>>
        tpu.enqueue_indirect_dma source(%dma_start3A_1231 : memref<2000000x64xf32, #tpu.memory_space<hbm>>) target(%dma_start3A_1225 : memref<50x64xf32, #tpu.memory_space<vmem>>) offsets(%dma_start3A_1228 : memref<50xi32, #tpu.memory_space<vmem>>) semaphore(%arg8 : memref<!tpu.dma_semaphore, #tpu.memory_space<semaphore_mem>>)
      } else {
      }
    }
    %scan3A_294 = arith.constant 16 : i32
    %dma_wait3A = arith.constant 0 : i32
    %dma_wait3A_295 = arith.constant 0 : i32
    %dma_wait3A_296 = arith.constant 0 : i32
    %dma_wait3A_297 = arith.constant 0 : i32
    %dma_wait3A_298 = tpu.memref_slice %arg6[%dma_wait3A, %dma_wait3A_295, %dma_wait3A_296, %dma_wait3A_297] : memref<4x8x50x64xf32, #tpu.memory_space<vmem>> -> memref<1x8x50x64xf32, #tpu.memory_space<vmem>>
    %dma_wait3A_299 = tpu.memref_squeeze %dma_wait3A_298 : memref<1x8x50x64xf32, #tpu.memory_space<vmem>> -> memref<8x50x64xf32, #tpu.memory_space<vmem>>
    %dma_wait3A_300 = arith.constant 0 : i32
    %dma_wait3A_301 = arith.constant 0 : i32
    %dma_wait3A_302 = tpu.memref_slice %arg4[%mul3A_2, %dma_wait3A_300, %dma_wait3A_301] : memref<16384x50x64xf32, #tpu.memory_space<hbm>> -> memref<8x50x64xf32, #tpu.memory_space<hbm>>
    %dma_wait3A_303 = arith.constant 0 : i32
    %dma_wait3A_304 = arith.constant 0 : i32
    %dma_wait3A_305 = tpu.memref_slice %arg4[%mul3A_2, %dma_wait3A_303, %dma_wait3A_304] : memref<16384x50x64xf32, #tpu.memory_space<hbm>> -> memref<8x50x64xf32, #tpu.memory_space<hbm>>
    %dma_wait3A_306 = arith.constant 0 : i32
    %dma_wait3A_307 = arith.constant 0 : i32
    %dma_wait3A_308 = arith.constant 0 : i32
    %dma_wait3A_309 = tpu.memref_slice %arg6[%dma_wait3A, %dma_wait3A_306, %dma_wait3A_307, %dma_wait3A_308] : memref<4x8x50x64xf32, #tpu.memory_space<vmem>> -> memref<1x8x50x64xf32, #tpu.memory_space<vmem>>
    %dma_wait3A_310 = tpu.memref_squeeze %dma_wait3A_309 : memref<1x8x50x64xf32, #tpu.memory_space<vmem>> -> memref<8x50x64xf32, #tpu.memory_space<vmem>>
    tpu.wait_dma2 semaphore(%arg11 : memref<!tpu.dma_semaphore, #tpu.memory_space<semaphore_mem>>) src(%dma_wait3A_310 : memref<8x50x64xf32, #tpu.memory_space<vmem>>) dst(%dma_wait3A_305 : memref<8x50x64xf32, #tpu.memory_space<hbm>>)
    %dma_wait3A_311 = arith.constant 1 : i32
    %dma_wait3A_312 = arith.constant 0 : i32
    %dma_wait3A_313 = arith.constant 0 : i32
    %dma_wait3A_314 = arith.constant 0 : i32
    %dma_wait3A_315 = tpu.memref_slice %arg6[%dma_wait3A_311, %dma_wait3A_312, %dma_wait3A_313, %dma_wait3A_314] : memref<4x8x50x64xf32, #tpu.memory_space<vmem>> -> memref<1x8x50x64xf32, #tpu.memory_space<vmem>>
    %dma_wait3A_316 = tpu.memref_squeeze %dma_wait3A_315 : memref<1x8x50x64xf32, #tpu.memory_space<vmem>> -> memref<8x50x64xf32, #tpu.memory_space<vmem>>
    %dma_wait3A_317 = arith.constant 0 : i32
    %dma_wait3A_318 = arith.constant 0 : i32
    %dma_wait3A_319 = tpu.memref_slice %arg4[%mul3A_2, %dma_wait3A_317, %dma_wait3A_318] : memref<16384x50x64xf32, #tpu.memory_space<hbm>> -> memref<8x50x64xf32, #tpu.memory_space<hbm>>
    %dma_wait3A_320 = arith.constant 0 : i32
    %dma_wait3A_321 = arith.constant 0 : i32
    %dma_wait3A_322 = tpu.memref_slice %arg4[%mul3A_2, %dma_wait3A_320, %dma_wait3A_321] : memref<16384x50x64xf32, #tpu.memory_space<hbm>> -> memref<8x50x64xf32, #tpu.memory_space<hbm>>
    %dma_wait3A_323 = arith.constant 0 : i32
    %dma_wait3A_324 = arith.constant 0 : i32
    %dma_wait3A_325 = arith.constant 0 : i32
    %dma_wait3A_326 = tpu.memref_slice %arg6[%dma_wait3A_311, %dma_wait3A_323, %dma_wait3A_324, %dma_wait3A_325] : memref<4x8x50x64xf32, #tpu.memory_space<vmem>> -> memref<1x8x50x64xf32, #tpu.memory_space<vmem>>
    %dma_wait3A_327 = tpu.memref_squeeze %dma_wait3A_326 : memref<1x8x50x64xf32, #tpu.memory_space<vmem>> -> memref<8x50x64xf32, #tpu.memory_space<vmem>>
    tpu.wait_dma2 semaphore(%arg12 : memref<!tpu.dma_semaphore, #tpu.memory_space<semaphore_mem>>) src(%dma_wait3A_327 : memref<8x50x64xf32, #tpu.memory_space<vmem>>) dst(%dma_wait3A_322 : memref<8x50x64xf32, #tpu.memory_space<hbm>>)
    %dma_wait3A_328 = arith.constant 2 : i32
    %dma_wait3A_329 = arith.constant 0 : i32
    %dma_wait3A_330 = arith.constant 0 : i32
    %dma_wait3A_331 = arith.constant 0 : i32
    %dma_wait3A_332 = tpu.memref_slice %arg6[%dma_wait3A_328, %dma_wait3A_329, %dma_wait3A_330, %dma_wait3A_331] : memref<4x8x50x64xf32, #tpu.memory_space<vmem>> -> memref<1x8x50x64xf32, #tpu.memory_space<vmem>>
    %dma_wait3A_333 = tpu.memref_squeeze %dma_wait3A_332 : memref<1x8x50x64xf32, #tpu.memory_space<vmem>> -> memref<8x50x64xf32, #tpu.memory_space<vmem>>
    %dma_wait3A_334 = arith.constant 0 : i32
    %dma_wait3A_335 = arith.constant 0 : i32
    %dma_wait3A_336 = tpu.memref_slice %arg4[%mul3A_2, %dma_wait3A_334, %dma_wait3A_335] : memref<16384x50x64xf32, #tpu.memory_space<hbm>> -> memref<8x50x64xf32, #tpu.memory_space<hbm>>
    %dma_wait3A_337 = arith.constant 0 : i32
    %dma_wait3A_338 = arith.constant 0 : i32
    %dma_wait3A_339 = tpu.memref_slice %arg4[%mul3A_2, %dma_wait3A_337, %dma_wait3A_338] : memref<16384x50x64xf32, #tpu.memory_space<hbm>> -> memref<8x50x64xf32, #tpu.memory_space<hbm>>
    %dma_wait3A_340 = arith.constant 0 : i32
    %dma_wait3A_341 = arith.constant 0 : i32
    %dma_wait3A_342 = arith.constant 0 : i32
    %dma_wait3A_343 = tpu.memref_slice %arg6[%dma_wait3A_328, %dma_wait3A_340, %dma_wait3A_341, %dma_wait3A_342] : memref<4x8x50x64xf32, #tpu.memory_space<vmem>> -> memref<1x8x50x64xf32, #tpu.memory_space<vmem>>
    %dma_wait3A_344 = tpu.memref_squeeze %dma_wait3A_343 : memref<1x8x50x64xf32, #tpu.memory_space<vmem>> -> memref<8x50x64xf32, #tpu.memory_space<vmem>>
    tpu.wait_dma2 semaphore(%arg13 : memref<!tpu.dma_semaphore, #tpu.memory_space<semaphore_mem>>) src(%dma_wait3A_344 : memref<8x50x64xf32, #tpu.memory_space<vmem>>) dst(%dma_wait3A_339 : memref<8x50x64xf32, #tpu.memory_space<hbm>>)
    %dma_wait3A_345 = arith.constant 3 : i32
    %dma_wait3A_346 = arith.constant 0 : i32
    %dma_wait3A_347 = arith.constant 0 : i32
    %dma_wait3A_348 = arith.constant 0 : i32
    %dma_wait3A_349 = tpu.memref_slice %arg6[%dma_wait3A_345, %dma_wait3A_346, %dma_wait3A_347, %dma_wait3A_348] : memref<4x8x50x64xf32, #tpu.memory_space<vmem>> -> memref<1x8x50x64xf32, #tpu.memory_space<vmem>>
    %dma_wait3A_350 = tpu.memref_squeeze %dma_wait3A_349 : memref<1x8x50x64xf32, #tpu.memory_space<vmem>> -> memref<8x50x64xf32, #tpu.memory_space<vmem>>
    %dma_wait3A_351 = arith.constant 0 : i32
    %dma_wait3A_352 = arith.constant 0 : i32
    %dma_wait3A_353 = tpu.memref_slice %arg4[%mul3A_2, %dma_wait3A_351, %dma_wait3A_352] : memref<16384x50x64xf32, #tpu.memory_space<hbm>> -> memref<8x50x64xf32, #tpu.memory_space<hbm>>
    %dma_wait3A_354 = arith.constant 0 : i32
    %dma_wait3A_355 = arith.constant 0 : i32
    %dma_wait3A_356 = tpu.memref_slice %arg4[%mul3A_2, %dma_wait3A_354, %dma_wait3A_355] : memref<16384x50x64xf32, #tpu.memory_space<hbm>> -> memref<8x50x64xf32, #tpu.memory_space<hbm>>
    %dma_wait3A_357 = arith.constant 0 : i32
    %dma_wait3A_358 = arith.constant 0 : i32
    %dma_wait3A_359 = arith.constant 0 : i32
    %dma_wait3A_360 = tpu.memref_slice %arg6[%dma_wait3A_345, %dma_wait3A_357, %dma_wait3A_358, %dma_wait3A_359] : memref<4x8x50x64xf32, #tpu.memory_space<vmem>> -> memref<1x8x50x64xf32, #tpu.memory_space<vmem>>
    %dma_wait3A_361 = tpu.memref_squeeze %dma_wait3A_360 : memref<1x8x50x64xf32, #tpu.memory_space<vmem>> -> memref<8x50x64xf32, #tpu.memory_space<vmem>>
    tpu.wait_dma2 semaphore(%arg14 : memref<!tpu.dma_semaphore, #tpu.memory_space<semaphore_mem>>) src(%dma_wait3A_361 : memref<8x50x64xf32, #tpu.memory_space<vmem>>) dst(%dma_wait3A_356 : memref<8x50x64xf32, #tpu.memory_space<hbm>>)
    return
  }
}

</mosaic_0001>

<sc_bundles>
// kernel: kernel.3.cloned.1.call-start
scs
__scs_entry_jumppad:
0x0: {  	(pc) =	sbr.rel $0x88, $3  }
0x1: {  	(tag) =	ssettag $0x0;
	lr =	simm.s32 $0x1  }
0x2: {  	[smem:$0x3F9F] =	sst lr;
	_ =	strace $0xD0000000  }
0x3: {  	_ = 	snop  }
0x4: {  	_ = 	snop  }
0x5: {  	_ = 	snop  }
0x6: {  	_ = 	snop  }
0x7: {  	_ = 	snop  }
__scs_overlays_trampoline_lowered:
0x8: {  	[smem:$0x3FAE] =	sst s0  }
0x9: {  	[smem:$0x3FAF] =	sst s1  }
0xa: {  	[smem:$0x3FB0] =	sst s2  }
0xb: {  	[smem:$0x3FB1] =	sst s3  }
0xc: {  	[smem:$0x3FB2] =	sst s4  }
0xd: {  	[smem:$0x3FB3] =	sst s5  }
0xe: {  	[smem:$0x3FB4] =	sst s6  }
0xf: {  	[smem:$0x3FB5] =	sst s7  }
0x10: {  	[smem:$0x3FB6] =	sst s8  }
0x11: {  	[smem:$0x3FB7] =	sst s9;
	s0 =	simm.s32 @!p0 $0x0  }
0x12: {  	s1 =	sld [smem:$0x3F9D];
	s0 =	simm.s32 @p0 $0x1  }
0x13: {  	[smem:$0x3FB8] =	sst s0;
	s0 =	simm.s32 @!p1 $0x0  }
0x14: {  	s2 =	sld [smem:$0x3F9C];
	s0 =	simm.s32 @p1 $0x1  }
0x15: {  	[smem:$0x3FB9] =	sst s0;
	s0 =	simm.s32 @!p2 $0x0  }
0x16: {  	s3 =	sld [smem:$0x3FDB];
	s0 =	simm.s32 @p2 $0x1  }
0x17: {  	s4 =	simm.s32 $0x1BF5;
	[smem:$0x3FBB] =	sst s0  }
0x18: {  	s0 =	sld [smem:$0x3F9E];
	_ =	swait.ge [sflag:s4], $0x0  }
0x19: {  	s7 =	sld [smem:$0x3F9F]  }
0x1a: {  	s8 =	sadd.s32 $0xFFFFE003, lr  }
0x1b: {  	s9 =	sadd.s32 $0xFFFFFEF7, lr;
	s5 =	simm.s32 $0xFFFFFFFF;
	p2 =	slt.u32 s8, $0xFFFFF086  }
0x1c: {  	p1 =	slt.u32 s9, $0xF7A;
	s5 =	simm.s32 @!p2 $0x0  }
0x1d: {  	s5 =	simm.s32 @p1 $0x1;
	p0 =	seq.s32 s7, s2  }
0x1e: {  	s7 =	smul.u32 @!p0 $0xF7A, s2;
	p2 =	seq.s32 @!p0 s5, $0x0  }
0x1f: {  	s9 =	smul.u32 $0xF7A, s1;
	s8 =	simm.s32 @!p0 $0x1BF5;
	p2 =	por !p2, p0  }
0x20: {  	[sflag:s8] =	ssyncset.s32 @!p0 $0xFFFFF086;
	s6 =	sadd.s32 @!p0 s3, s7;
	s7 =	simm.s32 @!p0 $0x108  }
0x21: {  	s3 =	sadd.s32 s3, s9;
	s6 =	sadd.s32 @!p0 $0x88, s6;
	s7 =	simm.s32 @p2 $0x1082  }
0x22: {  	[simem:s7], [sflag:s8] =	dma.local @!p0 [hbm:s6], $0xF7A  }
0x23: {  	s9 =	sor.u32 $0xD0000000, s2;
	s6 =	simm.s32 $0x108;
	_ =	swait.ge @!p0 [sflag:s8], $0x0  }
0x24: {  	s3 =	sadd.s32 $0x88, s3;
	s6 =	simm.s32 @!p1 $0x1082;
	[sflag:s4] =	ssyncset.s32 $0xFFFFF086  }
0x25: {  	[simem:s6], [sflag:s4] =	dma.local [hbm:s3], $0xF7A  }
0x26: {  	[smem:$0x3F9F] =	sst s1;
	(tag) =	ssettag s2;
	_ =	strace s9  }
0x27: {  	s1 =	sld [smem:$0x3FAF]  }
0x28: {  	s2 =	sld [smem:$0x3FB0]  }
0x29: {  	s4 =	sld [smem:$0x3FB2]  }
0x2a: {  	p0 =	seq.s32 s5, $0x0;
	s5 =	sld [smem:$0x3FB3]  }
0x2b: {  	s6 =	sld [smem:$0x3FB4]  }
0x2c: {  	s7 =	sld [smem:$0x3FB5]  }
0x2d: {  	s3 =	simm.s32 $0x108;
	s8 =	sld [smem:$0x3FB6]  }
0x2e: {  	s3 =	simm.s32 @!p0 $0x1082;
	s9 =	sld [smem:$0x3FB7]  }
0x2f: {  	lr =	sadd.s32 s0, s3;
	s0 =	sld [smem:$0x3FAE]  }
0x30: {  	s3 =	sld [smem:$0x3FB1]  }
0x31: {  	[smem:$0x3FBA] =	sst s10  }
0x32: {  	s10 =	sld [smem:$0x3FB8];
	_ =	sdelay $0x3  }
0x33: {  	p0 =	seq.s32 s10, $0x1;
	s10 =	sld [smem:$0x3FBA];
	_ =	sdelay $0x3  }
0x34: {  	[smem:$0x3FBA] =	sst s10  }
0x35: {  	s10 =	sld [smem:$0x3FB9];
	_ =	sdelay $0x3  }
0x36: {  	p1 =	seq.s32 s10, $0x1;
	s10 =	sld [smem:$0x3FBA];
	_ =	sdelay $0x3  }
0x37: {  	[smem:$0x3FBA] =	sst s10  }
0x38: {  	s10 =	sld [smem:$0x3FBB]  }
0x39: {  	_ = 	snop;
	(pc) =	sbr.ind lr, $3  }
0x3a: {  	_ = 	snop  }
0x3b: {  	_ = 	snop  }
0x3c: {  	p2 =	seq.s32 s10, $0x1;
	s10 =	sld [smem:$0x3FBA]  }
0x3d: {  	_ =	shalt  }
0x3e: {  	_ =	shalt  }
0x3f: {  	_ =	shalt  }
0x40: {  	_ =	shalt  }
0x41: {  	_ =	shalt  }
0x42: {  	_ =	shalt  }
0x43: {  	_ =	shalt  }
0x44: {  	_ =	shalt  }
0x45: {  	_ =	shalt  }
0x46: {  	_ =	shalt  }
0x47: {  	_ =	shalt  }
0x48: {  	_ =	shalt  }
0x49: {  	_ =	shalt  }
0x4a: {  	_ =	shalt  }
0x4b: {  	_ =	shalt  }
0x4c: {  	_ =	shalt  }
0x4d: {  	_ =	shalt  }
0x4e: {  	_ =	shalt  }
0x4f: {  	_ =	shalt  }
0x50: {  	_ =	shalt  }
0x51: {  	_ =	shalt  }
0x52: {  	_ =	shalt  }
0x53: {  	_ =	shalt  }
0x54: {  	_ =	shalt  }
0x55: {  	_ =	shalt  }
0x56: {  	_ =	shalt  }
0x57: {  	_ =	shalt  }
0x58: {  	_ =	shalt  }
0x59: {  	_ =	shalt  }
0x5a: {  	_ =	shalt  }
0x5b: {  	_ =	shalt  }
0x5c: {  	_ =	shalt  }
0x5d: {  	_ =	shalt  }
0x5e: {  	_ =	shalt  }
0x5f: {  	_ =	shalt  }
0x60: {  	_ =	shalt  }
0x61: {  	_ =	shalt  }
0x62: {  	_ =	shalt  }
0x63: {  	_ =	shalt  }
0x64: {  	_ =	shalt  }
0x65: {  	_ =	shalt  }
0x66: {  	_ =	shalt  }
0x67: {  	_ =	shalt  }
0x68: {  	_ =	shalt  }
0x69: {  	_ =	shalt  }
0x6a: {  	_ =	shalt  }
0x6b: {  	_ =	shalt  }
0x6c: {  	_ =	shalt  }
0x6d: {  	_ =	shalt  }
0x6e: {  	_ =	shalt  }
0x6f: {  	_ =	shalt  }
0x70: {  	_ =	shalt  }
0x71: {  	_ =	shalt  }
0x72: {  	_ =	shalt  }
0x73: {  	_ =	shalt  }
0x74: {  	_ =	shalt  }
0x75: {  	_ =	shalt  }
0x76: {  	_ =	shalt  }
0x77: {  	_ =	shalt  }
0x78: {  	_ =	shalt  }
0x79: {  	_ =	shalt  }
0x7a: {  	_ =	shalt  }
0x7b: {  	_ =	shalt  }
0x7c: {  	_ =	shalt  }
0x7d: {  	_ =	shalt  }
0x7e: {  	_ =	shalt  }
0x7f: {  	_ =	shalt  }
0x80: {  	_ =	shalt  }
0x81: {  	_ =	shalt  }
0x82: {  	_ =	shalt  }
0x83: {  	_ =	shalt  }
0x84: {  	_ =	shalt  }
0x85: {  	_ =	shalt  }
0x86: {  	_ =	shalt  }
0x87: {  	_ =	shalt  }
.Lfunc_end0:
.L_simem_size_0:
called_computation.2_lowered:
.L_overlay_start_0:
0x88: {  	s2 =	sld [smem:$0x3FD9]  }
0x89: {  	s3 =	sld [smem:$0x3FFE];
	_ =	sdelay $0x1  }
0x8a: {  	s1 =	srdreg.scid  }
0x8b: {  	s0 =	sand.u32 $0x1, s1  }
0x8c: {  	s17 =	sshll.u32 s0, $0xA;
	s2 =	sadd.s32 s3, s2  }
0x8d: {  	s2 =	sadd.s32 s2, s17  }
0x8e: {  	[smem:$0x3FC6] =	sst s2  }
0x8f: {  	_ = 	snop  }
0x90: {  	s2 =	sld [smem:$0x3FD0];
	(tm) =	ssettm $0x1  }
0x91: {  	s18 =	sld [smem:$0x3FFB];
	_ =	sdelay $0x3  }
0x92: {  	_ =	strace s18  }
0x93: {  	s3 =	sld [smem:$0x3FFC];
	_ =	sdelay $0x3  }
0x94: {  	_ =	strace s3  }
0x95: {  	s3 =	sld [smem:$0x3FFD];
	_ =	sdelay $0x3  }
0x96: {  	_ =	strace s3  }
0x97: {  	_ =	strace $0x8FFFFFFF  }
0x98: {  	s19 =	sld [smem:$0x3FDB];
	_ =	sdelay $0x1  }
0x99: {  	s4 =	simm.s32 $_scs_section_size  }
0x9a: {  	s5 =	simm.s32 $_size__tile_overlayer_lowered;
	s6 =	simm.s32 $_tile_overlayer_lowered  }
0x9b: {  	s22 =	simm.s32 $0x1BFF;
	s21 =	sshll.u32 s6, $0x1;
	s3 =	sadd.s32 s4, s19  }
0x9c: {  	s7 =	simm.s32 $0x0;
	s20 =	sshll.u32 s5, $0x1;
	s5 =	sadd.s32 s21, s3  }
0x9d: {  	[timem:s7], [sflag:s22] =	dma.local [hbm:s5], s20  }
0x9e: {  	_ =	swait.ge [sflag:s22], s20  }
0x9f: {  	s4 =	ssub.s32 $0x0, s20;
	[sflag:s22] =	ssyncset.done $0x0  }
0xa0: {  	[sflag:s22] =	ssyncadd.s32 s4;
	_ =	sdelay $0x1  }
0xa1: {  	s23 =	simm.s32 $0x1B8B  }
0xa2: {  	_ =	swait.ge [sflag:s23], $0x1  }
0xa3: {  	[sflag:s23] =	ssyncset.done $0x0  }
0xa4: {  	s25 =	simm.s32 $0x1B8E;
	s24 =	sld [smem:$0x3FFE];
	[sflag:s23] =	ssyncadd.s32 $0xFFFFFFFF  }
0xa5: {  	s26 =	simm.s32 $execute0_lowered;
	[smem:$0x3FD2] =	sst s25  }
0xa6: {  	s5 =	sshll.u32 s26, $0x1;
	_ =	strace $0x80000049;
	[dreg:$0x1] =	wrdreg $0xFFFFFFFF  }
0xa7: {  	s28 =	simm.s32 $_size_execute0_lowered;
	s3 =	sadd.s32 s3, s5;
	[dreg:$0x0] =	wrdreg $0x0  }
0xa8: {  	s5 =	sshll.u32 s28, $0x1;
	[dreg:$0x2] =	wrdreg s3  }
0xa9: {  	[dreg:$0x3] =	wrdreg s5  }
0xaa: {  	[dreg:$0x4] =	wrdreg $0xC0  }
0xab: {  	_ =	task [dreg:s7], $0x5FFFF  }
0xac: {  	[dreg:$0x1] =	wrdreg $0xFFFFFFFF  }
0xad: {  	[dreg:$0x0] =	wrdreg $0x60  }
0xae: {  	[dreg:$0x2] =	wrdreg s24  }
0xaf: {  	[dreg:$0x3] =	wrdreg s2  }
0xb0: {  	[dreg:$0x4] =	wrdreg $0x9  }
0xb1: {  	_ =	task.clear_ibuf [dreg:s7], $0x5FFFF;
	_ =	strace $0x90000049  }
0xb2: {  	s29 =	simm.s32 $0x9;
	_ =	strace $0x8000004B  }
0xb3: {  	_ =	swait.ge [sflag:s29], $0x1  }
0xb4: {  	[sflag:s29] =	ssyncadd.s32 $0xFFFFFFFF  }
0xb5: {  	_ =	strace $0x9000004B  }
0xb6: {  	_ =	sfence  }
0xb7: {  	s30 =	sld [smem:$0x0];
	_ =	sdelay $0x2  }
0xb8: {  	s31 =	sshll.u32 s1, $0xD;
	s1 =	sshrl.u32 s1, $0x2  }
0xb9: {  	s3 =	sand.u32 $0x4000, s31;
	s1 =	sadd.s32 s1, s30  }
0xba: {  	s0 =	sor.u32 s3, s0;
	s1 =	sshll.u32 s1, $0x11  }
0xbb: {  	s0 =	sor.u32 s1, s0  }
0xbc: {  	s0 =	sadd.s32 $0x8F2B, s0  }
0xbd: {  	[sflag:s0] =	ssyncadd.remote.s32 $0x1  }
0xbe: {  	_ =	sfence.sel $0xFFFF  }
0xbf: {  	[dreg:$0x0] =	wrdreg $0xFFFFFFFF;
	(pc) =	sbr.abs _section_cstart, $3  }
0xc0: {  	[dreg:$0x1] =	wrdreg $0xFFFFFFFF  }
0xc1: {  	_ =	task.clear_ibuf [dreg:s7], $0x2FFFF;
	_ =	strace $0x9FFFFFFF  }
0xc2: {  	(tm) =	ssettm $0x7FFFFFFF  }
0xc3: {  	_ =	shalt  }
tec
execute0_lowered:
.L_overlay_start_1:
0x0: {  	(tag) =	ssettag $0x1  }
0x1: {  	s0 =	srdreg.scid;
	s1 =	rddreg [dreg:$0x0]  }
0x2: {  	s7 =	stileid.u32;
	s4 =	rddreg [dreg:$0x1];
	s2 =	simm.s32 $0x0  }
0x3: {  	s8 =	simm.s32 $0x32;
	s25 =	simm.s32 $0xD400;
	s17 =	simm.s32 $0x1  }
0x4: {  	s18 =	simm.s32 $0x13800;
	s20 =	simm.s32 $0x15100;
	s21 =	simm.s32 $0x15D80  }
0x5: {  	s22 =	simm.s32 $0x16A00;
	s23 =	simm.s32 $0x17680;
	s24 =	simm.s32 $0x18300  }
0x6: {  	s29 =	simm.s32 $0x2;
	s31 =	simm.s32 $0x19C00;
	s11 =	simm.s32 $0x1B500  }
0x7: {  	s13 =	simm.s32 $0x1C180;
	s15 =	simm.s32 $0x1CE00;
	s9 =	simm.s32 $0x4  }
0x8: {  	s28 =	simm.s32 $0x6;
	s12 =	simm.s32 $0x0;
	s0 =	sand.u32 $0x1, s0  }
0x9: {  	s3 =	sshll.u32 s7, $0xA;
	[smem:$0x7FF] =	sst s2;
	s7 =	smul.u32 $0x64000, s7  }
0xa: {  	s5 =	sshll.u32 s0, $0x9;
	_ =	strace $0x8000004A;
	s6 =	ssub.s32 $0x2, s0  }
0xb: {  	s0 =	smul.u32 $0x32000, s0;
	s3 =	sor.u32 s5, s3;
	s30 =	sshrl.u32 s6, $0x1  }
0xc: {  	s4 =	sadd.s32 s7, s4;
	s7 =	simm.s32 $0x3;
	s3 =	smul.u32 $0x7, s3  }
.Ltmp0:
0xd: {  	s0 =	sadd.s32 s0, s4;
	s4 =	simm.s32 $0x1DA80;
	(pc) =	sbr.rel .LBB2_1-.Ltmp0, $4  }
0xe: {  	[dreg:$0x5] =	wrdreg s0;
	s0 =	simm.s32 $0x1A880;
	s26 =	sadd.s32 s3, s1  }
0xf: {  	s3 =	sadd.s32 $0xF5F200, s1;
	s1 =	ssub.s32 s6, s30;
	s5 =	sadd.s32 $0xF43200, s26  }
0x10: {  	s6 =	simm.s32 $0x1F380;
	s1 =	smax.u32 s1, $0x1;
	[dreg:$0x3] =	wrdreg s5  }
0x11: {  	s26 =	simm.s32 $0x18F80;
	[dreg:$0x4] =	wrdreg s1;
	s5 =	simm.s32 $0x1E700  }
.LBB2_4:
0x12: {  	s1 =	simm.s32 $0x5  }
0x13: {  	_ =	swait.ge [sflag:s1], $0x6400  }
0x14: {  	[sflag:s1] =	ssyncset.done $0x0  }
0x15: {  	[sflag:s1] =	ssyncadd.s32 $0xFFFF9C00  }
0x16: {  	_ =	swait.ge [sflag:s28], $0x6400  }
0x17: {  	[sflag:s28] =	ssyncset.done $0x0  }
0x18: {  	s19 =	simm.s32 $0x7;
	[sflag:s28] =	ssyncadd.s32 $0xFFFF9C00  }
0x19: {  	_ =	swait.ge [sflag:s19], $0x6400  }
0x1a: {  	[sflag:s19] =	ssyncset.done $0x0  }
0x1b: {  	s10 =	simm.s32 $0x8;
	[sflag:s19] =	ssyncadd.s32 $0xFFFF9C00  }
0x1c: {  	_ =	swait.ge [sflag:s10], $0x6400  }
0x1d: {  	s12 =	rddreg [dreg:$0x6]  }
0x1e: {  	s30 =	rddreg [dreg:$0x4];
	s12 =	sadd.s32 $0x1, s12  }
0x1f: {  	p0 =	sne.s32 s12, s30  }
.Ltmp1:
0x20: {  	_ = 	snop;
	(pc) =	sbr.rel @!p0 .LBB2_5-.Ltmp1, $3  }
0x21: {  	_ =	sdelay $0x1  }
0x22: {  	[sflag:s10] =	ssyncset.done $0x0  }
0x23: {  	[sflag:s10] =	ssyncadd.s32 $0xFFFF9C00  }
.LBB2_1:
0x24: {  	[dreg:$0x6] =	wrdreg s12  }
0x25: {  	s1 =	rddreg [dreg:$0x3];
	s10 =	simm.s32 $0x9  }
0x26: {  	[tilespmem:s2], [sflag:$0x9] =	stream.linear.gather [hbm4b:s1+s2], $0x7000, $0x38;
	v63 =	vld [tilespmem:$0x0]  }
0x27: {  	_ =	swait.ge [sflag:s10], $0x7000  }
0x28: {  	[sflag:s10] =	ssyncset.done $0x0  }
0x29: {  	s12 =	simm.s32 $0x7000;
	[sflag:s10] =	ssyncadd.s32 $0xFFFF9000  }
0x2a: {  	[tilespmem:s12], [sflag:$0x1] =	stream.indirect.gather [hbm4b:s3+s8], $0x40, s2, s8, $0xb8;
	v63 =	vld [tilespmem:$0x0]  }
0x2b: {  	s14 =	simm.s32 $0x38;
	s10 =	simm.s32 $0x7C80  }
0x2c: {  	[tilespmem:s10], [sflag:$0x1] =	stream.indirect.gather [hbm4b:s3+s8], $0x40, s14, s8, $0xb8;
	v63 =	vld [tilespmem:$0x0]  }
0x2d: {  	s16 =	simm.s32 $0x70;
	s19 =	simm.s32 $0x8900  }
0x2e: {  	[tilespmem:s19], [sflag:$0x1] =	stream.indirect.gather [hbm4b:s3+s8], $0x40, s16, s8, $0xb8;
	v63 =	vld [tilespmem:$0x0]  }
0x2f: {  	s12 =	simm.s32 $0xA8;
	s14 =	simm.s32 $0x9580  }
0x30: {  	[tilespmem:s14], [sflag:$0x1] =	stream.indirect.gather [hbm4b:s3+s8], $0x40, s12, s8, $0xb8;
	v63 =	vld [tilespmem:$0x0]  }
0x31: {  	s16 =	simm.s32 $0xE0;
	s19 =	simm.s32 $0xA200  }
0x32: {  	[tilespmem:s19], [sflag:$0x1] =	stream.indirect.gather [hbm4b:s3+s8], $0x40, s16, s8, $0xb8;
	v63 =	vld [tilespmem:$0x0]  }
0x33: {  	s12 =	simm.s32 $0x118;
	s14 =	simm.s32 $0xAE80  }
0x34: {  	[tilespmem:s14], [sflag:$0x1] =	stream.indirect.gather [hbm4b:s3+s8], $0x40, s12, s8, $0xb8;
	v63 =	vld [tilespmem:$0x0]  }
0x35: {  	s16 =	simm.s32 $0x150;
	s19 =	simm.s32 $0xBB00  }
0x36: {  	[tilespmem:s19], [sflag:$0x1] =	stream.indirect.gather [hbm4b:s3+s8], $0x40, s16, s8, $0xb8;
	v63 =	vld [tilespmem:$0x0]  }
0x37: {  	s10 =	simm.s32 $0x188;
	s12 =	simm.s32 $0xC780  }
0x38: {  	[tilespmem:s12], [sflag:$0x1] =	stream.indirect.gather [hbm4b:s3+s8], $0x40, s10, s8, $0xb8;
	v63 =	vld [tilespmem:$0x0]  }
0x39: {  	s14 =	simm.s32 $0x1C0  }
0x3a: {  	[tilespmem:s25], [sflag:$0x2] =	stream.indirect.gather [hbm4b:s3+s8], $0x40, s14, s8, $0xb8;
	v63 =	vld [tilespmem:$0x0]  }
0x3b: {  	s16 =	simm.s32 $0x1F8;
	s19 =	simm.s32 $0xE080  }
0x3c: {  	[tilespmem:s19], [sflag:$0x2] =	stream.indirect.gather [hbm4b:s3+s8], $0x40, s16, s8, $0xb8;
	v63 =	vld [tilespmem:$0x0]  }
0x3d: {  	s12 =	simm.s32 $0x230;
	s14 =	simm.s32 $0xED00  }
0x3e: {  	[tilespmem:s14], [sflag:$0x2] =	stream.indirect.gather [hbm4b:s3+s8], $0x40, s12, s8, $0xb8;
	v63 =	vld [tilespmem:$0x0]  }
0x3f: {  	s16 =	simm.s32 $0x268;
	s19 =	simm.s32 $0xF980  }
0x40: {  	[tilespmem:s19], [sflag:$0x2] =	stream.indirect.gather [hbm4b:s3+s8], $0x40, s16, s8, $0xb8;
	v63 =	vld [tilespmem:$0x0]  }
0x41: {  	s12 =	simm.s32 $0x2A0;
	s14 =	simm.s32 $0x10600  }
0x42: {  	[tilespmem:s14], [sflag:$0x2] =	stream.indirect.gather [hbm4b:s3+s8], $0x40, s12, s8, $0xb8;
	v63 =	vld [tilespmem:$0x0]  }
0x43: {  	s16 =	simm.s32 $0x2D8;
	s19 =	simm.s32 $0x11280  }
0x44: {  	[tilespmem:s19], [sflag:$0x2] =	stream.indirect.gather [hbm4b:s3+s8], $0x40, s16, s8, $0xb8;
	v63 =	vld [tilespmem:$0x0]  }
0x45: {  	s1 =	simm.s32 $0x0;
	s12 =	simm.s32 $0x310;
	s14 =	simm.s32 $0x11F00  }
0x46: {  	[tilespmem:s14], [sflag:$0x2] =	stream.indirect.gather [hbm4b:s3+s8], $0x40, s12, s8, $0xb8;
	v63 =	vld [tilespmem:$0x0]  }
0x47: {  	s30 =	rddreg [dreg:$0x5];
	s16 =	simm.s32 $0x348;
	s19 =	simm.s32 $0x12B80  }
0x48: {  	[tilespmem:s19], [sflag:$0x2] =	stream.indirect.gather [hbm4b:s3+s8], $0x40, s16, s8, $0xb8;
	v63 =	vld [tilespmem:$0x0]  }
.LBB2_2:
0x49: {  	_ =	swait.ge [sflag:s17], $0xC80  }
0x4a: {  	[sflag:s17] =	ssyncset.done $0x0  }
0x4b: {  	[sflag:s17] =	ssyncadd.s32 $0xFFFFF380  }
0x4c: {  	_ =	swait.ge [sflag:s17], $0xC80  }
0x4d: {  	[sflag:s17] =	ssyncset.done $0x0  }
0x4e: {  	[sflag:s17] =	ssyncadd.s32 $0xFFFFF380  }
0x4f: {  	_ =	swait.ge [sflag:s17], $0xC80  }
0x50: {  	[sflag:s17] =	ssyncset.done $0x0  }
0x51: {  	[sflag:s17] =	ssyncadd.s32 $0xFFFFF380  }
0x52: {  	_ =	swait.ge [sflag:s17], $0xC80  }
0x53: {  	[sflag:s17] =	ssyncset.done $0x0  }
0x54: {  	[sflag:s17] =	ssyncadd.s32 $0xFFFFF380  }
0x55: {  	_ =	swait.ge [sflag:s17], $0xC80  }
0x56: {  	[sflag:s17] =	ssyncset.done $0x0  }
0x57: {  	[sflag:s17] =	ssyncadd.s32 $0xFFFFF380  }
0x58: {  	_ =	swait.ge [sflag:s17], $0xC80  }
0x59: {  	[sflag:s17] =	ssyncset.done $0x0  }
0x5a: {  	[sflag:s17] =	ssyncadd.s32 $0xFFFFF380  }
0x5b: {  	_ =	swait.ge [sflag:s17], $0xC80  }
0x5c: {  	[sflag:s17] =	ssyncset.done $0x0  }
0x5d: {  	[sflag:s17] =	ssyncadd.s32 $0xFFFFF380  }
0x5e: {  	_ =	swait.ge [sflag:s17], $0xC80  }
0x5f: {  	p0 =	seq.s32 s1, $0x0;
	[sflag:s17] =	ssyncset.done $0x0  }
0x60: {  	s10 =	simm.s32 $0x7000;
	s12 =	simm.s32 @!p0 $0x7;
	[sflag:s17] =	ssyncadd.s32 $0xFFFFF380  }
0x61: {  	[hbm4b:s30+s2] =	stream.linear.scatter [tilespmem:s10], [sflag:$0x5], $0x6400, $0x38;
	v63 =	vld [tilespmem:$0x0]  }
0x62: {  	_ =	swait.ge @!p0 [sflag:s12], $0x6400  }
0x63: {  	s10 =	sshra.s32 s1, $0x2;
	[sflag:s12] =	ssyncset.done @!p0 $0x0  }
0x64: {  	s16 =	sadd.s32 $0x380, s10;
	[sflag:s12] =	ssyncadd.s32 @!p0 $0xFFFF9C00  }
0x65: {  	[tilespmem:s18], [sflag:$0x3] =	stream.indirect.gather [hbm4b:s3+s8], $0x40, s16, s8, $0xb8;
	v63 =	vld [tilespmem:$0x0]  }
0x66: {  	s14 =	simm.s32 $0x14480;
	s19 =	sadd.s32 $0x3B8, s10  }
0x67: {  	[tilespmem:s14], [sflag:$0x3] =	stream.indirect.gather [hbm4b:s3+s8], $0x40, s19, s8, $0xb8;
	v63 =	vld [tilespmem:$0x0]  }
0x68: {  	s16 =	sadd.s32 $0x3F0, s10  }
0x69: {  	[tilespmem:s20], [sflag:$0x3] =	stream.indirect.gather [hbm4b:s3+s8], $0x40, s16, s8, $0xb8;
	v63 =	vld [tilespmem:$0x0]  }
0x6a: {  	s19 =	sadd.s32 $0x428, s10  }
0x6b: {  	[tilespmem:s21], [sflag:$0x3] =	stream.indirect.gather [hbm4b:s3+s8], $0x40, s19, s8, $0xb8;
	v63 =	vld [tilespmem:$0x0]  }
0x6c: {  	s14 =	sadd.s32 $0x460, s10  }
0x6d: {  	[tilespmem:s22], [sflag:$0x3] =	stream.indirect.gather [hbm4b:s3+s8], $0x40, s14, s8, $0xb8;
	v63 =	vld [tilespmem:$0x0]  }
0x6e: {  	s16 =	sadd.s32 $0x498, s10  }
0x6f: {  	[tilespmem:s23], [sflag:$0x3] =	stream.indirect.gather [hbm4b:s3+s8], $0x40, s16, s8, $0xb8;
	v63 =	vld [tilespmem:$0x0]  }
0x70: {  	s19 =	sadd.s32 $0x4D0, s10  }
0x71: {  	[tilespmem:s24], [sflag:$0x3] =	stream.indirect.gather [hbm4b:s3+s8], $0x40, s19, s8, $0xb8;
	v63 =	vld [tilespmem:$0x0]  }
0x72: {  	s14 =	sadd.s32 $0x508, s10  }
0x73: {  	[tilespmem:s26], [sflag:$0x3] =	stream.indirect.gather [hbm4b:s3+s8], $0x40, s14, s8, $0xb8;
	v63 =	vld [tilespmem:$0x0]  }
0x74: {  	_ =	swait.ge [sflag:s29], $0xC80  }
0x75: {  	[sflag:s29] =	ssyncset.done $0x0  }
0x76: {  	[sflag:s29] =	ssyncadd.s32 $0xFFFFF380  }
0x77: {  	_ =	swait.ge [sflag:s29], $0xC80  }
0x78: {  	[sflag:s29] =	ssyncset.done $0x0  }
0x79: {  	[sflag:s29] =	ssyncadd.s32 $0xFFFFF380  }
0x7a: {  	_ =	swait.ge [sflag:s29], $0xC80  }
0x7b: {  	[sflag:s29] =	ssyncset.done $0x0  }
0x7c: {  	[sflag:s29] =	ssyncadd.s32 $0xFFFFF380  }
0x7d: {  	_ =	swait.ge [sflag:s29], $0xC80  }
0x7e: {  	[sflag:s29] =	ssyncset.done $0x0  }
0x7f: {  	[sflag:s29] =	ssyncadd.s32 $0xFFFFF380  }
0x80: {  	_ =	swait.ge [sflag:s29], $0xC80  }
0x81: {  	[sflag:s29] =	ssyncset.done $0x0  }
0x82: {  	[sflag:s29] =	ssyncadd.s32 $0xFFFFF380  }
0x83: {  	_ =	swait.ge [sflag:s29], $0xC80  }
0x84: {  	[sflag:s29] =	ssyncset.done $0x0  }
0x85: {  	[sflag:s29] =	ssyncadd.s32 $0xFFFFF380  }
0x86: {  	_ =	swait.ge [sflag:s29], $0xC80  }
0x87: {  	[sflag:s29] =	ssyncset.done $0x0  }
0x88: {  	[sflag:s29] =	ssyncadd.s32 $0xFFFFF380  }
0x89: {  	_ =	swait.ge [sflag:s29], $0xC80  }
0x8a: {  	[sflag:s29] =	ssyncset.done $0x0  }
0x8b: {  	s12 =	simm.s32 @!p0 $0x8;
	s16 =	sadd.s32 $0xC80, s30;
	[sflag:s29] =	ssyncadd.s32 $0xFFFFF380  }
0x8c: {  	[hbm4b:s16+s2] =	stream.linear.scatter [tilespmem:s25], [sflag:$0x6], $0x6400, $0x38;
	v63 =	vld [tilespmem:$0x0]  }
0x8d: {  	_ =	swait.ge @!p0 [sflag:s12], $0x6400  }
0x8e: {  	[sflag:s12] =	ssyncset.done @!p0 $0x0  }
0x8f: {  	s19 =	sadd.s32 $0x540, s10;
	[sflag:s12] =	ssyncadd.s32 @!p0 $0xFFFF9C00  }
0x90: {  	[tilespmem:s31], [sflag:$0x4] =	stream.indirect.gather [hbm4b:s3+s8], $0x40, s19, s8, $0xb8;
	v63 =	vld [tilespmem:$0x0]  }
0x91: {  	s14 =	sadd.s32 $0x578, s10  }
0x92: {  	[tilespmem:s0], [sflag:$0x4] =	stream.indirect.gather [hbm4b:s3+s8], $0x40, s14, s8, $0xb8;
	v63 =	vld [tilespmem:$0x0]  }
0x93: {  	s16 =	sadd.s32 $0x5B0, s10  }
0x94: {  	[tilespmem:s11], [sflag:$0x4] =	stream.indirect.gather [hbm4b:s3+s8], $0x40, s16, s8, $0xb8;
	v63 =	vld [tilespmem:$0x0]  }
0x95: {  	s19 =	sadd.s32 $0x5E8, s10  }
0x96: {  	[tilespmem:s13], [sflag:$0x4] =	stream.indirect.gather [hbm4b:s3+s8], $0x40, s19, s8, $0xb8;
	v63 =	vld [tilespmem:$0x0]  }
0x97: {  	s14 =	sadd.s32 $0x620, s10  }
0x98: {  	[tilespmem:s15], [sflag:$0x4] =	stream.indirect.gather [hbm4b:s3+s8], $0x40, s14, s8, $0xb8;
	v63 =	vld [tilespmem:$0x0]  }
0x99: {  	s16 =	sadd.s32 $0x658, s10  }
0x9a: {  	[tilespmem:s4], [sflag:$0x4] =	stream.indirect.gather [hbm4b:s3+s8], $0x40, s16, s8, $0xb8;
	v63 =	vld [tilespmem:$0x0]  }
0x9b: {  	s19 =	sadd.s32 $0x690, s10  }
0x9c: {  	[tilespmem:s5], [sflag:$0x4] =	stream.indirect.gather [hbm4b:s3+s8], $0x40, s19, s8, $0xb8;
	v63 =	vld [tilespmem:$0x0]  }
0x9d: {  	s14 =	sadd.s32 $0x6C8, s10  }
0x9e: {  	[tilespmem:s6], [sflag:$0x4] =	stream.indirect.gather [hbm4b:s3+s8], $0x40, s14, s8, $0xb8;
	v63 =	vld [tilespmem:$0x0]  }
0x9f: {  	_ =	swait.ge [sflag:s7], $0xC80  }
0xa0: {  	[sflag:s7] =	ssyncset.done $0x0  }
0xa1: {  	[sflag:s7] =	ssyncadd.s32 $0xFFFFF380  }
0xa2: {  	_ =	swait.ge [sflag:s7], $0xC80  }
0xa3: {  	[sflag:s7] =	ssyncset.done $0x0  }
0xa4: {  	[sflag:s7] =	ssyncadd.s32 $0xFFFFF380  }
0xa5: {  	_ =	swait.ge [sflag:s7], $0xC80  }
0xa6: {  	[sflag:s7] =	ssyncset.done $0x0  }
0xa7: {  	[sflag:s7] =	ssyncadd.s32 $0xFFFFF380  }
0xa8: {  	_ =	swait.ge [sflag:s7], $0xC80  }
0xa9: {  	[sflag:s7] =	ssyncset.done $0x0  }
0xaa: {  	[sflag:s7] =	ssyncadd.s32 $0xFFFFF380  }
0xab: {  	_ =	swait.ge [sflag:s7], $0xC80  }
0xac: {  	[sflag:s7] =	ssyncset.done $0x0  }
0xad: {  	[sflag:s7] =	ssyncadd.s32 $0xFFFFF380  }
0xae: {  	_ =	swait.ge [sflag:s7], $0xC80  }
0xaf: {  	[sflag:s7] =	ssyncset.done $0x0  }
0xb0: {  	[sflag:s7] =	ssyncadd.s32 $0xFFFFF380  }
0xb1: {  	_ =	swait.ge [sflag:s7], $0xC80  }
0xb2: {  	[sflag:s7] =	ssyncset.done $0x0  }
0xb3: {  	[sflag:s7] =	ssyncadd.s32 $0xFFFFF380  }
0xb4: {  	_ =	swait.ge [sflag:s7], $0xC80  }
0xb5: {  	p0 =	seq.s32 s1, $0x1A400;
	[sflag:s7] =	ssyncset.done $0x0  }
0xb6: {  	s12 =	simm.s32 @!p0 $0x5;
	s16 =	sadd.s32 $0x1900, s30;
	[sflag:s7] =	ssyncadd.s32 $0xFFFFF380  }
0xb7: {  	[hbm4b:s16+s2] =	stream.linear.scatter [tilespmem:s18], [sflag:$0x7], $0x6400, $0x38;
	v63 =	vld [tilespmem:$0x0]  }
0xb8: {  	_ =	swait.ge @!p0 [sflag:s12], $0x6400  }
0xb9: {  	[sflag:s12] =	ssyncset.done @!p0 $0x0  }
0xba: {  	[sflag:s12] =	ssyncadd.s32 @!p0 $0xFFFF9C00;
	s12 =	sshra.s32 @!p0 s1, $0x2  }
0xbb: {  	s19 =	simm.s32 @!p0 $0x7000;
	s16 =	simm.s32 @!p0 $0x32;
	s14 =	sadd.s32 @!p0 $0x700, s12  }
0xbc: {  	[tilespmem:s19], [sflag:$0x1] =	stream.indirect.gather @!p0 [hbm4b:s3+s16], $0x40, s14, s16, $0xb8;
	v63 =	vld [tilespmem:$0x0]  }
0xbd: {  	s14 =	sadd.s32 @!p0 $0x738, s12;
	s19 =	simm.s32 @!p0 $0x7C80  }
0xbe: {  	[tilespmem:s19], [sflag:$0x1] =	stream.indirect.gather @!p0 [hbm4b:s3+s16], $0x40, s14, s16, $0xb8;
	v63 =	vld [tilespmem:$0x0]  }
0xbf: {  	s14 =	sadd.s32 @!p0 $0x770, s12;
	s19 =	simm.s32 @!p0 $0x8900  }
0xc0: {  	[tilespmem:s19], [sflag:$0x1] =	stream.indirect.gather @!p0 [hbm4b:s3+s16], $0x40, s14, s16, $0xb8;
	v63 =	vld [tilespmem:$0x0]  }
0xc1: {  	s14 =	sadd.s32 @!p0 $0x7A8, s12;
	s19 =	simm.s32 @!p0 $0x9580  }
0xc2: {  	[tilespmem:s19], [sflag:$0x1] =	stream.indirect.gather @!p0 [hbm4b:s3+s16], $0x40, s14, s16, $0xb8;
	v63 =	vld [tilespmem:$0x0]  }
0xc3: {  	s14 =	sadd.s32 @!p0 $0x7E0, s12;
	s19 =	simm.s32 @!p0 $0xA200  }
0xc4: {  	[tilespmem:s19], [sflag:$0x1] =	stream.indirect.gather @!p0 [hbm4b:s3+s16], $0x40, s14, s16, $0xb8;
	v63 =	vld [tilespmem:$0x0]  }
0xc5: {  	s14 =	sadd.s32 @!p0 $0x818, s12;
	s19 =	simm.s32 @!p0 $0xAE80  }
0xc6: {  	[tilespmem:s19], [sflag:$0x1] =	stream.indirect.gather @!p0 [hbm4b:s3+s16], $0x40, s14, s16, $0xb8;
	v63 =	vld [tilespmem:$0x0]  }
0xc7: {  	s14 =	sadd.s32 @!p0 $0x850, s12;
	s19 =	simm.s32 @!p0 $0xBB00  }
0xc8: {  	[tilespmem:s19], [sflag:$0x1] =	stream.indirect.gather @!p0 [hbm4b:s3+s16], $0x40, s14, s16, $0xb8;
	v63 =	vld [tilespmem:$0x0]  }
0xc9: {  	s12 =	sadd.s32 @!p0 $0x888, s12;
	s14 =	simm.s32 @!p0 $0xC780  }
0xca: {  	[tilespmem:s14], [sflag:$0x1] =	stream.indirect.gather @!p0 [hbm4b:s3+s16], $0x40, s12, s16, $0xb8;
	v63 =	vld [tilespmem:$0x0]  }
0xcb: {  	_ =	swait.ge [sflag:s9], $0xC80  }
0xcc: {  	[sflag:s9] =	ssyncset.done $0x0  }
0xcd: {  	[sflag:s9] =	ssyncadd.s32 $0xFFFFF380  }
0xce: {  	_ =	swait.ge [sflag:s9], $0xC80  }
0xcf: {  	[sflag:s9] =	ssyncset.done $0x0  }
0xd0: {  	[sflag:s9] =	ssyncadd.s32 $0xFFFFF380  }
0xd1: {  	_ =	swait.ge [sflag:s9], $0xC80  }
0xd2: {  	[sflag:s9] =	ssyncset.done $0x0  }
0xd3: {  	[sflag:s9] =	ssyncadd.s32 $0xFFFFF380  }
0xd4: {  	_ =	swait.ge [sflag:s9], $0xC80  }
0xd5: {  	[sflag:s9] =	ssyncset.done $0x0  }
0xd6: {  	[sflag:s9] =	ssyncadd.s32 $0xFFFFF380  }
0xd7: {  	_ =	swait.ge [sflag:s9], $0xC80  }
0xd8: {  	[sflag:s9] =	ssyncset.done $0x0  }
0xd9: {  	[sflag:s9] =	ssyncadd.s32 $0xFFFFF380  }
0xda: {  	_ =	swait.ge [sflag:s9], $0xC80  }
0xdb: {  	[sflag:s9] =	ssyncset.done $0x0  }
0xdc: {  	[sflag:s9] =	ssyncadd.s32 $0xFFFFF380  }
0xdd: {  	_ =	swait.ge [sflag:s9], $0xC80  }
0xde: {  	[sflag:s9] =	ssyncset.done $0x0  }
.Ltmp2:
0xdf: {  	[sflag:s9] =	ssyncadd.s32 $0xFFFFF380;
	(pc) =	sbr.rel @p0 .LBB2_4-.Ltmp2, $4  }
0xe0: {  	_ =	swait.ge [sflag:s9], $0xC80  }
0xe1: {  	[sflag:s9] =	ssyncset.done $0x0  }
0xe2: {  	s19 =	sadd.s32 $0x2580, s30;
	[sflag:s9] =	ssyncadd.s32 $0xFFFFF380  }
0xe3: {  	[hbm4b:s19+s2] =	stream.linear.scatter [tilespmem:s31], [sflag:$0x8], $0x6400, $0x38;
	v63 =	vld [tilespmem:$0x0]  }
0xe4: {  	_ =	swait.ge [sflag:s28], $0x6400  }
0xe5: {  	[sflag:s28] =	ssyncset.done $0x0  }
0xe6: {  	s12 =	sadd.s32 $0x8C0, s10;
	[sflag:s28] =	ssyncadd.s32 $0xFFFF9C00  }
0xe7: {  	[tilespmem:s25], [sflag:$0x2] =	stream.indirect.gather [hbm4b:s3+s8], $0x40, s12, s8, $0xb8;
	v63 =	vld [tilespmem:$0x0]  }
0xe8: {  	s19 =	sadd.s32 $0x8F8, s10;
	s14 =	simm.s32 $0xE080  }
0xe9: {  	[tilespmem:s14], [sflag:$0x2] =	stream.indirect.gather [hbm4b:s3+s8], $0x40, s19, s8, $0xb8;
	v63 =	vld [tilespmem:$0x0]  }
0xea: {  	s16 =	sadd.s32 $0x930, s10;
	s19 =	simm.s32 $0xED00  }
0xeb: {  	[tilespmem:s19], [sflag:$0x2] =	stream.indirect.gather [hbm4b:s3+s8], $0x40, s16, s8, $0xb8;
	v63 =	vld [tilespmem:$0x0]  }
0xec: {  	s16 =	sadd.s32 $0x968, s10;
	s19 =	simm.s32 $0xF980  }
0xed: {  	[tilespmem:s19], [sflag:$0x2] =	stream.indirect.gather [hbm4b:s3+s8], $0x40, s16, s8, $0xb8;
	v63 =	vld [tilespmem:$0x0]  }
0xee: {  	s16 =	sadd.s32 $0x9A0, s10;
	s19 =	simm.s32 $0x10600  }
0xef: {  	[tilespmem:s19], [sflag:$0x2] =	stream.indirect.gather [hbm4b:s3+s8], $0x40, s16, s8, $0xb8;
	v63 =	vld [tilespmem:$0x0]  }
0xf0: {  	s16 =	sadd.s32 $0x9D8, s10;
	s19 =	simm.s32 $0x11280  }
0xf1: {  	[tilespmem:s19], [sflag:$0x2] =	stream.indirect.gather [hbm4b:s3+s8], $0x40, s16, s8, $0xb8;
	v63 =	vld [tilespmem:$0x0]  }
.Ltmp3:
0xf2: {  	_ = 	snop;
	(pc) =	sbr.rel .LBB2_2-.Ltmp3, $4  }
0xf3: {  	s1 =	sadd.s32 $0x1C00, s1;
	s16 =	sadd.s32 $0xA10, s10;
	s19 =	simm.s32 $0x11F00  }
0xf4: {  	[tilespmem:s19], [sflag:$0x2] =	stream.indirect.gather [hbm4b:s3+s8], $0x40, s16, s8, $0xb8;
	v63 =	vld [tilespmem:$0x0]  }
0xf5: {  	s30 =	sadd.s32 $0x3200, s30;
	s16 =	sadd.s32 $0xA48, s10;
	s19 =	simm.s32 $0x12B80  }
0xf6: {  	[tilespmem:s19], [sflag:$0x2] =	stream.indirect.gather [hbm4b:s3+s8], $0x40, s16, s8, $0xb8;
	v63 =	vld [tilespmem:$0x0]  }
.LBB2_5:
0xf7: {  	_ =	sfence.sel $0x180000  }
0xf8: {  	[bflag:$0x0] =	sbarrier.arrive $0xFFFF  }
0xf9: {  	_ =	strace $0x9000004A  }
0xfa: {  	s0 =	stileid.u32;
	[bflag:$0x2] =	sbarrier.arrive $0xFFFF  }
0xfb: {  	p0 =	sne.s32 s0, $0x0;
	s0 =	rddreg [dreg:$0x2]  }
0xfc: {  	s0 =	sadd.s32 @!p0 $0x100000, s0  }
0xfd: {  	[sflag:s0] =	ssyncadd.tile.s32 @!p0 $0x1;
	_ =	shalt  }
.Lfunc_end2:
_tile_overlayer_lowered:
.L_overlay_start_2:
0xfe: {  	(tag) =	ssettag $0x2  }
0xff: {  	s0 =	rddreg [dreg:$0x0];
	s2 =	stileid.u32  }
0x100: {  	s1 =	rddreg [dreg:$0x1];
	p0 =	sne.s32 s2, $0x0  }
0x101: {  	s3 =	rddreg [dreg:$0x2];
	[bflag:$0x3] =	sbarrier.arrive $0xFFFF;
	s2 =	simm.s32 @!p0 $0x1C09  }
0x102: {  	[timem:s3], [sflag:s2] =	dma.local @!p0 [hbm:s0], s1  }
0x103: {  	s0 =	simm.s32 @!p0 $0x9  }
0x104: {  	_ =	swait.ge @!p0 [sflag:s0], s1  }
0x105: {  	s1 =	ssub.s32 @!p0 $0x0, s1;
	[sflag:s0] =	ssyncset.done @!p0 $0x0  }
0x106: {  	[sflag:s0] =	ssyncadd.s32 @!p0 s1  }
0x107: {  	[bflag:$0x3] =	sbarrier.arrive $0xFFFF  }
0x108: {  	_ =	shalt  }

// kernel: sparse-core-data-format-call.1.cloned.1.call-start
scs
called_computation.1_lowered:
.L_overlay_start_0:
0x0: {  	s2 =	sld [smem:$0x3FD9]  }
0x1: {  	s3 =	sld [smem:$0x3FFE];
	_ =	sdelay $0x1  }
0x2: {  	s1 =	srdreg.scid  }
0x3: {  	s0 =	sand.u32 $0x1, s1  }
0x4: {  	s18 =	sshll.u32 s0, $0xA;
	s2 =	sadd.s32 s3, s2  }
0x5: {  	s2 =	sadd.s32 s2, s18  }
0x6: {  	[smem:$0x3FC6] =	sst s2  }
0x7: {  	_ = 	snop  }
0x8: {  	s2 =	sld [smem:$0x3FC8];
	(tm) =	ssettm $0x1  }
0x9: {  	s19 =	sld [smem:$0x3FFB];
	_ =	sdelay $0x3  }
0xa: {  	_ =	strace s19  }
0xb: {  	s3 =	sld [smem:$0x3FFC];
	_ =	sdelay $0x3  }
0xc: {  	_ =	strace s3  }
0xd: {  	s3 =	sld [smem:$0x3FFD];
	_ =	sdelay $0x3  }
0xe: {  	_ =	strace s3  }
0xf: {  	_ =	strace $0x8FFFFFFF  }
0x10: {  	s20 =	sld [smem:$0x3FDB];
	_ =	sdelay $0x1  }
0x11: {  	s4 =	simm.s32 $_scs_section_size  }
0x12: {  	s5 =	simm.s32 $_size__tile_overlayer_lowered;
	s6 =	simm.s32 $_tile_overlayer_lowered  }
0x13: {  	s23 =	simm.s32 $0x1BFF;
	s22 =	sshll.u32 s6, $0x1;
	s3 =	sadd.s32 s4, s20  }
0x14: {  	s7 =	simm.s32 $0x0;
	s21 =	sshll.u32 s5, $0x1;
	s5 =	sadd.s32 s22, s3  }
0x15: {  	[timem:s7], [sflag:s23] =	dma.local [hbm:s5], s21  }
0x16: {  	_ =	swait.ge [sflag:s23], s21  }
0x17: {  	s4 =	ssub.s32 $0x0, s21;
	[sflag:s23] =	ssyncset.done $0x0  }
0x18: {  	[sflag:s23] =	ssyncadd.s32 s4;
	_ =	sdelay $0x1  }
0x19: {  	s24 =	simm.s32 $0x1B8B  }
0x1a: {  	_ =	swait.ge [sflag:s24], $0x1  }
0x1b: {  	[sflag:s24] =	ssyncset.done $0x0  }
0x1c: {  	s26 =	simm.s32 $0x1B8E;
	s25 =	sld [smem:$0x3FFE];
	[sflag:s24] =	ssyncadd.s32 $0xFFFFFFFF  }
0x1d: {  	s27 =	simm.s32 $execute0_lowered;
	[smem:$0x3FD2] =	sst s26  }
0x1e: {  	s5 =	sshll.u32 s27, $0x1;
	_ =	strace $0x80000046;
	[dreg:$0x1] =	wrdreg $0xFFFFFFFF  }
0x1f: {  	s28 =	simm.s32 $_size_execute0_lowered;
	s3 =	sadd.s32 s3, s5;
	[dreg:$0x0] =	wrdreg $0x0  }
0x20: {  	s5 =	sshll.u32 s28, $0x1;
	[dreg:$0x2] =	wrdreg s3  }
0x21: {  	[dreg:$0x3] =	wrdreg s5  }
0x22: {  	[dreg:$0x4] =	wrdreg $0xC0  }
0x23: {  	_ =	task [dreg:s7], $0x5FFFF  }
0x24: {  	[dreg:$0x1] =	wrdreg $0xFFFFFFFF  }
0x25: {  	[dreg:$0x0] =	wrdreg $0x60  }
0x26: {  	[dreg:$0x2] =	wrdreg s2  }
0x27: {  	[dreg:$0x3] =	wrdreg s25  }
0x28: {  	[dreg:$0x4] =	wrdreg $0x9  }
0x29: {  	_ =	task.clear_ibuf [dreg:s7], $0x5FFFF;
	_ =	strace $0x90000046  }
0x2a: {  	s29 =	simm.s32 $0x9;
	_ =	strace $0x80000048  }
0x2b: {  	_ =	swait.ge [sflag:s29], $0x1  }
0x2c: {  	[sflag:s29] =	ssyncadd.s32 $0xFFFFFFFF  }
0x2d: {  	_ =	strace $0x90000048  }
0x2e: {  	_ =	sfence  }
0x2f: {  	s30 =	sld [smem:$0x0];
	_ =	sdelay $0x2  }
0x30: {  	s31 =	sshll.u32 s1, $0xD;
	s1 =	sshrl.u32 s1, $0x2  }
0x31: {  	s3 =	sand.u32 $0x4000, s31;
	s1 =	sadd.s32 s1, s30  }
0x32: {  	s0 =	sor.u32 s3, s0;
	s1 =	sshll.u32 s1, $0x11  }
0x33: {  	s0 =	sor.u32 s1, s0  }
0x34: {  	s0 =	sadd.s32 $0x8F2B, s0  }
0x35: {  	[sflag:s0] =	ssyncadd.remote.s32 $0x1  }
0x36: {  	_ =	sfence.sel $0xFFFF  }
0x37: {  	[dreg:$0x0] =	wrdreg $0xFFFFFFFF;
	(pc) =	sbr.abs _section_cstart, $3  }
0x38: {  	[dreg:$0x1] =	wrdreg $0xFFFFFFFF  }
0x39: {  	_ =	task.clear_ibuf [dreg:s7], $0x2FFFF;
	_ =	strace $0x9FFFFFFF  }
0x3a: {  	(tm) =	ssettm $0x7FFFFFFF  }
0x3b: {  	_ =	shalt  }
tec
execute0_lowered:
.L_overlay_start_1:
0x0: {  	(tag) =	ssettag $0x1  }
0x1: {  	s0 =	srdreg.scid;
	s2 =	rddreg [dreg:$0x0]  }
0x2: {  	s5 =	rddreg [dreg:$0x1];
	s1 =	stileid.u32  }
0x3: {  	s4 =	simm.s32 $0x1;
	s6 =	simm.s32 $0x2;
	s15 =	simm.s32 $0x0  }
0x4: {  	p0 =	por $0x0, $0x0;
	s8 =	simm.s32 $0x80;
	s0 =	sshll.u32 s0, $0x4  }
0x5: {  	s14 =	simm.s32 $0x0;
	s9 =	simm.s32 $0x0;
	s3 =	sand.u32 $0x10, s0  }
.Ltmp0:
0x6: {  	s10 =	simm.s32 $0x0;
	s3 =	sor.u32 s1, s3;
	(pc) =	sbr.rel .LBB1_1-.Ltmp0, $4  }
0x7: {  	s0 =	rddreg [dreg:$0x2];
	_ =	strace $0x80000047;
	s3 =	sshll.u32 s3, $0x7  }
0x8: {  	s12 =	simm.s32 $0x0;
	[sflag:s4] =	ssyncpa.u1 $0x0;
	s7 =	ssub.s32 $0xF4200, s3  }
0x9: {  	s13 =	simm.s32 $0x0;
	[sflag:s6] =	ssyncpa.u1 $0x0;
	s6 =	sshrl.u32 s7, $0xC  }
0xa: {  	s5 =	sadd.s32 $0xE00, s5;
	s11 =	smov.u32 s3;
	s7 =	sadd.s32 $0x2, s6  }
.LBB1_5:
0xb: {  	p1 =	slt.u32 s13, $0x2  }
0xc: {  	s17 =	smov.u32 s15;
	p2 =	sgt.s32 @!p1 s15, $0xF41C0;
	s16 =	sshra.s32 @!p1 s15, $0x1F  }
0xd: {  	p3 =	sgt.s32 @!p1 s14, $0x40;
	s18 =	sshra.s32 @!p1 s14, $0x1F;
	p2 =	por !p2, p1  }
0xe: {  	s15 =	sand.u32 @!p1 s16, s15;
	p3 =	por !p3, p1;
	s16 =	smov.u32 s14  }
0xf: {  	s14 =	sand.u32 @!p1 s18, s14;
	s17 =	simm.s32 @p2 $0xF41C0;
	s16 =	simm.s32 @p3 $0x40  }
0x10: {  	s15 =	ssub.s32 @!p1 s17, s15;
	s14 =	ssub.s32 @!p1 s16, s14  }
0x11: {  	s18 =	smov.u32 s12;
	s16 =	sadd.s32 @!p1 $0xFFF0BE40, s15;
	s17 =	sadd.s32 @!p1 $0xFFFFFFC0, s14  }
0x12: {  	s15 =	ssub.s32 @!p1 $0xF4240, s15;
	p2 =	sgt.s32 @!p1 s16, $0x7F;
	p3 =	sgt.s32 @!p1 s17, $0x3F  }
0x13: {  	s14 =	ssub.s32 @!p1 $0x80, s14;
	p2 =	por !p2, p1;
	p3 =	por !p3, p1  }
0x14: {  	s16 =	sadd.s32 $0x1000, s11;
	s15 =	simm.s32 @!p2 $0x0;
	s14 =	simm.s32 @!p3 $0x0  }
0x15: {  	p2 =	sgt.s32 s16, $0xF423F;
	s14 =	smul.u32 @!p1 s14, s15;
	s15 =	sadd.s32 $0x40, s12  }
0x16: {  	s18 =	smov.u32 @p2 s15  }
0x17: {  	s16 =	smov.u32 @p2 s3;
	p2 =	sgt.s32 s18, $0x3F  }
0x18: {  	s18 =	simm.s32 @p2 $0x0;
	p2 =	sne.s32 s13, s7  }
.Ltmp1:
0x19: {  	p0 =	por !p0, !p0;
	s17 =	simm.s32 @!p1 $0x2;
	(pc) =	sbr.rel @!p2 .LBB1_6-.Ltmp1, $4  }
0x1a: {  	s15 =	smov.u32 s9;
	s9 =	smov.u32 s11;
	s14 =	sand.u32 @!p1 $0x3FFFFFFF, s14  }
0x1b: {  	s11 =	smov.u32 s16;
	_ =	swait.ge @!p1 [sflag:s17], s14;
	s19 =	ssub.s32 @!p1 $0x0, s14  }
0x1c: {  	s14 =	smov.u32 s10;
	s13 =	sadd.s32 $0x1, s13;
	[sflag:s17] =	ssyncset.done @!p1 $0x0  }
0x1d: {  	s10 =	smov.u32 s12;
	s12 =	smov.u32 s18;
	[sflag:s17] =	ssyncadd.s32 @!p1 s19  }
.LBB1_1:
0x1e: {  	p1 =	sgt.u32 s13, s6  }
0x1f: {  	s16 =	sshrl.u32 @!p1 s12, $0x3  }
0x20: {  	s17 =	sshll.u32 @!p1 s11, $0x3;
	s16 =	smul.u32 @!p1 $0x7A1400, s16  }
0x21: {  	s18 =	sshll.u32 @!p1 s12, $0x7;
	s17 =	sand.u32 @!p1 $0xFFFFFC00, s17  }
0x22: {  	s16 =	sadd.s32 @!p1 s16, s17;
	s17 =	sand.u32 @!p1 $0x380, s18  }
0x23: {  	s18 =	sand.u32 @!p1 $0x7F, s11;
	s16 =	sor.u32 @!p1 s17, s16  }
0x24: {  	s17 =	sor.u32 @!p1 s18, s16  }
0x25: {  	s18 =	smulhi.u32 @!p1 $0x218D6287, s17;
	_ =	sdelay $0x1  }
0x26: {  	s16 =	smulhi.u32 @!p1 $0x218D6287, s16;
	s18 =	sshrl.u32 @!p1 s18, $0x11  }
0x27: {  	s18 =	smul.u32 @!p1 $0xF4280, s18  }
0x28: {  	s19 =	sxor.u32 @!p1 $0xFFFFFFFF, s13;
	s16 =	sshrl.u32 @!p1 s16, $0x11  }
0x29: {  	s19 =	sshll.u32 @!p1 s19, $0xD;
	s16 =	sand.u32 @!p1 $0x3F, s16;
	s17 =	ssub.s32 @!p1 s17, s18  }
0x2a: {  	s16 =	smul.u32 @!p1 $0x1E850, s16;
	s18 =	sshrl.u32 @!p1 s17, $0x3;
	s17 =	sand.u32 @!p1 $0x7, s17  }
0x2b: {  	s19 =	sand.u32 @!p1 $0x2000, s19;
	s18 =	sadd.s32 @!p1 s2, s18;
	s17 =	sshll.u32 @!p1 s17, $0x12  }
0x2c: {  	s16 =	sadd.s32 @!p1 s16, s18;
	s17 =	sor.u32 @!p1 $0x400, s17;
	s18 =	simm.s32 @!p1 $0x7A1400  }
0x2d: {  	[tilespmem:s19], [sflag:$0x1] =	stream.strided.gather @!p1 [hbm4b:s16+s17], $0x2000, s18, s17, $0x38;
	[tilespmem:$0x8100] =	vst v63  }
0x2e: {  	p1 =	seq.s32 s13, $0x0  }
0x2f: {  	p2 =	sge.u32 @!p1 s13, s7  }
0x30: {  	p1 =	por p1, p2  }
.Ltmp2:
0x31: {  	_ = 	snop;
	(pc) =	sbr.rel @p1 .LBB1_5-.Ltmp2, $1  }
0x32: {  	_ =	sdelay $0x3  }
0x33: {  	s16 =	simm.s32 $0x1  }
0x34: {  	_ =	swait.ge [sflag:s4], $0x2000;
	s16 =	simm.s32 @!p0 $0x0  }
0x35: {  	[sflag:s4] =	ssyncset.done $0x0;
	s17 =	sshll.u32 s16, $0xD  }
0x36: {  	[sflag:s4] =	ssyncadd.s32 $0xFFFFE000;
	s17 =	sor.u32 $0x40, s17  }
0x37: {  	s16 =	smul.u32 $0x8200, s16;
	v0 =	vld [tilespmem:s17+$0x30]  }
0x38: {  	v1 =	vld [tilespmem:s17+$0xFFFFFFD0]  }
0x39: {  	s16 =	sshrl.u32 s16, $0x2;
	v5 =	vld [tilespmem:s17+$0xFFFFFFE0]  }
0x3a: {  	v6 =	vld [tilespmem:s17+$0xFFFFFFF0];
	s19 =	sor.u32 $0x4000, s16  }
0x3b: {  	s31 =	sand.u32 $0x1, s13;
	v4 =	vld [tilespmem:s17+$0x0];
	s18 =	sadd.s32 $0x0, s19  }
0x3c: {  	v3 =	vld [tilespmem:s17+$0x10];
	s16 =	smul.u32 $0x8200, s31;
	[tilespmem:s18+$0x1C70 ss:$0x41] =	vst.msk $0xffff, v0  }
0x3d: {  	v2 =	vld [tilespmem:s17+$0x20];
	[tilespmem:s18+$0x410 ss:$0x41] =	vst.msk $0xffff, v1  }
0x3e: {  	s16 =	sshrl.u32 s16, $0x2;
	v1 =	vld [tilespmem:s17+$0xFFFFFFC0];
	[tilespmem:s18+$0x820 ss:$0x41] =	vst.msk $0xffff, v5;
	s17 =	sadd.s32 $0x80, s17  }
0x3f: {  	s20 =	simm.s32 $0x4;
	s21 =	simm.s32 $0x8;
	s16 =	sor.u32 $0x4000, s16;
	[tilespmem:s18+$0xC30 ss:$0x41] =	vst.msk $0xffff, v6;
	v0 =	vld [tilespmem:s17+$0x30]  }
.LBB1_3:
0x40: {  	p1 =	sne.s32 s21, $0xFC;
	v5 =	vld [tilespmem:s17+$0xFFFFFFD0];
	[tilespmem:s18+$0x1040 ss:$0x41] =	vst.msk $0xffff, v4  }
0x41: {  	v6 =	vld [tilespmem:s17+$0xFFFFFFE0];
	[tilespmem:s18+$0x1450 ss:$0x41] =	vst.msk $0xffff, v3  }
0x42: {  	s22 =	sshra.s32 s20, $0x2;
	s20 =	smov.u32 s21;
	v7 =	vld [tilespmem:s17+$0xFFFFFFF0];
	[tilespmem:s18+$0x1860 ss:$0x41] =	vst.msk $0xffff, v2  }
.Ltmp3:
0x43: {  	v4 =	vld [tilespmem:s17+$0x0];
	[tilespmem:s18+$0x0 ss:$0x41] =	vst.msk $0xffff, v1;
	s18 =	sadd.s32 s22, s19;
	(pc) =	sbr.rel @p1 .LBB1_3-.Ltmp3, $4  }
0x44: {  	v3 =	vld [tilespmem:s17+$0x10];
	[tilespmem:s18+$0x1C70 ss:$0x41] =	vst.msk $0xffff, v0  }
0x45: {  	[tilespmem:s18+$0x410 ss:$0x41] =	vst.msk $0xffff, v5;
	v2 =	vld [tilespmem:s17+$0x20]  }
0x46: {  	v1 =	vld [tilespmem:s17+$0xFFFFFFC0];
	[tilespmem:s18+$0x820 ss:$0x41] =	vst.msk $0xffff, v6;
	s17 =	sadd.s32 $0x80, s17  }
0x47: {  	s21 =	sadd.s32 $0x4, s21;
	v0 =	vld [tilespmem:s17+$0x30];
	[tilespmem:s18+$0xC30 ss:$0x41] =	vst.msk $0xffff, v7  }
0x48: {  	s21 =	sshll.u32 s9, $0x7;
	s22 =	sshll.u32 s10, $0x3;
	s20 =	sshra.s32 s20, $0x2  }
0x49: {  	p1 =	sgt.s32 s9, $0xF41C0;
	s30 =	sshra.s32 s9, $0x1F;
	s25 =	sshra.s32 s10, $0x1F  }
0x4a: {  	v5 =	vld [tilespmem:s17+$0xFFFFFFD0];
	s28 =	sshrl.u32 s10, $0x3;
	s23 =	sand.u32 $0xFFFFFC00, s21;
	s22 =	sand.u32 $0xFFFFFC00, s22  }
0x4b: {  	[tilespmem:s18+$0x1040 ss:$0x41] =	vst.msk $0xffff, v4;
	v58 =	vld [tilespmem:s17+$0xFFFFFFE0];
	s21 =	sand.u32 $0x380, s21;
	s19 =	sadd.s32 s20, s19;
	s22 =	sadd.s32 s22, s23  }
0x4c: {  	v59 =	vld [tilespmem:s17+$0xFFFFFFF0];
	[tilespmem:s18+$0x1450 ss:$0x41] =	vst.msk $0xffff, v3;
	s29 =	sor.u32 s21, s22;
	s21 =	smov.u32 s9;
	s22 =	sand.u32 s30, s9  }
0x4d: {  	v60 =	vld [tilespmem:s17+$0x0];
	[tilespmem:s18+$0x1860 ss:$0x41] =	vst.msk $0xffff, v2;
	s30 =	sand.u32 $0x7, s10;
	s20 =	sshrl.u32 s29, $0x7;
	s21 =	simm.s32 @!p1 $0xF41C0  }
0x4e: {  	v61 =	vld [tilespmem:s17+$0x10];
	[tilespmem:s18+$0x0 ss:$0x41] =	vst.msk $0xffff, v1;
	p1 =	sgt.s32 s10, $0x40;
	s24 =	ssub.s32 s21, s22;
	s21 =	smov.u32 s10  }
0x4f: {  	v62 =	vld [tilespmem:s17+$0x20];
	[tilespmem:s19+$0x1C70 ss:$0x41] =	vst.msk $0xffff, v0;
	s31 =	smulhi.u32 $0x218DEF5, s20;
	s22 =	sand.u32 s25, s10;
	s21 =	simm.s32 @!p1 $0x40  }
0x50: {  	v63 =	vld [tilespmem:s17+$0xFFFFFFC0];
	[tilespmem:s19+$0x410 ss:$0x41] =	vst.msk $0xffff, v5;
	s26 =	sadd.s32 $0xFFF0BE40, s24;
	s17 =	ssub.s32 $0xF4240, s24;
	s21 =	ssub.s32 s21, s22  }
0x51: {  	[tilespmem:s19+$0x820 ss:$0x41] =	vst.msk $0xffff, v58;
	s23 =	sshrl.u32 s31, $0xD;
	p1 =	sgt.s32 s26, $0x7F;
	s27 =	sadd.s32 $0xFFFFFFC0, s21  }
0x52: {  	[tilespmem:s19+$0xC30 ss:$0x41] =	vst.msk $0xffff, v59;
	s23 =	smul.u32 $0xF4240, s23;
	s18 =	ssub.s32 $0x80, s21;
	p2 =	sgt.s32 s27, $0x3F  }
.Ltmp4:
0x53: {  	[tilespmem:s19+$0x1040 ss:$0x41] =	vst.msk $0xffff, v60;
	s17 =	simm.s32 @p1 $0x0;
	s18 =	simm.s32 @p2 $0x0;
	(pc) =	sbr.rel .LBB1_5-.Ltmp4, $4  }
0x54: {  	s29 =	sand.u32 $0xF, s28;
	[tilespmem:s19+$0x1450 ss:$0x41] =	vst.msk $0xffff, v61;
	s20 =	ssub.s32 s20, s23;
	s17 =	smul.u32 s18, s17  }
0x55: {  	[tilespmem:s19+$0x1860 ss:$0x41] =	vst.msk $0xffff, v62;
	s21 =	sshll.u32 s30, $0x12;
	s20 =	sshll.u32 s20, $0x4;
	s18 =	sadd.s32 s5, s29  }
0x56: {  	[tilespmem:s19+$0x0 ss:$0x41] =	vst.msk $0xffff, v63;
	s31 =	sor.u32 $0x40, s21;
	s18 =	sadd.s32 s20, s18;
	s17 =	sand.u32 $0x3FFFFFFF, s17  }
0x57: {  	[hbm4b:s18+s31] =	stream.strided.scatter [tilespmem:s16], [sflag:$0x2], s17, s8, s31, $0x18;
	[tilespmem:$0x8100] =	vst v63  }
.LBB1_6:
0x58: {  	_ =	sfence.sel $0x180000  }
0x59: {  	s2 =	simm.s32 $0x1;
	[bflag:$0x0] =	sbarrier.arrive $0xFFFF  }
0x5a: {  	s31 =	simm.s32 $0x2;
	[sflag:s2] =	ssyncpa.u1 $0x1  }
0x5b: {  	[sflag:s31] =	ssyncpa.u1 $0x1  }
0x5c: {  	p0 =	sne.s32 s1, $0x0;
	_ =	strace $0x90000047  }
0x5d: {  	s0 =	sadd.s32 @!p0 $0x100000, s0;
	[bflag:$0x2] =	sbarrier.arrive $0xFFFF  }
0x5e: {  	[sflag:s0] =	ssyncadd.tile.s32 @!p0 $0x1;
	_ =	shalt  }
.Lfunc_end1:
_tile_overlayer_lowered:
.L_overlay_start_2:
0x5f: {  	(tag) =	ssettag $0x2  }
0x60: {  	s0 =	rddreg [dreg:$0x0];
	s2 =	stileid.u32  }
0x61: {  	s1 =	rddreg [dreg:$0x1];
	p0 =	sne.s32 s2, $0x0  }
0x62: {  	s3 =	rddreg [dreg:$0x2];
	[bflag:$0x3] =	sbarrier.arrive $0xFFFF;
	s2 =	simm.s32 @!p0 $0x1C01  }
0x63: {  	[timem:s3], [sflag:s2] =	dma.local @!p0 [hbm:s0], s1  }
0x64: {  	s0 =	simm.s32 @!p0 $0x1  }
0x65: {  	_ =	swait.ge @!p0 [sflag:s0], s1  }
0x66: {  	s1 =	ssub.s32 @!p0 $0x0, s1;
	[sflag:s0] =	ssyncset.done @!p0 $0x0  }
0x67: {  	[sflag:s0] =	ssyncadd.s32 @!p0 s1  }
0x68: {  	[bflag:$0x3] =	sbarrier.arrive $0xFFFF  }
0x69: {  	_ =	shalt  }

// kernel: sparse-core-data-format-call.cloned.1.call-start
scs
called_computation_lowered:
.L_overlay_start_0:
0x0: {  	s2 =	sld [smem:$0x3FD9]  }
0x1: {  	s3 =	sld [smem:$0x3FFE];
	_ =	sdelay $0x1  }
0x2: {  	s1 =	srdreg.scid  }
0x3: {  	s0 =	sand.u32 $0x1, s1  }
0x4: {  	s18 =	sshll.u32 s0, $0xA;
	s2 =	sadd.s32 s3, s2  }
0x5: {  	s2 =	sadd.s32 s2, s18  }
0x6: {  	[smem:$0x3FC6] =	sst s2  }
0x7: {  	_ = 	snop  }
0x8: {  	s2 =	sld [smem:$0x3FD0];
	(tm) =	ssettm $0x1  }
0x9: {  	s19 =	sld [smem:$0x3FFB];
	_ =	sdelay $0x3  }
0xa: {  	_ =	strace s19  }
0xb: {  	s3 =	sld [smem:$0x3FFC];
	_ =	sdelay $0x3  }
0xc: {  	_ =	strace s3  }
0xd: {  	s3 =	sld [smem:$0x3FFD];
	_ =	sdelay $0x3  }
0xe: {  	_ =	strace s3  }
0xf: {  	_ =	strace $0x8FFFFFFF  }
0x10: {  	s20 =	sld [smem:$0x3FDB];
	_ =	sdelay $0x1  }
0x11: {  	s4 =	simm.s32 $_scs_section_size  }
0x12: {  	s5 =	simm.s32 $_size__tile_overlayer_lowered;
	s6 =	simm.s32 $_tile_overlayer_lowered  }
0x13: {  	s23 =	simm.s32 $0x1BFF;
	s22 =	sshll.u32 s6, $0x1;
	s3 =	sadd.s32 s4, s20  }
0x14: {  	s7 =	simm.s32 $0x0;
	s21 =	sshll.u32 s5, $0x1;
	s5 =	sadd.s32 s22, s3  }
0x15: {  	[timem:s7], [sflag:s23] =	dma.local [hbm:s5], s21  }
0x16: {  	_ =	swait.ge [sflag:s23], s21  }
0x17: {  	s4 =	ssub.s32 $0x0, s21;
	[sflag:s23] =	ssyncset.done $0x0  }
0x18: {  	[sflag:s23] =	ssyncadd.s32 s4;
	_ =	sdelay $0x1  }
0x19: {  	s24 =	simm.s32 $0x1B8B  }
0x1a: {  	_ =	swait.ge [sflag:s24], $0x1  }
0x1b: {  	[sflag:s24] =	ssyncset.done $0x0  }
0x1c: {  	s26 =	simm.s32 $0x1B8E;
	s25 =	sld [smem:$0x3FFE];
	[sflag:s24] =	ssyncadd.s32 $0xFFFFFFFF  }
0x1d: {  	s27 =	simm.s32 $execute0_lowered;
	[smem:$0x3FD2] =	sst s26  }
0x1e: {  	s5 =	sshll.u32 s27, $0x1;
	_ =	strace $0x8000004C;
	[dreg:$0x1] =	wrdreg $0xFFFFFFFF  }
0x1f: {  	s28 =	simm.s32 $_size_execute0_lowered;
	s3 =	sadd.s32 s3, s5;
	[dreg:$0x0] =	wrdreg $0x0  }
0x20: {  	s5 =	sshll.u32 s28, $0x1;
	[dreg:$0x2] =	wrdreg s3  }
0x21: {  	[dreg:$0x3] =	wrdreg s5  }
0x22: {  	[dreg:$0x4] =	wrdreg $0xC0  }
0x23: {  	_ =	task [dreg:s7], $0x5FFFF  }
0x24: {  	[dreg:$0x1] =	wrdreg $0xFFFFFFFF  }
0x25: {  	[dreg:$0x0] =	wrdreg $0x60  }
0x26: {  	[dreg:$0x2] =	wrdreg s25  }
0x27: {  	[dreg:$0x3] =	wrdreg s2  }
0x28: {  	[dreg:$0x4] =	wrdreg $0x9  }
0x29: {  	_ =	task.clear_ibuf [dreg:s7], $0x5FFFF;
	_ =	strace $0x9000004C  }
0x2a: {  	s29 =	simm.s32 $0x9;
	_ =	strace $0x8000004E  }
0x2b: {  	_ =	swait.ge [sflag:s29], $0x1  }
0x2c: {  	[sflag:s29] =	ssyncadd.s32 $0xFFFFFFFF  }
0x2d: {  	_ =	strace $0x9000004E  }
0x2e: {  	_ =	sfence  }
0x2f: {  	s30 =	sld [smem:$0x0];
	_ =	sdelay $0x2  }
0x30: {  	s31 =	sshll.u32 s1, $0xD;
	s1 =	sshrl.u32 s1, $0x2  }
0x31: {  	s3 =	sand.u32 $0x4000, s31;
	s1 =	sadd.s32 s1, s30  }
0x32: {  	s0 =	sor.u32 s3, s0;
	s1 =	sshll.u32 s1, $0x11  }
0x33: {  	s0 =	sor.u32 s1, s0  }
0x34: {  	s0 =	sadd.s32 $0x8F2B, s0  }
0x35: {  	[sflag:s0] =	ssyncadd.remote.s32 $0x1  }
0x36: {  	_ =	sfence.sel $0xFFFF  }
0x37: {  	[dreg:$0x0] =	wrdreg $0xFFFFFFFF;
	(pc) =	sbr.abs _section_cstart, $3  }
0x38: {  	[dreg:$0x1] =	wrdreg $0xFFFFFFFF  }
0x39: {  	_ =	task.clear_ibuf [dreg:s7], $0x2FFFF;
	_ =	strace $0x9FFFFFFF  }
0x3a: {  	(tm) =	ssettm $0x7FFFFFFF  }
0x3b: {  	_ =	shalt  }
tec
execute0_lowered:
.L_overlay_start_1:
0x0: {  	(tag) =	ssettag $0x1  }
0x1: {  	s0 =	srdreg.scid  }
0x2: {  	s1 =	sshll.u32 s0, $0x4  }
0x3: {  	s0 =	stileid.u32;
	s1 =	sand.u32 $0x10, s1  }
0x4: {  	s1 =	sor.u32 s0, s1  }
0x5: {  	s6 =	rddreg [dreg:$0x0];
	s4 =	simm.s32 $0x1;
	s2 =	sshll.u32 s1, $0x7  }
0x6: {  	s7 =	simm.s32 $0x2;
	s12 =	simm.s32 $0x0;
	s1 =	ssub.s32 $0x4000, s2  }
0x7: {  	s8 =	simm.s32 $0x20000;
	s13 =	simm.s32 $0x0;
	s3 =	sand.u32 $0xF80, s1  }
0x8: {  	s9 =	simm.s32 $0x0;
	s5 =	sshrl.u32 s1, $0xC;
	p0 =	sne.s32 s3, $0x0  }
.Ltmp0:
0x9: {  	s1 =	rddreg [dreg:$0x2];
	s4 =	simm.s32 @!p0 $0x0;
	(pc) =	sbr.rel .LBB1_1-.Ltmp0, $4  }
0xa: {  	s11 =	simm.s32 $0x0;
	s3 =	rddreg [dreg:$0x1];
	s5 =	sadd.s32 s4, s5  }
0xb: {  	_ =	strace $0x8000004D;
	s4 =	simm.s32 $0x1;
	s5 =	smul.u32 $0x32, s5  }
0xc: {  	s6 =	sadd.s32 $0xE00, s6;
	s10 =	smov.u32 s2;
	[sflag:s4] =	ssyncpa.u1 $0x0  }
0xd: {  	p0 =	por $0x0, $0x0;
	[sflag:s7] =	ssyncpa.u1 $0x0;
	s7 =	sor.u32 $0x1, s5  }
.LBB1_4:
0xe: {  	s16 =	sshll.u32 s13, $0x3;
	s17 =	sand.u32 $0x78, s13  }
0xf: {  	s30 =	sand.u32 $0x1F800, s13;
	s12 =	sshll.u32 s12, $0x11;
	s16 =	sand.u32 $0x3C00, s16  }
0x10: {  	[tilespmem:s15+$0x810 ss:$0x81] =	vst.msk $0xffff, v2;
	s31 =	sand.u32 $0x7, s13;
	s16 =	sor.u32 s17, s16;
	s17 =	sadd.s32 s3, s30  }
0x11: {  	[tilespmem:s15+$0x1020 ss:$0x81] =	vst.msk $0xffff, v0;
	s13 =	sshll.u32 s31, $0x12;
	s12 =	sadd.s32 s12, s17;
	s16 =	sshrl.u32 s16, $0x3  }
0x12: {  	[tilespmem:s15+$0x0 ss:$0x81] =	vst.msk $0xffff, v1;
	s13 =	sor.u32 $0x400, s13;
	s12 =	sadd.s32 s16, s12  }
0x13: {  	[hbm4b:s12+s13] =	stream.strided.scatter [tilespmem:s14], [sflag:$0x2], $0x2000, s8, s13, $0x20;
	[tilespmem:$0x8080] =	vst v63  }
.LBB1_5:
0x14: {  	s14 =	sadd.s32 $0x1, s9  }
0x15: {  	s12 =	sadd.s32 $0x1000, s10;
	s16 =	smov.u32 s10;
	p2 =	sgt.s32 s14, $0x31  }
0x16: {  	s16 =	smov.u32 @p2 s12  }
0x17: {  	s14 =	simm.s32 @p2 $0x0;
	p2 =	sgt.s32 s16, $0x3FFF  }
0x18: {  	s16 =	smov.u32 @p2 s2;
	p2 =	sne.s32 s11, s7  }
.Ltmp1:
0x19: {  	p1 =	slt.u32 s11, $0x2;
	(pc) =	sbr.rel @!p2 .LBB1_6-.Ltmp1, $4  }
0x1a: {  	s15 =	simm.s32 @!p1 $0x2  }
0x1b: {  	s13 =	smov.u32 s10;
	p0 =	por !p0, !p0;
	_ =	swait.ge @!p1 [sflag:s15], $0x2000  }
0x1c: {  	s12 =	smov.u32 s9;
	[sflag:s15] =	ssyncset.done @!p1 $0x0;
	s9 =	smov.u32 s14  }
0x1d: {  	s11 =	sadd.s32 $0x1, s11;
	[sflag:s15] =	ssyncadd.s32 @!p1 $0xFFFFE000;
	s10 =	smov.u32 s16  }
.LBB1_1:
0x1e: {  	p1 =	sge.u32 s11, s5  }
0x1f: {  	s14 =	sand.u32 @!p1 $0x1FFFFFF, s9  }
0x20: {  	s15 =	smulhi.u32 @!p1 $0x4924925, s14;
	_ =	sdelay $0x1  }
0x21: {  	s15 =	smul.u32 @!p1 $0x38, s15  }
0x22: {  	s16 =	sxor.u32 @!p1 $0xFFFFFFFF, s11;
	s17 =	smul.u32 @!p1 $0x380, s10  }
0x23: {  	s31 =	sadd.s32 $0xFFFFFFFF, s11;
	s16 =	sshll.u32 @!p1 s16, $0xD;
	s14 =	ssub.s32 @!p1 s14, s15  }
0x24: {  	s15 =	sand.u32 @!p1 $0x2000, s16;
	s16 =	sadd.s32 @!p1 s6, s17;
	s14 =	sshll.u32 @!p1 s14, $0x4  }
0x25: {  	s17 =	simm.s32 @!p1 $0x1C00;
	s14 =	sadd.s32 @!p1 s14, s16;
	s16 =	simm.s32 @!p1 $0x40  }
0x26: {  	[tilespmem:s15], [sflag:$0x1] =	stream.strided.gather @!p1 [hbm4b:s14+s16], $0x2000, s17, s16, $0x38;
	[tilespmem:$0x8080] =	vst v63  }
0x27: {  	p1 =	sge.u32 s31, s5  }
.Ltmp2:
0x28: {  	_ = 	snop;
	(pc) =	sbr.rel @p1 .LBB1_5-.Ltmp2, $1  }
0x29: {  	_ =	sdelay $0x3  }
0x2a: {  	s14 =	simm.s32 $0x1  }
0x2b: {  	_ =	swait.ge [sflag:s4], $0x2000;
	s14 =	simm.s32 @!p0 $0x0  }
0x2c: {  	[sflag:s4] =	ssyncset.done $0x0;
	s15 =	sshll.u32 s14, $0xD  }
0x2d: {  	[sflag:s4] =	ssyncadd.s32 $0xFFFFE000;
	s18 =	sor.u32 $0x20, s15  }
0x2e: {  	s14 =	smul.u32 $0x8100, s14;
	v3 =	vld [tilespmem:s18+$0x10]  }
0x2f: {  	s30 =	sand.u32 $0x1, s11;
	v2 =	vld [tilespmem:s18+$0xFFFFFFF0]  }
0x30: {  	s15 =	smul.u32 $0x8100, s30;
	s14 =	sshrl.u32 s14, $0x2;
	v0 =	vld [tilespmem:s18+$0x0]  }
0x31: {  	v1 =	vld [tilespmem:s18+$0xFFFFFFE0];
	s16 =	sor.u32 $0x4000, s14  }
0x32: {  	s31 =	sshrl.u32 s15, $0x2;
	s15 =	sadd.s32 $0x0, s16  }
0x33: {  	s17 =	simm.s32 $0x4;
	s18 =	sadd.s32 $0x40, s18;
	s14 =	sor.u32 $0x4000, s31;
	[tilespmem:s15+$0x1830 ss:$0x81] =	vst.msk $0xffff, v3  }
.LBB1_3:
0x34: {  	v3 =	vld [tilespmem:s18+$0x10];
	p1 =	sne.s32 s17, $0x1FC;
	[tilespmem:s15+$0x810 ss:$0x81] =	vst.msk $0xffff, v2;
	s19 =	smov.u32 s17;
	s17 =	sadd.s32 $0x4, s17  }
.Ltmp3:
0x35: {  	v2 =	vld [tilespmem:s18+$0xFFFFFFF0];
	[tilespmem:s15+$0x1020 ss:$0x81] =	vst.msk $0xffff, v0;
	(pc) =	sbr.rel @p1 .LBB1_3-.Ltmp3, $4  }
0x36: {  	v0 =	vld [tilespmem:s18+$0x0];
	[tilespmem:s15+$0x0 ss:$0x81] =	vst.msk $0xffff, v1  }
0x37: {  	s15 =	sshra.s32 s19, $0x2;
	v1 =	vld [tilespmem:s18+$0xFFFFFFE0]  }
0x38: {  	s15 =	sadd.s32 s15, s16  }
0x39: {  	s18 =	sadd.s32 $0x40, s18;
	[tilespmem:s15+$0x1830 ss:$0x81] =	vst.msk $0xffff, v3  }
.Ltmp4:
0x3a: {  	_ = 	snop;
	(pc) =	sbr.rel .LBB1_4-.Ltmp4, $1  }
0x3b: {  	_ =	sdelay $0x3  }
.LBB1_6:
0x3c: {  	_ =	sfence.sel $0x180000  }
0x3d: {  	s2 =	simm.s32 $0x1;
	[bflag:$0x0] =	sbarrier.arrive $0xFFFF  }
0x3e: {  	s31 =	simm.s32 $0x2;
	[sflag:s2] =	ssyncpa.u1 $0x1  }
0x3f: {  	[sflag:s31] =	ssyncpa.u1 $0x1  }
0x40: {  	p0 =	sne.s32 s0, $0x0;
	_ =	strace $0x9000004D  }
0x41: {  	s0 =	sadd.s32 @!p0 $0x100000, s1;
	[bflag:$0x2] =	sbarrier.arrive $0xFFFF  }
0x42: {  	[sflag:s0] =	ssyncadd.tile.s32 @!p0 $0x1;
	_ =	shalt  }
.Lfunc_end1:
_tile_overlayer_lowered:
.L_overlay_start_2:
0x43: {  	(tag) =	ssettag $0x2  }
0x44: {  	s0 =	rddreg [dreg:$0x0];
	s2 =	stileid.u32  }
0x45: {  	s1 =	rddreg [dreg:$0x1];
	p0 =	sne.s32 s2, $0x0  }
0x46: {  	s3 =	rddreg [dreg:$0x2];
	[bflag:$0x3] =	sbarrier.arrive $0xFFFF;
	s2 =	simm.s32 @!p0 $0x1C01  }
0x47: {  	[timem:s3], [sflag:s2] =	dma.local @!p0 [hbm:s0], s1  }
0x48: {  	s0 =	simm.s32 @!p0 $0x1  }
0x49: {  	_ =	swait.ge @!p0 [sflag:s0], s1  }
0x4a: {  	s1 =	ssub.s32 @!p0 $0x0, s1;
	[sflag:s0] =	ssyncset.done @!p0 $0x0  }
0x4b: {  	[sflag:s0] =	ssyncadd.s32 @!p0 s1  }
0x4c: {  	[bflag:$0x3] =	sbarrier.arrive $0xFFFF  }
0x4d: {  	_ =	shalt  }

</sc_bundles>
